<compile_context>
chip_gen: v7x
topology: tpu7x:2x2x1
jax: 0.10.2.dev20260603
libtpu: 0.0.44.dev20260713+nightly
codegen_flags: <defaults>
</compile_context>

<pallas_src>
import functools

import jax
import jax.numpy as jnp
from jax import lax
from jax.experimental import pallas as pl
from jax.experimental.pallas import tpu as pltpu, tpu_sc as plsc

N_NODES = 10000
N_EDGES = 320000
H = 128
STEPS = 3
NUM_GRAPHS = 64

NC, NS = 2, 16
NW = NC * NS
CH = 128
NCH = 79
EPT = NCH * CH
E_PAD = NW * EPT
ACC_ROWS = 10112
ROWS_PT = ACC_ROWS // NS


def _seg_sum_sc(m, src3, dst3, zrows):
    mesh = plsc.VectorSubcoreMesh(
        core_axis_name="c", subcore_axis_name="s", num_cores=NC, num_subcores=NS
    )

    @functools.partial(
        pl.kernel,
        out_type=jax.ShapeDtypeStruct((NC, ACC_ROWS, H), jnp.float32),
        mesh=mesh,
        scratch_types=[
            pltpu.VMEM((NCH, CH), jnp.int32),
            pltpu.VMEM((NCH, CH), jnp.int32),
            pltpu.VMEM((CH, H), jnp.float32),
            pltpu.VMEM_SHARED((ACC_ROWS, H), jnp.float32),
            pltpu.SemaphoreType.DMA,
        ],
    )
    def k(m_hbm, src_hbm, dst_hbm, z_hbm, out_hbm, src_v, dst_v, rows_v, acc, sem):
        c = lax.axis_index("c")
        s = lax.axis_index("s")
        wid = c * NS + s
        pltpu.sync_copy(
            z_hbm.at[pl.ds(s * ROWS_PT, ROWS_PT)],
            acc.at[pl.ds(s * ROWS_PT, ROWS_PT)],
        )
        pltpu.sync_copy(src_hbm.at[wid], src_v)
        pltpu.sync_copy(dst_hbm.at[wid], dst_v)
        plsc.subcore_barrier()

        def body(g, carry):
            pltpu.async_copy(m_hbm.at[src_v.at[g]], rows_v, sem).wait()
            pltpu.sync_copy(rows_v, acc.at[dst_v.at[g]], add=True)
            return carry

        lax.fori_loop(0, NCH, body, 0)
        plsc.subcore_barrier()
        pltpu.sync_copy(
            acc.at[pl.ds(s * ROWS_PT, ROWS_PT)],
            out_hbm.at[c].at[pl.ds(s * ROWS_PT, ROWS_PT)],
        )

    return k(m, src3, dst3, zrows)


RB = 1000
NRB = N_NODES // RB


def _proj_body(x_ref, wt_ref, w0_ref, h_ref, m_ref):
    h = jnp.tanh(jnp.dot(x_ref[...], wt_ref[...], preferred_element_type=jnp.float32))
    h_ref[...] = h
    m_ref[...] = jnp.dot(h, w0_ref[...], preferred_element_type=jnp.float32)


def _proj_m(x, w_in, w0):
    return pl.pallas_call(
        _proj_body,
        grid=(NRB,),
        in_specs=[
            pl.BlockSpec((RB, H), lambda i: (i, 0)),
            pl.BlockSpec((H, H), lambda i: (0, 0)),
            pl.BlockSpec((H, H), lambda i: (0, 0)),
        ],
        out_specs=[
            pl.BlockSpec((RB, H), lambda i: (i, 0)),
            pl.BlockSpec((RB, H), lambda i: (i, 0)),
        ],
        out_shape=[
            jax.ShapeDtypeStruct((N_NODES, H), jnp.float32),
            jax.ShapeDtypeStruct((N_NODES, H), jnp.float32),
        ],
    )(x, w_in.T, w0)


def _gru_body(p_ref, h_ref, wih_ref, whh_ref, bih_ref, bhh_ref, wn_ref,
              hn_ref, mn_ref):
    agg = p_ref[0] + p_ref[1]
    h = h_ref[...]
    gi = jnp.dot(agg, wih_ref[...], preferred_element_type=jnp.float32) + bih_ref[0:1, :]
    gh = jnp.dot(h, whh_ref[...], preferred_element_type=jnp.float32) + bhh_ref[0:1, :]
    r = jax.nn.sigmoid(gi[:, 0:H] + gh[:, 0:H])
    z = jax.nn.sigmoid(gi[:, H:2 * H] + gh[:, H:2 * H])
    n = jnp.tanh(gi[:, 2 * H:3 * H] + r * gh[:, 2 * H:3 * H])
    hn = (1.0 - z) * n + z * h
    hn_ref[...] = hn
    mn_ref[...] = jnp.dot(hn, wn_ref[...], preferred_element_type=jnp.float32)


def _gru_step(p, h, wih_t, whh_t, bih8, bhh8, w_next):
    return pl.pallas_call(
        _gru_body,
        grid=(NRB,),
        in_specs=[
            pl.BlockSpec((NC, RB, H), lambda i: (0, i, 0)),
            pl.BlockSpec((RB, H), lambda i: (i, 0)),
            pl.BlockSpec((H, 3 * H), lambda i: (0, 0)),
            pl.BlockSpec((H, 3 * H), lambda i: (0, 0)),
            pl.BlockSpec((8, 3 * H), lambda i: (0, 0)),
            pl.BlockSpec((8, 3 * H), lambda i: (0, 0)),
            pl.BlockSpec((H, H), lambda i: (0, 0)),
        ],
        out_specs=[
            pl.BlockSpec((RB, H), lambda i: (i, 0)),
            pl.BlockSpec((RB, H), lambda i: (i, 0)),
        ],
        out_shape=[
            jax.ShapeDtypeStruct((N_NODES, H), jnp.float32),
            jax.ShapeDtypeStruct((N_NODES, H), jnp.float32),
        ],
    )(p, h, wih_t, whh_t, bih8, bhh8, w_next)


def _readout_body(ax_ref, vx_ref, oh_ref, pwa_ref, pwv_ref, out_ref):
    oh = oh_ref[...]
    cnt = jnp.sum(oh, axis=1)
    inv = 1.0 / jnp.maximum(cnt, 1.0)
    ap = jax.nn.relu(jnp.dot(oh, ax_ref[...], preferred_element_type=jnp.float32) * inv[:, None])
    vp = jax.nn.relu(jnp.dot(oh, vx_ref[...], preferred_element_type=jnp.float32) * inv[:, None])
    out_ref[...] = (jnp.dot(ap, pwa_ref[...], preferred_element_type=jnp.float32)
                    + jnp.dot(vp, pwv_ref[...], preferred_element_type=jnp.float32))


def _readout(ax, vx, oh, pwa_pad, pwv_pad):
    return pl.pallas_call(
        _readout_body,
        out_shape=jax.ShapeDtypeStruct((NUM_GRAPHS, H), jnp.float32),
    )(ax, vx, oh, pwa_pad, pwv_pad)


def _prep_edges(edge_index):
    src = edge_index[0]
    dst = edge_index[1]
    pad = E_PAD - N_EDGES
    pr = jnp.arange(pad, dtype=jnp.int32)
    src = jnp.concatenate([src, pr % N_NODES])
    dst = jnp.concatenate([dst, N_NODES + pr % (ACC_ROWS - N_NODES)])
    return src.reshape(NW, NCH, CH), dst.reshape(NW, NCH, CH)


def kernel(atom_x, voro_x, atom_edge_index, voro_edge_index, batch,
           atom_in_W, voro_in_W,
           atom_weight, atom_w_ih, atom_w_hh, atom_b_ih, atom_b_hh,
           voro_weight, voro_w_ih, voro_w_hh, voro_b_ih, voro_b_hh,
           pred_W, pred_b):
    a_src, a_dst = _prep_edges(atom_edge_index)
    v_src, v_dst = _prep_edges(voro_edge_index)
    zrows = jnp.zeros((ACC_ROWS, H), jnp.float32)

    a_wih_t = atom_w_ih.T
    a_whh_t = atom_w_hh.T
    v_wih_t = voro_w_ih.T
    v_whh_t = voro_w_hh.T
    a_bih8 = jnp.broadcast_to(atom_b_ih[None, :], (8, 3 * H))
    a_bhh8 = jnp.broadcast_to(atom_b_hh[None, :], (8, 3 * H))
    v_bih8 = jnp.broadcast_to(voro_b_ih[None, :], (8, 3 * H))
    v_bhh8 = jnp.broadcast_to(voro_b_hh[None, :], (8, 3 * H))

    ah, am = _proj_m(atom_x, atom_in_W, atom_weight[0])
    vh, vm = _proj_m(voro_x, voro_in_W, voro_weight[0])

    for i in range(STEPS):
        wa_next = atom_weight[(i + 1) % STEPS]
        wv_next = voro_weight[(i + 1) % STEPS]
        ap = _seg_sum_sc(am, a_src, a_dst, zrows)
        vp = _seg_sum_sc(vm, v_src, v_dst, zrows)
        ah, am = _gru_step(ap, ah, a_wih_t, a_whh_t, a_bih8, a_bhh8, wa_next)
        vh, vm = _gru_step(vp, vh, v_wih_t, v_whh_t, v_bih8, v_bhh8, wv_next)

    oh = (batch[None, :] == jnp.arange(NUM_GRAPHS, dtype=jnp.int32)[:, None]).astype(jnp.float32)
    pwa_pad = jnp.zeros((H, H), jnp.float32).at[:, 0].set(pred_W[0, :H])
    pwv_pad = jnp.zeros((H, H), jnp.float32).at[:, 0].set(pred_W[0, H:])
    ro = _readout(ah, vh, oh, pwa_pad, pwv_pad)
    return ro[:, 0] + pred_b[0]

# --- scband reference (transcript-rebuilt; emitter-appended) ---
"""Pipeline reference for scband-vspn-6339371729327 (READ-ONLY COPY).

The authoritative reference and input builder live on the scoring server;
editing this copy changes nothing except your own understanding.
"""

import jax, jax.numpy as jnp
import numpy as np

N_NODES = 10000
N_EDGES = 320000
D_FEAT = 128
H = 128
STEPS = 3
NUM_GRAPHS = 64


def setup_inputs(seed: int = 0):
    key = jax.random.key(seed)
    ks = jax.random.split(key, 24)
    inp = {}
    inp["atom_x"] = jax.random.normal(ks[0], (N_NODES, D_FEAT), dtype=jnp.float32)
    inp["voro_x"] = jax.random.normal(ks[1], (N_NODES, D_FEAT), dtype=jnp.float32)
    inp["atom_edge_index"] = jax.random.randint(ks[2], (2, N_EDGES), 0, N_NODES, dtype=jnp.int32)
    inp["voro_edge_index"] = jax.random.randint(ks[3], (2, N_EDGES), 0, N_NODES, dtype=jnp.int32)
    inp["batch"] = jnp.sort(jax.random.randint(ks[4], (N_NODES,), 0, NUM_GRAPHS, dtype=jnp.int32))

    def p(k, shape):
        return jax.random.normal(k, shape, dtype=jnp.float32) * 0.1

    inp["atom_in_W"] = p(ks[5], (H, D_FEAT))
    inp["voro_in_W"] = p(ks[6], (H, D_FEAT))
    inp["atom_weight"] = p(ks[7], (STEPS, H, H))
    inp["atom_w_ih"] = p(ks[8], (3 * H, H))
    inp["atom_w_hh"] = p(ks[9], (3 * H, H))
    inp["atom_b_ih"] = p(ks[10], (3 * H,))
    inp["atom_b_hh"] = p(ks[11], (3 * H,))
    inp["voro_weight"] = p(ks[12], (STEPS, H, H))
    inp["voro_w_ih"] = p(ks[13], (3 * H, H))
    inp["voro_w_hh"] = p(ks[14], (3 * H, H))
    inp["voro_b_ih"] = p(ks[15], (3 * H,))
    inp["voro_b_hh"] = p(ks[16], (3 * H,))
    inp["pred_W"] = p(ks[17], (1, 2 * H))
    inp["pred_b"] = p(ks[18], (1,))
    return inp


def _gru(x, h, w_ih, w_hh, b_ih, b_hh):
    gi = x @ w_ih.T + b_ih
    gh = h @ w_hh.T + b_hh
    i_r, i_z, i_n = jnp.split(gi, 3, axis=1)
    h_r, h_z, h_n = jnp.split(gh, 3, axis=1)
    r = jax.nn.sigmoid(i_r + h_r)
    z = jax.nn.sigmoid(i_z + h_z)
    n = jnp.tanh(i_n + r * h_n)
    return (1.0 - z) * n + z * h


def _gated_graph_conv(x, edge_index, weight, w_ih, w_hh, b_ih, b_hh):
    # PyG GatedGraphConv with aggr='add'; in_channels == out_channels so no padding needed
    src = edge_index[0]
    dst = edge_index[1]
    h = x
    for i in range(weight.shape[0]):
        m = h @ weight[i]
        agg = jax.ops.segment_sum(m[src], dst, num_segments=h.shape[0])
        h = _gru(agg, h, w_ih, w_hh, b_ih, b_hh)
    return h


def _global_mean_pool(x, batch, num_graphs):
    sums = jax.ops.segment_sum(x, batch, num_segments=num_graphs)
    cnt = jax.ops.segment_sum(jnp.ones((x.shape[0],), x.dtype), batch, num_segments=num_graphs)
    return sums / jnp.maximum(cnt, 1.0)[:, None]


def reference(atom_x, voro_x, atom_edge_index, voro_edge_index, batch,
              atom_in_W, voro_in_W,
              atom_weight, atom_w_ih, atom_w_hh, atom_b_ih, atom_b_hh,
              voro_weight, voro_w_ih, voro_w_hh, voro_b_ih, voro_b_hh,
              pred_W, pred_b):
    ax = jnp.tanh(atom_x @ atom_in_W.T)
    vx = jnp.tanh(voro_x @ voro_in_W.T)
    ax = _gated_graph_conv(ax, atom_edge_index, atom_weight, atom_w_ih, atom_w_hh, atom_b_ih, atom_b_hh)
    vx = _gated_graph_conv(vx, voro_edge_index, voro_weight, voro_w_ih, voro_w_hh, voro_b_ih, voro_b_hh)
    ap = jax.nn.relu(_global_mean_pool(ax, batch, NUM_GRAPHS))
    vp = jax.nn.relu(_global_mean_pool(vx, batch, NUM_GRAPHS))
    cat = jnp.concatenate([ap, vp], axis=1)
    out = cat @ pred_W.T + pred_b
    return out[:, 0]

if __name__ == "__main__":
    import jax
    _d = setup_inputs()
    print(jax.jit(kernel)(*tuple(_d.values())))

</pallas_src>

<mosaic_0001>
#map = affine_map<(d0, d1) -> (0, 0)>
#map1 = affine_map<(d0, d1) -> (0, 0, 0)>
module attributes {stable_mosaic.version = 14 : i64} {
  func.func @k(%arg0: i32, %arg1: i32, %arg2: memref<10000x128xf32, #tpu.memory_space<hbm>>, %arg3: memref<32x79x128xi32, #tpu.memory_space<hbm>>, %arg4: memref<32x79x128xi32, #tpu.memory_space<hbm>>, %arg5: memref<10112x128xf32, #tpu.memory_space<hbm>>, %arg6: memref<2x10112x128xf32, #tpu.memory_space<hbm>>, %arg7: memref<79x128xi32, #tpu.memory_space<vmem>>, %arg8: memref<79x128xi32, #tpu.memory_space<vmem>>, %arg9: memref<128x128xf32, #tpu.memory_space<vmem>>, %arg10: memref<10112x128xf32, #tpu.memory_space<vmem_shared>>, %arg11: memref<!tpu.dma_semaphore, #tpu.memory_space<semaphore_mem>>) attributes {dimension_semantics = [#tpu.dimension_semantics<core_parallel>, #tpu.dimension_semantics<subcore_parallel>], iteration_bounds = array<i64: 2, 16>, scalar_prefetch = 0 : i64, scratch_operands = 5 : i64, tpu.core_type = #tpu.core_type<sc_vector_subcore>, window_params = [{transform_indices = #map}, {transform_indices = #map1}, {transform_indices = #map1}, {transform_indices = #map}, {transform_indices = #map1}]} {
    %mul3A = arith.constant 16 : i32
    %mul3A_0 = arith.muli %arg0, %mul3A : i32
    %add3A = arith.addi %mul3A_0, %arg1 : i32
    %mul3A_1 = arith.constant 632 : i32
    %mul3A_2 = arith.muli %arg1, %mul3A_1 : i32
    %mul3A_3 = arith.constant 632 : i32
    %mul3A_4 = arith.muli %arg1, %mul3A_3 : i32
    "tpu.region"() ({
      %run_scoped3A = tpu.sem_alloc : memref<!tpu.dma_semaphore, #tpu.memory_space<semaphore_mem>>
      %dma_start3A = arith.constant 0 : i32
      %dma_start3A_15 = tpu.memref_slice %arg10[%mul3A_4, %dma_start3A] : memref<10112x128xf32, #tpu.memory_space<vmem_shared>> -> memref<632x128xf32, #tpu.memory_space<vmem_shared>>
      %dma_start3A_16 = arith.constant 0 : i32
      %dma_start3A_17 = tpu.memref_slice %arg5[%mul3A_2, %dma_start3A_16] : memref<10112x128xf32, #tpu.memory_space<hbm>> -> memref<632x128xf32, #tpu.memory_space<hbm>>
      tpu.enqueue_dma source(%dma_start3A_17 : memref<632x128xf32, #tpu.memory_space<hbm>>) target(%dma_start3A_15 : memref<632x128xf32, #tpu.memory_space<vmem_shared>>) target_semaphore(%run_scoped3A : memref<!tpu.dma_semaphore, #tpu.memory_space<semaphore_mem>>)
      %dma_wait3A = arith.constant 0 : i32
      %dma_wait3A_18 = tpu.memref_slice %arg10[%mul3A_4, %dma_wait3A] : memref<10112x128xf32, #tpu.memory_space<vmem_shared>> -> memref<632x128xf32, #tpu.memory_space<vmem_shared>>
      %dma_wait3A_19 = arith.constant 0 : i32
      %dma_wait3A_20 = tpu.memref_slice %arg5[%mul3A_2, %dma_wait3A_19] : memref<10112x128xf32, #tpu.memory_space<hbm>> -> memref<632x128xf32, #tpu.memory_space<hbm>>
      tpu.wait_dma2 semaphore(%run_scoped3A : memref<!tpu.dma_semaphore, #tpu.memory_space<semaphore_mem>>) src(%dma_wait3A_20 : memref<632x128xf32, #tpu.memory_space<hbm>>) dst(%dma_wait3A_18 : memref<632x128xf32, #tpu.memory_space<vmem_shared>>)
      tpu.yield
    }) : () -> ()
    "tpu.region"() ({
      %run_scoped3A = tpu.sem_alloc : memref<!tpu.dma_semaphore, #tpu.memory_space<semaphore_mem>>
      %dma_start3A = arith.constant 0 : i32
      %dma_start3A_15 = arith.constant 0 : i32
      %dma_start3A_16 = tpu.memref_slice %arg3[%add3A, %dma_start3A, %dma_start3A_15] : memref<32x79x128xi32, #tpu.memory_space<hbm>> -> memref<1x79x128xi32, #tpu.memory_space<hbm>>
      %dma_start3A_17 = tpu.memref_squeeze %dma_start3A_16 : memref<1x79x128xi32, #tpu.memory_space<hbm>> -> memref<79x128xi32, #tpu.memory_space<hbm>>
      %dma_start3A_18 = arith.constant 0 : i32
      %dma_start3A_19 = arith.constant 0 : i32
      %dma_start3A_20 = tpu.memref_slice %arg3[%add3A, %dma_start3A_18, %dma_start3A_19] : memref<32x79x128xi32, #tpu.memory_space<hbm>> -> memref<1x79x128xi32, #tpu.memory_space<hbm>>
      %dma_start3A_21 = tpu.memref_squeeze %dma_start3A_20 : memref<1x79x128xi32, #tpu.memory_space<hbm>> -> memref<79x128xi32, #tpu.memory_space<hbm>>
      tpu.enqueue_dma source(%dma_start3A_21 : memref<79x128xi32, #tpu.memory_space<hbm>>) target(%arg7 : memref<79x128xi32, #tpu.memory_space<vmem>>) target_semaphore(%run_scoped3A : memref<!tpu.dma_semaphore, #tpu.memory_space<semaphore_mem>>)
      %dma_wait3A = arith.constant 0 : i32
      %dma_wait3A_22 = arith.constant 0 : i32
      %dma_wait3A_23 = tpu.memref_slice %arg3[%add3A, %dma_wait3A, %dma_wait3A_22] : memref<32x79x128xi32, #tpu.memory_space<hbm>> -> memref<1x79x128xi32, #tpu.memory_space<hbm>>
      %dma_wait3A_24 = tpu.memref_squeeze %dma_wait3A_23 : memref<1x79x128xi32, #tpu.memory_space<hbm>> -> memref<79x128xi32, #tpu.memory_space<hbm>>
      %dma_wait3A_25 = arith.constant 0 : i32
      %dma_wait3A_26 = arith.constant 0 : i32
      %dma_wait3A_27 = tpu.memref_slice %arg3[%add3A, %dma_wait3A_25, %dma_wait3A_26] : memref<32x79x128xi32, #tpu.memory_space<hbm>> -> memref<1x79x128xi32, #tpu.memory_space<hbm>>
      %dma_wait3A_28 = tpu.memref_squeeze %dma_wait3A_27 : memref<1x79x128xi32, #tpu.memory_space<hbm>> -> memref<79x128xi32, #tpu.memory_space<hbm>>
      tpu.wait_dma2 semaphore(%run_scoped3A : memref<!tpu.dma_semaphore, #tpu.memory_space<semaphore_mem>>) src(%dma_wait3A_28 : memref<79x128xi32, #tpu.memory_space<hbm>>) dst(%arg7 : memref<79x128xi32, #tpu.memory_space<vmem>>)
      tpu.yield
    }) : () -> ()
    "tpu.region"() ({
      %run_scoped3A = tpu.sem_alloc : memref<!tpu.dma_semaphore, #tpu.memory_space<semaphore_mem>>
      %dma_start3A = arith.constant 0 : i32
      %dma_start3A_15 = arith.constant 0 : i32
      %dma_start3A_16 = tpu.memref_slice %arg4[%add3A, %dma_start3A, %dma_start3A_15] : memref<32x79x128xi32, #tpu.memory_space<hbm>> -> memref<1x79x128xi32, #tpu.memory_space<hbm>>
      %dma_start3A_17 = tpu.memref_squeeze %dma_start3A_16 : memref<1x79x128xi32, #tpu.memory_space<hbm>> -> memref<79x128xi32, #tpu.memory_space<hbm>>
      %dma_start3A_18 = arith.constant 0 : i32
      %dma_start3A_19 = arith.constant 0 : i32
      %dma_start3A_20 = tpu.memref_slice %arg4[%add3A, %dma_start3A_18, %dma_start3A_19] : memref<32x79x128xi32, #tpu.memory_space<hbm>> -> memref<1x79x128xi32, #tpu.memory_space<hbm>>
      %dma_start3A_21 = tpu.memref_squeeze %dma_start3A_20 : memref<1x79x128xi32, #tpu.memory_space<hbm>> -> memref<79x128xi32, #tpu.memory_space<hbm>>
      tpu.enqueue_dma source(%dma_start3A_21 : memref<79x128xi32, #tpu.memory_space<hbm>>) target(%arg8 : memref<79x128xi32, #tpu.memory_space<vmem>>) target_semaphore(%run_scoped3A : memref<!tpu.dma_semaphore, #tpu.memory_space<semaphore_mem>>)
      %dma_wait3A = arith.constant 0 : i32
      %dma_wait3A_22 = arith.constant 0 : i32
      %dma_wait3A_23 = tpu.memref_slice %arg4[%add3A, %dma_wait3A, %dma_wait3A_22] : memref<32x79x128xi32, #tpu.memory_space<hbm>> -> memref<1x79x128xi32, #tpu.memory_space<hbm>>
      %dma_wait3A_24 = tpu.memref_squeeze %dma_wait3A_23 : memref<1x79x128xi32, #tpu.memory_space<hbm>> -> memref<79x128xi32, #tpu.memory_space<hbm>>
      %dma_wait3A_25 = arith.constant 0 : i32
      %dma_wait3A_26 = arith.constant 0 : i32
      %dma_wait3A_27 = tpu.memref_slice %arg4[%add3A, %dma_wait3A_25, %dma_wait3A_26] : memref<32x79x128xi32, #tpu.memory_space<hbm>> -> memref<1x79x128xi32, #tpu.memory_space<hbm>>
      %dma_wait3A_28 = tpu.memref_squeeze %dma_wait3A_27 : memref<1x79x128xi32, #tpu.memory_space<hbm>> -> memref<79x128xi32, #tpu.memory_space<hbm>>
      tpu.wait_dma2 semaphore(%run_scoped3A : memref<!tpu.dma_semaphore, #tpu.memory_space<semaphore_mem>>) src(%dma_wait3A_28 : memref<79x128xi32, #tpu.memory_space<hbm>>) dst(%arg8 : memref<79x128xi32, #tpu.memory_space<vmem>>)
      tpu.yield
    }) : () -> ()
    %barrier3A = arith.constant 0 : index
    tpu.barrier barrier_id(%barrier3A)
    %scan3A = arith.constant 0 : i32
    %scan3A_5 = arith.constant 0 : i32
    %scan3A_6 = arith.constant 79 : i32
    %scan3A_7 = arith.addi %scan3A_5, %scan3A_6 : i32
    %scan3A_8 = arith.constant 1 : i32
    scf.for %scan3A_15 = %scan3A_5 to %scan3A_7 step %scan3A_8  : i32 {
      %dma_start3A = arith.constant 0 : i32
      %dma_start3A_16 = tpu.memref_slice %arg7[%scan3A_15, %dma_start3A] : memref<79x128xi32, #tpu.memory_space<vmem>> -> memref<1x128xi32, #tpu.memory_space<vmem>>
      %dma_start3A_17 = tpu.memref_squeeze %dma_start3A_16 : memref<1x128xi32, #tpu.memory_space<vmem>> -> memref<128xi32, #tpu.memory_space<vmem>>
      %dma_start3A_18 = arith.constant 0 : i32
      %dma_start3A_19 = arith.constant 0 : i32
      %dma_start3A_20 = tpu.memref_slice %arg2[%dma_start3A_18, %dma_start3A_19] : memref<10000x128xf32, #tpu.memory_space<hbm>> -> memref<10000x128xf32, #tpu.memory_space<hbm>>
      tpu.enqueue_indirect_dma source(%dma_start3A_20 : memref<10000x128xf32, #tpu.memory_space<hbm>>) target(%arg9 : memref<128x128xf32, #tpu.memory_space<vmem>>) offsets(%dma_start3A_17 : memref<128xi32, #tpu.memory_space<vmem>>) semaphore(%arg11 : memref<!tpu.dma_semaphore, #tpu.memory_space<semaphore_mem>>)
      %dma_wait3A = arith.constant 0 : i32
      %dma_wait3A_21 = tpu.memref_slice %arg7[%scan3A_15, %dma_wait3A] : memref<79x128xi32, #tpu.memory_space<vmem>> -> memref<1x128xi32, #tpu.memory_space<vmem>>
      %dma_wait3A_22 = tpu.memref_squeeze %dma_wait3A_21 : memref<1x128xi32, #tpu.memory_space<vmem>> -> memref<128xi32, #tpu.memory_space<vmem>>
      %dma_wait3A_23 = arith.constant 0 : i32
      %dma_wait3A_24 = arith.constant 0 : i32
      %dma_wait3A_25 = tpu.memref_slice %arg2[%dma_wait3A_23, %dma_wait3A_24] : memref<10000x128xf32, #tpu.memory_space<hbm>> -> memref<10000x128xf32, #tpu.memory_space<hbm>>
      tpu.wait_indirect_dma semaphore(%arg11 : memref<!tpu.dma_semaphore, #tpu.memory_space<semaphore_mem>>) src(%dma_wait3A_25 : memref<10000x128xf32, #tpu.memory_space<hbm>>) dst(%arg9 : memref<128x128xf32, #tpu.memory_space<vmem>>)
      "tpu.region"() ({
        %run_scoped3A = tpu.sem_alloc : memref<!tpu.dma_semaphore, #tpu.memory_space<semaphore_mem>>
        %dma_start3A_26 = arith.constant 0 : i32
        %dma_start3A_27 = tpu.memref_slice %arg8[%scan3A_15, %dma_start3A_26] : memref<79x128xi32, #tpu.memory_space<vmem>> -> memref<1x128xi32, #tpu.memory_space<vmem>>
        %dma_start3A_28 = tpu.memref_squeeze %dma_start3A_27 : memref<1x128xi32, #tpu.memory_space<vmem>> -> memref<128xi32, #tpu.memory_space<vmem>>
        %dma_start3A_29 = arith.constant 0 : i32
        %dma_start3A_30 = arith.constant 0 : i32
        %dma_start3A_31 = tpu.memref_slice %arg10[%dma_start3A_29, %dma_start3A_30] : memref<10112x128xf32, #tpu.memory_space<vmem_shared>> -> memref<10112x128xf32, #tpu.memory_space<vmem_shared>>
        tpu.enqueue_indirect_dma source(%arg9 : memref<128x128xf32, #tpu.memory_space<vmem>>) target(%dma_start3A_31 : memref<10112x128xf32, #tpu.memory_space<vmem_shared>>) offsets(%dma_start3A_28 : memref<128xi32, #tpu.memory_space<vmem>>) semaphore(%run_scoped3A : memref<!tpu.dma_semaphore, #tpu.memory_space<semaphore_mem>>) {add = true}
        %dma_wait3A_32 = arith.constant 0 : i32
        %dma_wait3A_33 = tpu.memref_slice %arg8[%scan3A_15, %dma_wait3A_32] : memref<79x128xi32, #tpu.memory_space<vmem>> -> memref<1x128xi32, #tpu.memory_space<vmem>>
        %dma_wait3A_34 = tpu.memref_squeeze %dma_wait3A_33 : memref<1x128xi32, #tpu.memory_space<vmem>> -> memref<128xi32, #tpu.memory_space<vmem>>
        %dma_wait3A_35 = arith.constant 0 : i32
        %dma_wait3A_36 = arith.constant 0 : i32
        %dma_wait3A_37 = tpu.memref_slice %arg10[%dma_wait3A_35, %dma_wait3A_36] : memref<10112x128xf32, #tpu.memory_space<vmem_shared>> -> memref<10112x128xf32, #tpu.memory_space<vmem_shared>>
        tpu.wait_indirect_dma semaphore(%run_scoped3A : memref<!tpu.dma_semaphore, #tpu.memory_space<semaphore_mem>>) src(%arg9 : memref<128x128xf32, #tpu.memory_space<vmem>>) dst(%dma_wait3A_37 : memref<10112x128xf32, #tpu.memory_space<vmem_shared>>)
        tpu.yield
      }) : () -> ()
    }
    %scan3A_9 = arith.constant 79 : i32
    %barrier3A_10 = arith.constant 0 : index
    tpu.barrier barrier_id(%barrier3A_10)
    %mul3A_11 = arith.constant 632 : i32
    %mul3A_12 = arith.muli %arg1, %mul3A_11 : i32
    %mul3A_13 = arith.constant 632 : i32
    %mul3A_14 = arith.muli %arg1, %mul3A_13 : i32
    "tpu.region"() ({
      %run_scoped3A = tpu.sem_alloc : memref<!tpu.dma_semaphore, #tpu.memory_space<semaphore_mem>>
      %dma_start3A = arith.constant 0 : i32
      %dma_start3A_15 = arith.constant 0 : i32
      %dma_start3A_16 = tpu.memref_slice %arg6[%arg0, %dma_start3A, %dma_start3A_15] : memref<2x10112x128xf32, #tpu.memory_space<hbm>> -> memref<1x10112x128xf32, #tpu.memory_space<hbm>>
      %dma_start3A_17 = tpu.memref_squeeze %dma_start3A_16 : memref<1x10112x128xf32, #tpu.memory_space<hbm>> -> memref<10112x128xf32, #tpu.memory_space<hbm>>
      %dma_start3A_18 = arith.constant 0 : i32
      %dma_start3A_19 = tpu.memref_slice %dma_start3A_17[%mul3A_14, %dma_start3A_18] : memref<10112x128xf32, #tpu.memory_space<hbm>> -> memref<632x128xf32, #tpu.memory_space<hbm>>
      %dma_start3A_20 = arith.constant 0 : i32
      %dma_start3A_21 = tpu.memref_slice %arg10[%mul3A_12, %dma_start3A_20] : memref<10112x128xf32, #tpu.memory_space<vmem_shared>> -> memref<632x128xf32, #tpu.memory_space<vmem_shared>>
      tpu.enqueue_dma source(%dma_start3A_21 : memref<632x128xf32, #tpu.memory_space<vmem_shared>>) target(%dma_start3A_19 : memref<632x128xf32, #tpu.memory_space<hbm>>) target_semaphore(%run_scoped3A : memref<!tpu.dma_semaphore, #tpu.memory_space<semaphore_mem>>)
      %dma_wait3A = arith.constant 0 : i32
      %dma_wait3A_22 = arith.constant 0 : i32
      %dma_wait3A_23 = tpu.memref_slice %arg6[%arg0, %dma_wait3A, %dma_wait3A_22] : memref<2x10112x128xf32, #tpu.memory_space<hbm>> -> memref<1x10112x128xf32, #tpu.memory_space<hbm>>
      %dma_wait3A_24 = tpu.memref_squeeze %dma_wait3A_23 : memref<1x10112x128xf32, #tpu.memory_space<hbm>> -> memref<10112x128xf32, #tpu.memory_space<hbm>>
      %dma_wait3A_25 = arith.constant 0 : i32
      %dma_wait3A_26 = tpu.memref_slice %dma_wait3A_24[%mul3A_14, %dma_wait3A_25] : memref<10112x128xf32, #tpu.memory_space<hbm>> -> memref<632x128xf32, #tpu.memory_space<hbm>>
      %dma_wait3A_27 = arith.constant 0 : i32
      %dma_wait3A_28 = tpu.memref_slice %arg10[%mul3A_12, %dma_wait3A_27] : memref<10112x128xf32, #tpu.memory_space<vmem_shared>> -> memref<632x128xf32, #tpu.memory_space<vmem_shared>>
      tpu.wait_dma2 semaphore(%run_scoped3A : memref<!tpu.dma_semaphore, #tpu.memory_space<semaphore_mem>>) src(%dma_wait3A_28 : memref<632x128xf32, #tpu.memory_space<vmem_shared>>) dst(%dma_wait3A_26 : memref<632x128xf32, #tpu.memory_space<hbm>>)
      tpu.yield
    }) : () -> ()
    return
  }
}

#map = affine_map<(d0, d1) -> (0, 0)>
#map1 = affine_map<(d0, d1) -> (0, 0, 0)>
module attributes {stable_mosaic.version = 14 : i64} {
  func.func @k(%arg0: i32, %arg1: i32, %arg2: memref<10000x128xf32, #tpu.memory_space<hbm>>, %arg3: memref<32x79x128xi32, #tpu.memory_space<hbm>>, %arg4: memref<32x79x128xi32, #tpu.memory_space<hbm>>, %arg5: memref<10112x128xf32, #tpu.memory_space<hbm>>, %arg6: memref<2x10112x128xf32, #tpu.memory_space<hbm>>, %arg7: memref<79x128xi32, #tpu.memory_space<vmem>>, %arg8: memref<79x128xi32, #tpu.memory_space<vmem>>, %arg9: memref<128x128xf32, #tpu.memory_space<vmem>>, %arg10: memref<10112x128xf32, #tpu.memory_space<vmem_shared>>, %arg11: memref<!tpu.dma_semaphore, #tpu.memory_space<semaphore_mem>>) attributes {dimension_semantics = [#tpu.dimension_semantics<core_parallel>, #tpu.dimension_semantics<subcore_parallel>], iteration_bounds = array<i64: 2, 16>, scalar_prefetch = 0 : i64, scratch_operands = 5 : i64, tpu.core_type = #tpu.core_type<sc_vector_subcore>, window_params = [{transform_indices = #map}, {transform_indices = #map1}, {transform_indices = #map1}, {transform_indices = #map}, {transform_indices = #map1}]} {
    %mul3A = arith.constant 16 : i32
    %mul3A_0 = arith.muli %arg0, %mul3A : i32
    %add3A = arith.addi %mul3A_0, %arg1 : i32
    %mul3A_1 = arith.constant 632 : i32
    %mul3A_2 = arith.muli %arg1, %mul3A_1 : i32
    %mul3A_3 = arith.constant 632 : i32
    %mul3A_4 = arith.muli %arg1, %mul3A_3 : i32
    "tpu.region"() ({
      %run_scoped3A = tpu.sem_alloc : memref<!tpu.dma_semaphore, #tpu.memory_space<semaphore_mem>>
      %dma_start3A = arith.constant 0 : i32
      %dma_start3A_15 = tpu.memref_slice %arg10[%mul3A_4, %dma_start3A] : memref<10112x128xf32, #tpu.memory_space<vmem_shared>> -> memref<632x128xf32, #tpu.memory_space<vmem_shared>>
      %dma_start3A_16 = arith.constant 0 : i32
      %dma_start3A_17 = tpu.memref_slice %arg5[%mul3A_2, %dma_start3A_16] : memref<10112x128xf32, #tpu.memory_space<hbm>> -> memref<632x128xf32, #tpu.memory_space<hbm>>
      tpu.enqueue_dma source(%dma_start3A_17 : memref<632x128xf32, #tpu.memory_space<hbm>>) target(%dma_start3A_15 : memref<632x128xf32, #tpu.memory_space<vmem_shared>>) target_semaphore(%run_scoped3A : memref<!tpu.dma_semaphore, #tpu.memory_space<semaphore_mem>>)
      %dma_wait3A = arith.constant 0 : i32
      %dma_wait3A_18 = tpu.memref_slice %arg10[%mul3A_4, %dma_wait3A] : memref<10112x128xf32, #tpu.memory_space<vmem_shared>> -> memref<632x128xf32, #tpu.memory_space<vmem_shared>>
      %dma_wait3A_19 = arith.constant 0 : i32
      %dma_wait3A_20 = tpu.memref_slice %arg5[%mul3A_2, %dma_wait3A_19] : memref<10112x128xf32, #tpu.memory_space<hbm>> -> memref<632x128xf32, #tpu.memory_space<hbm>>
      tpu.wait_dma2 semaphore(%run_scoped3A : memref<!tpu.dma_semaphore, #tpu.memory_space<semaphore_mem>>) src(%dma_wait3A_20 : memref<632x128xf32, #tpu.memory_space<hbm>>) dst(%dma_wait3A_18 : memref<632x128xf32, #tpu.memory_space<vmem_shared>>)
      tpu.yield
    }) : () -> ()
    "tpu.region"() ({
      %run_scoped3A = tpu.sem_alloc : memref<!tpu.dma_semaphore, #tpu.memory_space<semaphore_mem>>
      %dma_start3A = arith.constant 0 : i32
      %dma_start3A_15 = arith.constant 0 : i32
      %dma_start3A_16 = tpu.memref_slice %arg3[%add3A, %dma_start3A, %dma_start3A_15] : memref<32x79x128xi32, #tpu.memory_space<hbm>> -> memref<1x79x128xi32, #tpu.memory_space<hbm>>
      %dma_start3A_17 = tpu.memref_squeeze %dma_start3A_16 : memref<1x79x128xi32, #tpu.memory_space<hbm>> -> memref<79x128xi32, #tpu.memory_space<hbm>>
      %dma_start3A_18 = arith.constant 0 : i32
      %dma_start3A_19 = arith.constant 0 : i32
      %dma_start3A_20 = tpu.memref_slice %arg3[%add3A, %dma_start3A_18, %dma_start3A_19] : memref<32x79x128xi32, #tpu.memory_space<hbm>> -> memref<1x79x128xi32, #tpu.memory_space<hbm>>
      %dma_start3A_21 = tpu.memref_squeeze %dma_start3A_20 : memref<1x79x128xi32, #tpu.memory_space<hbm>> -> memref<79x128xi32, #tpu.memory_space<hbm>>
      tpu.enqueue_dma source(%dma_start3A_21 : memref<79x128xi32, #tpu.memory_space<hbm>>) target(%arg7 : memref<79x128xi32, #tpu.memory_space<vmem>>) target_semaphore(%run_scoped3A : memref<!tpu.dma_semaphore, #tpu.memory_space<semaphore_mem>>)
      %dma_wait3A = arith.constant 0 : i32
      %dma_wait3A_22 = arith.constant 0 : i32
      %dma_wait3A_23 = tpu.memref_slice %arg3[%add3A, %dma_wait3A, %dma_wait3A_22] : memref<32x79x128xi32, #tpu.memory_space<hbm>> -> memref<1x79x128xi32, #tpu.memory_space<hbm>>
      %dma_wait3A_24 = tpu.memref_squeeze %dma_wait3A_23 : memref<1x79x128xi32, #tpu.memory_space<hbm>> -> memref<79x128xi32, #tpu.memory_space<hbm>>
      %dma_wait3A_25 = arith.constant 0 : i32
      %dma_wait3A_26 = arith.constant 0 : i32
      %dma_wait3A_27 = tpu.memref_slice %arg3[%add3A, %dma_wait3A_25, %dma_wait3A_26] : memref<32x79x128xi32, #tpu.memory_space<hbm>> -> memref<1x79x128xi32, #tpu.memory_space<hbm>>
      %dma_wait3A_28 = tpu.memref_squeeze %dma_wait3A_27 : memref<1x79x128xi32, #tpu.memory_space<hbm>> -> memref<79x128xi32, #tpu.memory_space<hbm>>
      tpu.wait_dma2 semaphore(%run_scoped3A : memref<!tpu.dma_semaphore, #tpu.memory_space<semaphore_mem>>) src(%dma_wait3A_28 : memref<79x128xi32, #tpu.memory_space<hbm>>) dst(%arg7 : memref<79x128xi32, #tpu.memory_space<vmem>>)
      tpu.yield
    }) : () -> ()
    "tpu.region"() ({
      %run_scoped3A = tpu.sem_alloc : memref<!tpu.dma_semaphore, #tpu.memory_space<semaphore_mem>>
      %dma_start3A = arith.constant 0 : i32
      %dma_start3A_15 = arith.constant 0 : i32
      %dma_start3A_16 = tpu.memref_slice %arg4[%add3A, %dma_start3A, %dma_start3A_15] : memref<32x79x128xi32, #tpu.memory_space<hbm>> -> memref<1x79x128xi32, #tpu.memory_space<hbm>>
      %dma_start3A_17 = tpu.memref_squeeze %dma_start3A_16 : memref<1x79x128xi32, #tpu.memory_space<hbm>> -> memref<79x128xi32, #tpu.memory_space<hbm>>
      %dma_start3A_18 = arith.constant 0 : i32
      %dma_start3A_19 = arith.constant 0 : i32
      %dma_start3A_20 = tpu.memref_slice %arg4[%add3A, %dma_start3A_18, %dma_start3A_19] : memref<32x79x128xi32, #tpu.memory_space<hbm>> -> memref<1x79x128xi32, #tpu.memory_space<hbm>>
      %dma_start3A_21 = tpu.memref_squeeze %dma_start3A_20 : memref<1x79x128xi32, #tpu.memory_space<hbm>> -> memref<79x128xi32, #tpu.memory_space<hbm>>
      tpu.enqueue_dma source(%dma_start3A_21 : memref<79x128xi32, #tpu.memory_space<hbm>>) target(%arg8 : memref<79x128xi32, #tpu.memory_space<vmem>>) target_semaphore(%run_scoped3A : memref<!tpu.dma_semaphore, #tpu.memory_space<semaphore_mem>>)
      %dma_wait3A = arith.constant 0 : i32
      %dma_wait3A_22 = arith.constant 0 : i32
      %dma_wait3A_23 = tpu.memref_slice %arg4[%add3A, %dma_wait3A, %dma_wait3A_22] : memref<32x79x128xi32, #tpu.memory_space<hbm>> -> memref<1x79x128xi32, #tpu.memory_space<hbm>>
      %dma_wait3A_24 = tpu.memref_squeeze %dma_wait3A_23 : memref<1x79x128xi32, #tpu.memory_space<hbm>> -> memref<79x128xi32, #tpu.memory_space<hbm>>
      %dma_wait3A_25 = arith.constant 0 : i32
      %dma_wait3A_26 = arith.constant 0 : i32
      %dma_wait3A_27 = tpu.memref_slice %arg4[%add3A, %dma_wait3A_25, %dma_wait3A_26] : memref<32x79x128xi32, #tpu.memory_space<hbm>> -> memref<1x79x128xi32, #tpu.memory_space<hbm>>
      %dma_wait3A_28 = tpu.memref_squeeze %dma_wait3A_27 : memref<1x79x128xi32, #tpu.memory_space<hbm>> -> memref<79x128xi32, #tpu.memory_space<hbm>>
      tpu.wait_dma2 semaphore(%run_scoped3A : memref<!tpu.dma_semaphore, #tpu.memory_space<semaphore_mem>>) src(%dma_wait3A_28 : memref<79x128xi32, #tpu.memory_space<hbm>>) dst(%arg8 : memref<79x128xi32, #tpu.memory_space<vmem>>)
      tpu.yield
    }) : () -> ()
    %barrier3A = arith.constant 0 : index
    tpu.barrier barrier_id(%barrier3A)
    %scan3A = arith.constant 0 : i32
    %scan3A_5 = arith.constant 0 : i32
    %scan3A_6 = arith.constant 79 : i32
    %scan3A_7 = arith.addi %scan3A_5, %scan3A_6 : i32
    %scan3A_8 = arith.constant 1 : i32
    scf.for %scan3A_15 = %scan3A_5 to %scan3A_7 step %scan3A_8  : i32 {
      %dma_start3A = arith.constant 0 : i32
      %dma_start3A_16 = tpu.memref_slice %arg7[%scan3A_15, %dma_start3A] : memref<79x128xi32, #tpu.memory_space<vmem>> -> memref<1x128xi32, #tpu.memory_space<vmem>>
      %dma_start3A_17 = tpu.memref_squeeze %dma_start3A_16 : memref<1x128xi32, #tpu.memory_space<vmem>> -> memref<128xi32, #tpu.memory_space<vmem>>
      %dma_start3A_18 = arith.constant 0 : i32
      %dma_start3A_19 = arith.constant 0 : i32
      %dma_start3A_20 = tpu.memref_slice %arg2[%dma_start3A_18, %dma_start3A_19] : memref<10000x128xf32, #tpu.memory_space<hbm>> -> memref<10000x128xf32, #tpu.memory_space<hbm>>
      tpu.enqueue_indirect_dma source(%dma_start3A_20 : memref<10000x128xf32, #tpu.memory_space<hbm>>) target(%arg9 : memref<128x128xf32, #tpu.memory_space<vmem>>) offsets(%dma_start3A_17 : memref<128xi32, #tpu.memory_space<vmem>>) semaphore(%arg11 : memref<!tpu.dma_semaphore, #tpu.memory_space<semaphore_mem>>)
      %dma_wait3A = arith.constant 0 : i32
      %dma_wait3A_21 = tpu.memref_slice %arg7[%scan3A_15, %dma_wait3A] : memref<79x128xi32, #tpu.memory_space<vmem>> -> memref<1x128xi32, #tpu.memory_space<vmem>>
      %dma_wait3A_22 = tpu.memref_squeeze %dma_wait3A_21 : memref<1x128xi32, #tpu.memory_space<vmem>> -> memref<128xi32, #tpu.memory_space<vmem>>
      %dma_wait3A_23 = arith.constant 0 : i32
      %dma_wait3A_24 = arith.constant 0 : i32
      %dma_wait3A_25 = tpu.memref_slice %arg2[%dma_wait3A_23, %dma_wait3A_24] : memref<10000x128xf32, #tpu.memory_space<hbm>> -> memref<10000x128xf32, #tpu.memory_space<hbm>>
      tpu.wait_indirect_dma semaphore(%arg11 : memref<!tpu.dma_semaphore, #tpu.memory_space<semaphore_mem>>) src(%dma_wait3A_25 : memref<10000x128xf32, #tpu.memory_space<hbm>>) dst(%arg9 : memref<128x128xf32, #tpu.memory_space<vmem>>)
      "tpu.region"() ({
        %run_scoped3A = tpu.sem_alloc : memref<!tpu.dma_semaphore, #tpu.memory_space<semaphore_mem>>
        %dma_start3A_26 = arith.constant 0 : i32
        %dma_start3A_27 = tpu.memref_slice %arg8[%scan3A_15, %dma_start3A_26] : memref<79x128xi32, #tpu.memory_space<vmem>> -> memref<1x128xi32, #tpu.memory_space<vmem>>
        %dma_start3A_28 = tpu.memref_squeeze %dma_start3A_27 : memref<1x128xi32, #tpu.memory_space<vmem>> -> memref<128xi32, #tpu.memory_space<vmem>>
        %dma_start3A_29 = arith.constant 0 : i32
        %dma_start3A_30 = arith.constant 0 : i32
        %dma_start3A_31 = tpu.memref_slice %arg10[%dma_start3A_29, %dma_start3A_30] : memref<10112x128xf32, #tpu.memory_space<vmem_shared>> -> memref<10112x128xf32, #tpu.memory_space<vmem_shared>>
        tpu.enqueue_indirect_dma source(%arg9 : memref<128x128xf32, #tpu.memory_space<vmem>>) target(%dma_start3A_31 : memref<10112x128xf32, #tpu.memory_space<vmem_shared>>) offsets(%dma_start3A_28 : memref<128xi32, #tpu.memory_space<vmem>>) semaphore(%run_scoped3A : memref<!tpu.dma_semaphore, #tpu.memory_space<semaphore_mem>>) {add = true}
        %dma_wait3A_32 = arith.constant 0 : i32
        %dma_wait3A_33 = tpu.memref_slice %arg8[%scan3A_15, %dma_wait3A_32] : memref<79x128xi32, #tpu.memory_space<vmem>> -> memref<1x128xi32, #tpu.memory_space<vmem>>
        %dma_wait3A_34 = tpu.memref_squeeze %dma_wait3A_33 : memref<1x128xi32, #tpu.memory_space<vmem>> -> memref<128xi32, #tpu.memory_space<vmem>>
        %dma_wait3A_35 = arith.constant 0 : i32
        %dma_wait3A_36 = arith.constant 0 : i32
        %dma_wait3A_37 = tpu.memref_slice %arg10[%dma_wait3A_35, %dma_wait3A_36] : memref<10112x128xf32, #tpu.memory_space<vmem_shared>> -> memref<10112x128xf32, #tpu.memory_space<vmem_shared>>
        tpu.wait_indirect_dma semaphore(%run_scoped3A : memref<!tpu.dma_semaphore, #tpu.memory_space<semaphore_mem>>) src(%arg9 : memref<128x128xf32, #tpu.memory_space<vmem>>) dst(%dma_wait3A_37 : memref<10112x128xf32, #tpu.memory_space<vmem_shared>>)
        tpu.yield
      }) : () -> ()
    }
    %scan3A_9 = arith.constant 79 : i32
    %barrier3A_10 = arith.constant 0 : index
    tpu.barrier barrier_id(%barrier3A_10)
    %mul3A_11 = arith.constant 632 : i32
    %mul3A_12 = arith.muli %arg1, %mul3A_11 : i32
    %mul3A_13 = arith.constant 632 : i32
    %mul3A_14 = arith.muli %arg1, %mul3A_13 : i32
    "tpu.region"() ({
      %run_scoped3A = tpu.sem_alloc : memref<!tpu.dma_semaphore, #tpu.memory_space<semaphore_mem>>
      %dma_start3A = arith.constant 0 : i32
      %dma_start3A_15 = arith.constant 0 : i32
      %dma_start3A_16 = tpu.memref_slice %arg6[%arg0, %dma_start3A, %dma_start3A_15] : memref<2x10112x128xf32, #tpu.memory_space<hbm>> -> memref<1x10112x128xf32, #tpu.memory_space<hbm>>
      %dma_start3A_17 = tpu.memref_squeeze %dma_start3A_16 : memref<1x10112x128xf32, #tpu.memory_space<hbm>> -> memref<10112x128xf32, #tpu.memory_space<hbm>>
      %dma_start3A_18 = arith.constant 0 : i32
      %dma_start3A_19 = tpu.memref_slice %dma_start3A_17[%mul3A_14, %dma_start3A_18] : memref<10112x128xf32, #tpu.memory_space<hbm>> -> memref<632x128xf32, #tpu.memory_space<hbm>>
      %dma_start3A_20 = arith.constant 0 : i32
      %dma_start3A_21 = tpu.memref_slice %arg10[%mul3A_12, %dma_start3A_20] : memref<10112x128xf32, #tpu.memory_space<vmem_shared>> -> memref<632x128xf32, #tpu.memory_space<vmem_shared>>
      tpu.enqueue_dma source(%dma_start3A_21 : memref<632x128xf32, #tpu.memory_space<vmem_shared>>) target(%dma_start3A_19 : memref<632x128xf32, #tpu.memory_space<hbm>>) target_semaphore(%run_scoped3A : memref<!tpu.dma_semaphore, #tpu.memory_space<semaphore_mem>>)
      %dma_wait3A = arith.constant 0 : i32
      %dma_wait3A_22 = arith.constant 0 : i32
      %dma_wait3A_23 = tpu.memref_slice %arg6[%arg0, %dma_wait3A, %dma_wait3A_22] : memref<2x10112x128xf32, #tpu.memory_space<hbm>> -> memref<1x10112x128xf32, #tpu.memory_space<hbm>>
      %dma_wait3A_24 = tpu.memref_squeeze %dma_wait3A_23 : memref<1x10112x128xf32, #tpu.memory_space<hbm>> -> memref<10112x128xf32, #tpu.memory_space<hbm>>
      %dma_wait3A_25 = arith.constant 0 : i32
      %dma_wait3A_26 = tpu.memref_slice %dma_wait3A_24[%mul3A_14, %dma_wait3A_25] : memref<10112x128xf32, #tpu.memory_space<hbm>> -> memref<632x128xf32, #tpu.memory_space<hbm>>
      %dma_wait3A_27 = arith.constant 0 : i32
      %dma_wait3A_28 = tpu.memref_slice %arg10[%mul3A_12, %dma_wait3A_27] : memref<10112x128xf32, #tpu.memory_space<vmem_shared>> -> memref<632x128xf32, #tpu.memory_space<vmem_shared>>
      tpu.wait_dma2 semaphore(%run_scoped3A : memref<!tpu.dma_semaphore, #tpu.memory_space<semaphore_mem>>) src(%dma_wait3A_28 : memref<632x128xf32, #tpu.memory_space<vmem_shared>>) dst(%dma_wait3A_26 : memref<632x128xf32, #tpu.memory_space<hbm>>)
      tpu.yield
    }) : () -> ()
    return
  }
}

#map = affine_map<(d0, d1) -> (0, 0)>
#map1 = affine_map<(d0, d1) -> (0, 0, 0)>
module attributes {stable_mosaic.version = 14 : i64} {
  func.func @k(%arg0: i32, %arg1: i32, %arg2: memref<10000x128xf32, #tpu.memory_space<hbm>>, %arg3: memref<32x79x128xi32, #tpu.memory_space<hbm>>, %arg4: memref<32x79x128xi32, #tpu.memory_space<hbm>>, %arg5: memref<10112x128xf32, #tpu.memory_space<hbm>>, %arg6: memref<2x10112x128xf32, #tpu.memory_space<hbm>>, %arg7: memref<79x128xi32, #tpu.memory_space<vmem>>, %arg8: memref<79x128xi32, #tpu.memory_space<vmem>>, %arg9: memref<128x128xf32, #tpu.memory_space<vmem>>, %arg10: memref<10112x128xf32, #tpu.memory_space<vmem_shared>>, %arg11: memref<!tpu.dma_semaphore, #tpu.memory_space<semaphore_mem>>) attributes {dimension_semantics = [#tpu.dimension_semantics<core_parallel>, #tpu.dimension_semantics<subcore_parallel>], iteration_bounds = array<i64: 2, 16>, scalar_prefetch = 0 : i64, scratch_operands = 5 : i64, tpu.core_type = #tpu.core_type<sc_vector_subcore>, window_params = [{transform_indices = #map}, {transform_indices = #map1}, {transform_indices = #map1}, {transform_indices = #map}, {transform_indices = #map1}]} {
    %mul3A = arith.constant 16 : i32
    %mul3A_0 = arith.muli %arg0, %mul3A : i32
    %add3A = arith.addi %mul3A_0, %arg1 : i32
    %mul3A_1 = arith.constant 632 : i32
    %mul3A_2 = arith.muli %arg1, %mul3A_1 : i32
    %mul3A_3 = arith.constant 632 : i32
    %mul3A_4 = arith.muli %arg1, %mul3A_3 : i32
    "tpu.region"() ({
      %run_scoped3A = tpu.sem_alloc : memref<!tpu.dma_semaphore, #tpu.memory_space<semaphore_mem>>
      %dma_start3A = arith.constant 0 : i32
      %dma_start3A_15 = tpu.memref_slice %arg10[%mul3A_4, %dma_start3A] : memref<10112x128xf32, #tpu.memory_space<vmem_shared>> -> memref<632x128xf32, #tpu.memory_space<vmem_shared>>
      %dma_start3A_16 = arith.constant 0 : i32
      %dma_start3A_17 = tpu.memref_slice %arg5[%mul3A_2, %dma_start3A_16] : memref<10112x128xf32, #tpu.memory_space<hbm>> -> memref<632x128xf32, #tpu.memory_space<hbm>>
      tpu.enqueue_dma source(%dma_start3A_17 : memref<632x128xf32, #tpu.memory_space<hbm>>) target(%dma_start3A_15 : memref<632x128xf32, #tpu.memory_space<vmem_shared>>) target_semaphore(%run_scoped3A : memref<!tpu.dma_semaphore, #tpu.memory_space<semaphore_mem>>)
      %dma_wait3A = arith.constant 0 : i32
      %dma_wait3A_18 = tpu.memref_slice %arg10[%mul3A_4, %dma_wait3A] : memref<10112x128xf32, #tpu.memory_space<vmem_shared>> -> memref<632x128xf32, #tpu.memory_space<vmem_shared>>
      %dma_wait3A_19 = arith.constant 0 : i32
      %dma_wait3A_20 = tpu.memref_slice %arg5[%mul3A_2, %dma_wait3A_19] : memref<10112x128xf32, #tpu.memory_space<hbm>> -> memref<632x128xf32, #tpu.memory_space<hbm>>
      tpu.wait_dma2 semaphore(%run_scoped3A : memref<!tpu.dma_semaphore, #tpu.memory_space<semaphore_mem>>) src(%dma_wait3A_20 : memref<632x128xf32, #tpu.memory_space<hbm>>) dst(%dma_wait3A_18 : memref<632x128xf32, #tpu.memory_space<vmem_shared>>)
      tpu.yield
    }) : () -> ()
    "tpu.region"() ({
      %run_scoped3A = tpu.sem_alloc : memref<!tpu.dma_semaphore, #tpu.memory_space<semaphore_mem>>
      %dma_start3A = arith.constant 0 : i32
      %dma_start3A_15 = arith.constant 0 : i32
      %dma_start3A_16 = tpu.memref_slice %arg3[%add3A, %dma_start3A, %dma_start3A_15] : memref<32x79x128xi32, #tpu.memory_space<hbm>> -> memref<1x79x128xi32, #tpu.memory_space<hbm>>
      %dma_start3A_17 = tpu.memref_squeeze %dma_start3A_16 : memref<1x79x128xi32, #tpu.memory_space<hbm>> -> memref<79x128xi32, #tpu.memory_space<hbm>>
      %dma_start3A_18 = arith.constant 0 : i32
      %dma_start3A_19 = arith.constant 0 : i32
      %dma_start3A_20 = tpu.memref_slice %arg3[%add3A, %dma_start3A_18, %dma_start3A_19] : memref<32x79x128xi32, #tpu.memory_space<hbm>> -> memref<1x79x128xi32, #tpu.memory_space<hbm>>
      %dma_start3A_21 = tpu.memref_squeeze %dma_start3A_20 : memref<1x79x128xi32, #tpu.memory_space<hbm>> -> memref<79x128xi32, #tpu.memory_space<hbm>>
      tpu.enqueue_dma source(%dma_start3A_21 : memref<79x128xi32, #tpu.memory_space<hbm>>) target(%arg7 : memref<79x128xi32, #tpu.memory_space<vmem>>) target_semaphore(%run_scoped3A : memref<!tpu.dma_semaphore, #tpu.memory_space<semaphore_mem>>)
      %dma_wait3A = arith.constant 0 : i32
      %dma_wait3A_22 = arith.constant 0 : i32
      %dma_wait3A_23 = tpu.memref_slice %arg3[%add3A, %dma_wait3A, %dma_wait3A_22] : memref<32x79x128xi32, #tpu.memory_space<hbm>> -> memref<1x79x128xi32, #tpu.memory_space<hbm>>
      %dma_wait3A_24 = tpu.memref_squeeze %dma_wait3A_23 : memref<1x79x128xi32, #tpu.memory_space<hbm>> -> memref<79x128xi32, #tpu.memory_space<hbm>>
      %dma_wait3A_25 = arith.constant 0 : i32
      %dma_wait3A_26 = arith.constant 0 : i32
      %dma_wait3A_27 = tpu.memref_slice %arg3[%add3A, %dma_wait3A_25, %dma_wait3A_26] : memref<32x79x128xi32, #tpu.memory_space<hbm>> -> memref<1x79x128xi32, #tpu.memory_space<hbm>>
      %dma_wait3A_28 = tpu.memref_squeeze %dma_wait3A_27 : memref<1x79x128xi32, #tpu.memory_space<hbm>> -> memref<79x128xi32, #tpu.memory_space<hbm>>
      tpu.wait_dma2 semaphore(%run_scoped3A : memref<!tpu.dma_semaphore, #tpu.memory_space<semaphore_mem>>) src(%dma_wait3A_28 : memref<79x128xi32, #tpu.memory_space<hbm>>) dst(%arg7 : memref<79x128xi32, #tpu.memory_space<vmem>>)
      tpu.yield
    }) : () -> ()
    "tpu.region"() ({
      %run_scoped3A = tpu.sem_alloc : memref<!tpu.dma_semaphore, #tpu.memory_space<semaphore_mem>>
      %dma_start3A = arith.constant 0 : i32
      %dma_start3A_15 = arith.constant 0 : i32
      %dma_start3A_16 = tpu.memref_slice %arg4[%add3A, %dma_start3A, %dma_start3A_15] : memref<32x79x128xi32, #tpu.memory_space<hbm>> -> memref<1x79x128xi32, #tpu.memory_space<hbm>>
      %dma_start3A_17 = tpu.memref_squeeze %dma_start3A_16 : memref<1x79x128xi32, #tpu.memory_space<hbm>> -> memref<79x128xi32, #tpu.memory_space<hbm>>
      %dma_start3A_18 = arith.constant 0 : i32
      %dma_start3A_19 = arith.constant 0 : i32
      %dma_start3A_20 = tpu.memref_slice %arg4[%add3A, %dma_start3A_18, %dma_start3A_19] : memref<32x79x128xi32, #tpu.memory_space<hbm>> -> memref<1x79x128xi32, #tpu.memory_space<hbm>>
      %dma_start3A_21 = tpu.memref_squeeze %dma_start3A_20 : memref<1x79x128xi32, #tpu.memory_space<hbm>> -> memref<79x128xi32, #tpu.memory_space<hbm>>
      tpu.enqueue_dma source(%dma_start3A_21 : memref<79x128xi32, #tpu.memory_space<hbm>>) target(%arg8 : memref<79x128xi32, #tpu.memory_space<vmem>>) target_semaphore(%run_scoped3A : memref<!tpu.dma_semaphore, #tpu.memory_space<semaphore_mem>>)
      %dma_wait3A = arith.constant 0 : i32
      %dma_wait3A_22 = arith.constant 0 : i32
      %dma_wait3A_23 = tpu.memref_slice %arg4[%add3A, %dma_wait3A, %dma_wait3A_22] : memref<32x79x128xi32, #tpu.memory_space<hbm>> -> memref<1x79x128xi32, #tpu.memory_space<hbm>>
      %dma_wait3A_24 = tpu.memref_squeeze %dma_wait3A_23 : memref<1x79x128xi32, #tpu.memory_space<hbm>> -> memref<79x128xi32, #tpu.memory_space<hbm>>
      %dma_wait3A_25 = arith.constant 0 : i32
      %dma_wait3A_26 = arith.constant 0 : i32
      %dma_wait3A_27 = tpu.memref_slice %arg4[%add3A, %dma_wait3A_25, %dma_wait3A_26] : memref<32x79x128xi32, #tpu.memory_space<hbm>> -> memref<1x79x128xi32, #tpu.memory_space<hbm>>
      %dma_wait3A_28 = tpu.memref_squeeze %dma_wait3A_27 : memref<1x79x128xi32, #tpu.memory_space<hbm>> -> memref<79x128xi32, #tpu.memory_space<hbm>>
      tpu.wait_dma2 semaphore(%run_scoped3A : memref<!tpu.dma_semaphore, #tpu.memory_space<semaphore_mem>>) src(%dma_wait3A_28 : memref<79x128xi32, #tpu.memory_space<hbm>>) dst(%arg8 : memref<79x128xi32, #tpu.memory_space<vmem>>)
      tpu.yield
    }) : () -> ()
    %barrier3A = arith.constant 0 : index
    tpu.barrier barrier_id(%barrier3A)
    %scan3A = arith.constant 0 : i32
    %scan3A_5 = arith.constant 0 : i32
    %scan3A_6 = arith.constant 79 : i32
    %scan3A_7 = arith.addi %scan3A_5, %scan3A_6 : i32
    %scan3A_8 = arith.constant 1 : i32
    scf.for %scan3A_15 = %scan3A_5 to %scan3A_7 step %scan3A_8  : i32 {
      %dma_start3A = arith.constant 0 : i32
      %dma_start3A_16 = tpu.memref_slice %arg7[%scan3A_15, %dma_start3A] : memref<79x128xi32, #tpu.memory_space<vmem>> -> memref<1x128xi32, #tpu.memory_space<vmem>>
      %dma_start3A_17 = tpu.memref_squeeze %dma_start3A_16 : memref<1x128xi32, #tpu.memory_space<vmem>> -> memref<128xi32, #tpu.memory_space<vmem>>
      %dma_start3A_18 = arith.constant 0 : i32
      %dma_start3A_19 = arith.constant 0 : i32
      %dma_start3A_20 = tpu.memref_slice %arg2[%dma_start3A_18, %dma_start3A_19] : memref<10000x128xf32, #tpu.memory_space<hbm>> -> memref<10000x128xf32, #tpu.memory_space<hbm>>
      tpu.enqueue_indirect_dma source(%dma_start3A_20 : memref<10000x128xf32, #tpu.memory_space<hbm>>) target(%arg9 : memref<128x128xf32, #tpu.memory_space<vmem>>) offsets(%dma_start3A_17 : memref<128xi32, #tpu.memory_space<vmem>>) semaphore(%arg11 : memref<!tpu.dma_semaphore, #tpu.memory_space<semaphore_mem>>)
      %dma_wait3A = arith.constant 0 : i32
      %dma_wait3A_21 = tpu.memref_slice %arg7[%scan3A_15, %dma_wait3A] : memref<79x128xi32, #tpu.memory_space<vmem>> -> memref<1x128xi32, #tpu.memory_space<vmem>>
      %dma_wait3A_22 = tpu.memref_squeeze %dma_wait3A_21 : memref<1x128xi32, #tpu.memory_space<vmem>> -> memref<128xi32, #tpu.memory_space<vmem>>
      %dma_wait3A_23 = arith.constant 0 : i32
      %dma_wait3A_24 = arith.constant 0 : i32
      %dma_wait3A_25 = tpu.memref_slice %arg2[%dma_wait3A_23, %dma_wait3A_24] : memref<10000x128xf32, #tpu.memory_space<hbm>> -> memref<10000x128xf32, #tpu.memory_space<hbm>>
      tpu.wait_indirect_dma semaphore(%arg11 : memref<!tpu.dma_semaphore, #tpu.memory_space<semaphore_mem>>) src(%dma_wait3A_25 : memref<10000x128xf32, #tpu.memory_space<hbm>>) dst(%arg9 : memref<128x128xf32, #tpu.memory_space<vmem>>)
      "tpu.region"() ({
        %run_scoped3A = tpu.sem_alloc : memref<!tpu.dma_semaphore, #tpu.memory_space<semaphore_mem>>
        %dma_start3A_26 = arith.constant 0 : i32
        %dma_start3A_27 = tpu.memref_slice %arg8[%scan3A_15, %dma_start3A_26] : memref<79x128xi32, #tpu.memory_space<vmem>> -> memref<1x128xi32, #tpu.memory_space<vmem>>
        %dma_start3A_28 = tpu.memref_squeeze %dma_start3A_27 : memref<1x128xi32, #tpu.memory_space<vmem>> -> memref<128xi32, #tpu.memory_space<vmem>>
        %dma_start3A_29 = arith.constant 0 : i32
        %dma_start3A_30 = arith.constant 0 : i32
        %dma_start3A_31 = tpu.memref_slice %arg10[%dma_start3A_29, %dma_start3A_30] : memref<10112x128xf32, #tpu.memory_space<vmem_shared>> -> memref<10112x128xf32, #tpu.memory_space<vmem_shared>>
        tpu.enqueue_indirect_dma source(%arg9 : memref<128x128xf32, #tpu.memory_space<vmem>>) target(%dma_start3A_31 : memref<10112x128xf32, #tpu.memory_space<vmem_shared>>) offsets(%dma_start3A_28 : memref<128xi32, #tpu.memory_space<vmem>>) semaphore(%run_scoped3A : memref<!tpu.dma_semaphore, #tpu.memory_space<semaphore_mem>>) {add = true}
        %dma_wait3A_32 = arith.constant 0 : i32
        %dma_wait3A_33 = tpu.memref_slice %arg8[%scan3A_15, %dma_wait3A_32] : memref<79x128xi32, #tpu.memory_space<vmem>> -> memref<1x128xi32, #tpu.memory_space<vmem>>
        %dma_wait3A_34 = tpu.memref_squeeze %dma_wait3A_33 : memref<1x128xi32, #tpu.memory_space<vmem>> -> memref<128xi32, #tpu.memory_space<vmem>>
        %dma_wait3A_35 = arith.constant 0 : i32
        %dma_wait3A_36 = arith.constant 0 : i32
        %dma_wait3A_37 = tpu.memref_slice %arg10[%dma_wait3A_35, %dma_wait3A_36] : memref<10112x128xf32, #tpu.memory_space<vmem_shared>> -> memref<10112x128xf32, #tpu.memory_space<vmem_shared>>
        tpu.wait_indirect_dma semaphore(%run_scoped3A : memref<!tpu.dma_semaphore, #tpu.memory_space<semaphore_mem>>) src(%arg9 : memref<128x128xf32, #tpu.memory_space<vmem>>) dst(%dma_wait3A_37 : memref<10112x128xf32, #tpu.memory_space<vmem_shared>>)
        tpu.yield
      }) : () -> ()
    }
    %scan3A_9 = arith.constant 79 : i32
    %barrier3A_10 = arith.constant 0 : index
    tpu.barrier barrier_id(%barrier3A_10)
    %mul3A_11 = arith.constant 632 : i32
    %mul3A_12 = arith.muli %arg1, %mul3A_11 : i32
    %mul3A_13 = arith.constant 632 : i32
    %mul3A_14 = arith.muli %arg1, %mul3A_13 : i32
    "tpu.region"() ({
      %run_scoped3A = tpu.sem_alloc : memref<!tpu.dma_semaphore, #tpu.memory_space<semaphore_mem>>
      %dma_start3A = arith.constant 0 : i32
      %dma_start3A_15 = arith.constant 0 : i32
      %dma_start3A_16 = tpu.memref_slice %arg6[%arg0, %dma_start3A, %dma_start3A_15] : memref<2x10112x128xf32, #tpu.memory_space<hbm>> -> memref<1x10112x128xf32, #tpu.memory_space<hbm>>
      %dma_start3A_17 = tpu.memref_squeeze %dma_start3A_16 : memref<1x10112x128xf32, #tpu.memory_space<hbm>> -> memref<10112x128xf32, #tpu.memory_space<hbm>>
      %dma_start3A_18 = arith.constant 0 : i32
      %dma_start3A_19 = tpu.memref_slice %dma_start3A_17[%mul3A_14, %dma_start3A_18] : memref<10112x128xf32, #tpu.memory_space<hbm>> -> memref<632x128xf32, #tpu.memory_space<hbm>>
      %dma_start3A_20 = arith.constant 0 : i32
      %dma_start3A_21 = tpu.memref_slice %arg10[%mul3A_12, %dma_start3A_20] : memref<10112x128xf32, #tpu.memory_space<vmem_shared>> -> memref<632x128xf32, #tpu.memory_space<vmem_shared>>
      tpu.enqueue_dma source(%dma_start3A_21 : memref<632x128xf32, #tpu.memory_space<vmem_shared>>) target(%dma_start3A_19 : memref<632x128xf32, #tpu.memory_space<hbm>>) target_semaphore(%run_scoped3A : memref<!tpu.dma_semaphore, #tpu.memory_space<semaphore_mem>>)
      %dma_wait3A = arith.constant 0 : i32
      %dma_wait3A_22 = arith.constant 0 : i32
      %dma_wait3A_23 = tpu.memref_slice %arg6[%arg0, %dma_wait3A, %dma_wait3A_22] : memref<2x10112x128xf32, #tpu.memory_space<hbm>> -> memref<1x10112x128xf32, #tpu.memory_space<hbm>>
      %dma_wait3A_24 = tpu.memref_squeeze %dma_wait3A_23 : memref<1x10112x128xf32, #tpu.memory_space<hbm>> -> memref<10112x128xf32, #tpu.memory_space<hbm>>
      %dma_wait3A_25 = arith.constant 0 : i32
      %dma_wait3A_26 = tpu.memref_slice %dma_wait3A_24[%mul3A_14, %dma_wait3A_25] : memref<10112x128xf32, #tpu.memory_space<hbm>> -> memref<632x128xf32, #tpu.memory_space<hbm>>
      %dma_wait3A_27 = arith.constant 0 : i32
      %dma_wait3A_28 = tpu.memref_slice %arg10[%mul3A_12, %dma_wait3A_27] : memref<10112x128xf32, #tpu.memory_space<vmem_shared>> -> memref<632x128xf32, #tpu.memory_space<vmem_shared>>
      tpu.wait_dma2 semaphore(%run_scoped3A : memref<!tpu.dma_semaphore, #tpu.memory_space<semaphore_mem>>) src(%dma_wait3A_28 : memref<632x128xf32, #tpu.memory_space<vmem_shared>>) dst(%dma_wait3A_26 : memref<632x128xf32, #tpu.memory_space<hbm>>)
      tpu.yield
    }) : () -> ()
    return
  }
}

#map = affine_map<(d0, d1) -> (0, 0)>
#map1 = affine_map<(d0, d1) -> (0, 0, 0)>
module attributes {stable_mosaic.version = 14 : i64} {
  func.func @k(%arg0: i32, %arg1: i32, %arg2: memref<10000x128xf32, #tpu.memory_space<hbm>>, %arg3: memref<32x79x128xi32, #tpu.memory_space<hbm>>, %arg4: memref<32x79x128xi32, #tpu.memory_space<hbm>>, %arg5: memref<10112x128xf32, #tpu.memory_space<hbm>>, %arg6: memref<2x10112x128xf32, #tpu.memory_space<hbm>>, %arg7: memref<79x128xi32, #tpu.memory_space<vmem>>, %arg8: memref<79x128xi32, #tpu.memory_space<vmem>>, %arg9: memref<128x128xf32, #tpu.memory_space<vmem>>, %arg10: memref<10112x128xf32, #tpu.memory_space<vmem_shared>>, %arg11: memref<!tpu.dma_semaphore, #tpu.memory_space<semaphore_mem>>) attributes {dimension_semantics = [#tpu.dimension_semantics<core_parallel>, #tpu.dimension_semantics<subcore_parallel>], iteration_bounds = array<i64: 2, 16>, scalar_prefetch = 0 : i64, scratch_operands = 5 : i64, tpu.core_type = #tpu.core_type<sc_vector_subcore>, window_params = [{transform_indices = #map}, {transform_indices = #map1}, {transform_indices = #map1}, {transform_indices = #map}, {transform_indices = #map1}]} {
    %mul3A = arith.constant 16 : i32
    %mul3A_0 = arith.muli %arg0, %mul3A : i32
    %add3A = arith.addi %mul3A_0, %arg1 : i32
    %mul3A_1 = arith.constant 632 : i32
    %mul3A_2 = arith.muli %arg1, %mul3A_1 : i32
    %mul3A_3 = arith.constant 632 : i32
    %mul3A_4 = arith.muli %arg1, %mul3A_3 : i32
    "tpu.region"() ({
      %run_scoped3A = tpu.sem_alloc : memref<!tpu.dma_semaphore, #tpu.memory_space<semaphore_mem>>
      %dma_start3A = arith.constant 0 : i32
      %dma_start3A_15 = tpu.memref_slice %arg10[%mul3A_4, %dma_start3A] : memref<10112x128xf32, #tpu.memory_space<vmem_shared>> -> memref<632x128xf32, #tpu.memory_space<vmem_shared>>
      %dma_start3A_16 = arith.constant 0 : i32
      %dma_start3A_17 = tpu.memref_slice %arg5[%mul3A_2, %dma_start3A_16] : memref<10112x128xf32, #tpu.memory_space<hbm>> -> memref<632x128xf32, #tpu.memory_space<hbm>>
      tpu.enqueue_dma source(%dma_start3A_17 : memref<632x128xf32, #tpu.memory_space<hbm>>) target(%dma_start3A_15 : memref<632x128xf32, #tpu.memory_space<vmem_shared>>) target_semaphore(%run_scoped3A : memref<!tpu.dma_semaphore, #tpu.memory_space<semaphore_mem>>)
      %dma_wait3A = arith.constant 0 : i32
      %dma_wait3A_18 = tpu.memref_slice %arg10[%mul3A_4, %dma_wait3A] : memref<10112x128xf32, #tpu.memory_space<vmem_shared>> -> memref<632x128xf32, #tpu.memory_space<vmem_shared>>
      %dma_wait3A_19 = arith.constant 0 : i32
      %dma_wait3A_20 = tpu.memref_slice %arg5[%mul3A_2, %dma_wait3A_19] : memref<10112x128xf32, #tpu.memory_space<hbm>> -> memref<632x128xf32, #tpu.memory_space<hbm>>
      tpu.wait_dma2 semaphore(%run_scoped3A : memref<!tpu.dma_semaphore, #tpu.memory_space<semaphore_mem>>) src(%dma_wait3A_20 : memref<632x128xf32, #tpu.memory_space<hbm>>) dst(%dma_wait3A_18 : memref<632x128xf32, #tpu.memory_space<vmem_shared>>)
      tpu.yield
    }) : () -> ()
    "tpu.region"() ({
      %run_scoped3A = tpu.sem_alloc : memref<!tpu.dma_semaphore, #tpu.memory_space<semaphore_mem>>
      %dma_start3A = arith.constant 0 : i32
      %dma_start3A_15 = arith.constant 0 : i32
      %dma_start3A_16 = tpu.memref_slice %arg3[%add3A, %dma_start3A, %dma_start3A_15] : memref<32x79x128xi32, #tpu.memory_space<hbm>> -> memref<1x79x128xi32, #tpu.memory_space<hbm>>
      %dma_start3A_17 = tpu.memref_squeeze %dma_start3A_16 : memref<1x79x128xi32, #tpu.memory_space<hbm>> -> memref<79x128xi32, #tpu.memory_space<hbm>>
      %dma_start3A_18 = arith.constant 0 : i32
      %dma_start3A_19 = arith.constant 0 : i32
      %dma_start3A_20 = tpu.memref_slice %arg3[%add3A, %dma_start3A_18, %dma_start3A_19] : memref<32x79x128xi32, #tpu.memory_space<hbm>> -> memref<1x79x128xi32, #tpu.memory_space<hbm>>
      %dma_start3A_21 = tpu.memref_squeeze %dma_start3A_20 : memref<1x79x128xi32, #tpu.memory_space<hbm>> -> memref<79x128xi32, #tpu.memory_space<hbm>>
      tpu.enqueue_dma source(%dma_start3A_21 : memref<79x128xi32, #tpu.memory_space<hbm>>) target(%arg7 : memref<79x128xi32, #tpu.memory_space<vmem>>) target_semaphore(%run_scoped3A : memref<!tpu.dma_semaphore, #tpu.memory_space<semaphore_mem>>)
      %dma_wait3A = arith.constant 0 : i32
      %dma_wait3A_22 = arith.constant 0 : i32
      %dma_wait3A_23 = tpu.memref_slice %arg3[%add3A, %dma_wait3A, %dma_wait3A_22] : memref<32x79x128xi32, #tpu.memory_space<hbm>> -> memref<1x79x128xi32, #tpu.memory_space<hbm>>
      %dma_wait3A_24 = tpu.memref_squeeze %dma_wait3A_23 : memref<1x79x128xi32, #tpu.memory_space<hbm>> -> memref<79x128xi32, #tpu.memory_space<hbm>>
      %dma_wait3A_25 = arith.constant 0 : i32
      %dma_wait3A_26 = arith.constant 0 : i32
      %dma_wait3A_27 = tpu.memref_slice %arg3[%add3A, %dma_wait3A_25, %dma_wait3A_26] : memref<32x79x128xi32, #tpu.memory_space<hbm>> -> memref<1x79x128xi32, #tpu.memory_space<hbm>>
      %dma_wait3A_28 = tpu.memref_squeeze %dma_wait3A_27 : memref<1x79x128xi32, #tpu.memory_space<hbm>> -> memref<79x128xi32, #tpu.memory_space<hbm>>
      tpu.wait_dma2 semaphore(%run_scoped3A : memref<!tpu.dma_semaphore, #tpu.memory_space<semaphore_mem>>) src(%dma_wait3A_28 : memref<79x128xi32, #tpu.memory_space<hbm>>) dst(%arg7 : memref<79x128xi32, #tpu.memory_space<vmem>>)
      tpu.yield
    }) : () -> ()
    "tpu.region"() ({
      %run_scoped3A = tpu.sem_alloc : memref<!tpu.dma_semaphore, #tpu.memory_space<semaphore_mem>>
      %dma_start3A = arith.constant 0 : i32
      %dma_start3A_15 = arith.constant 0 : i32
      %dma_start3A_16 = tpu.memref_slice %arg4[%add3A, %dma_start3A, %dma_start3A_15] : memref<32x79x128xi32, #tpu.memory_space<hbm>> -> memref<1x79x128xi32, #tpu.memory_space<hbm>>
      %dma_start3A_17 = tpu.memref_squeeze %dma_start3A_16 : memref<1x79x128xi32, #tpu.memory_space<hbm>> -> memref<79x128xi32, #tpu.memory_space<hbm>>
      %dma_start3A_18 = arith.constant 0 : i32
      %dma_start3A_19 = arith.constant 0 : i32
      %dma_start3A_20 = tpu.memref_slice %arg4[%add3A, %dma_start3A_18, %dma_start3A_19] : memref<32x79x128xi32, #tpu.memory_space<hbm>> -> memref<1x79x128xi32, #tpu.memory_space<hbm>>
      %dma_start3A_21 = tpu.memref_squeeze %dma_start3A_20 : memref<1x79x128xi32, #tpu.memory_space<hbm>> -> memref<79x128xi32, #tpu.memory_space<hbm>>
      tpu.enqueue_dma source(%dma_start3A_21 : memref<79x128xi32, #tpu.memory_space<hbm>>) target(%arg8 : memref<79x128xi32, #tpu.memory_space<vmem>>) target_semaphore(%run_scoped3A : memref<!tpu.dma_semaphore, #tpu.memory_space<semaphore_mem>>)
      %dma_wait3A = arith.constant 0 : i32
      %dma_wait3A_22 = arith.constant 0 : i32
      %dma_wait3A_23 = tpu.memref_slice %arg4[%add3A, %dma_wait3A, %dma_wait3A_22] : memref<32x79x128xi32, #tpu.memory_space<hbm>> -> memref<1x79x128xi32, #tpu.memory_space<hbm>>
      %dma_wait3A_24 = tpu.memref_squeeze %dma_wait3A_23 : memref<1x79x128xi32, #tpu.memory_space<hbm>> -> memref<79x128xi32, #tpu.memory_space<hbm>>
      %dma_wait3A_25 = arith.constant 0 : i32
      %dma_wait3A_26 = arith.constant 0 : i32
      %dma_wait3A_27 = tpu.memref_slice %arg4[%add3A, %dma_wait3A_25, %dma_wait3A_26] : memref<32x79x128xi32, #tpu.memory_space<hbm>> -> memref<1x79x128xi32, #tpu.memory_space<hbm>>
      %dma_wait3A_28 = tpu.memref_squeeze %dma_wait3A_27 : memref<1x79x128xi32, #tpu.memory_space<hbm>> -> memref<79x128xi32, #tpu.memory_space<hbm>>
      tpu.wait_dma2 semaphore(%run_scoped3A : memref<!tpu.dma_semaphore, #tpu.memory_space<semaphore_mem>>) src(%dma_wait3A_28 : memref<79x128xi32, #tpu.memory_space<hbm>>) dst(%arg8 : memref<79x128xi32, #tpu.memory_space<vmem>>)
      tpu.yield
    }) : () -> ()
    %barrier3A = arith.constant 0 : index
    tpu.barrier barrier_id(%barrier3A)
    %scan3A = arith.constant 0 : i32
    %scan3A_5 = arith.constant 0 : i32
    %scan3A_6 = arith.constant 79 : i32
    %scan3A_7 = arith.addi %scan3A_5, %scan3A_6 : i32
    %scan3A_8 = arith.constant 1 : i32
    scf.for %scan3A_15 = %scan3A_5 to %scan3A_7 step %scan3A_8  : i32 {
      %dma_start3A = arith.constant 0 : i32
      %dma_start3A_16 = tpu.memref_slice %arg7[%scan3A_15, %dma_start3A] : memref<79x128xi32, #tpu.memory_space<vmem>> -> memref<1x128xi32, #tpu.memory_space<vmem>>
      %dma_start3A_17 = tpu.memref_squeeze %dma_start3A_16 : memref<1x128xi32, #tpu.memory_space<vmem>> -> memref<128xi32, #tpu.memory_space<vmem>>
      %dma_start3A_18 = arith.constant 0 : i32
      %dma_start3A_19 = arith.constant 0 : i32
      %dma_start3A_20 = tpu.memref_slice %arg2[%dma_start3A_18, %dma_start3A_19] : memref<10000x128xf32, #tpu.memory_space<hbm>> -> memref<10000x128xf32, #tpu.memory_space<hbm>>
      tpu.enqueue_indirect_dma source(%dma_start3A_20 : memref<10000x128xf32, #tpu.memory_space<hbm>>) target(%arg9 : memref<128x128xf32, #tpu.memory_space<vmem>>) offsets(%dma_start3A_17 : memref<128xi32, #tpu.memory_space<vmem>>) semaphore(%arg11 : memref<!tpu.dma_semaphore, #tpu.memory_space<semaphore_mem>>)
      %dma_wait3A = arith.constant 0 : i32
      %dma_wait3A_21 = tpu.memref_slice %arg7[%scan3A_15, %dma_wait3A] : memref<79x128xi32, #tpu.memory_space<vmem>> -> memref<1x128xi32, #tpu.memory_space<vmem>>
      %dma_wait3A_22 = tpu.memref_squeeze %dma_wait3A_21 : memref<1x128xi32, #tpu.memory_space<vmem>> -> memref<128xi32, #tpu.memory_space<vmem>>
      %dma_wait3A_23 = arith.constant 0 : i32
      %dma_wait3A_24 = arith.constant 0 : i32
      %dma_wait3A_25 = tpu.memref_slice %arg2[%dma_wait3A_23, %dma_wait3A_24] : memref<10000x128xf32, #tpu.memory_space<hbm>> -> memref<10000x128xf32, #tpu.memory_space<hbm>>
      tpu.wait_indirect_dma semaphore(%arg11 : memref<!tpu.dma_semaphore, #tpu.memory_space<semaphore_mem>>) src(%dma_wait3A_25 : memref<10000x128xf32, #tpu.memory_space<hbm>>) dst(%arg9 : memref<128x128xf32, #tpu.memory_space<vmem>>)
      "tpu.region"() ({
        %run_scoped3A = tpu.sem_alloc : memref<!tpu.dma_semaphore, #tpu.memory_space<semaphore_mem>>
        %dma_start3A_26 = arith.constant 0 : i32
        %dma_start3A_27 = tpu.memref_slice %arg8[%scan3A_15, %dma_start3A_26] : memref<79x128xi32, #tpu.memory_space<vmem>> -> memref<1x128xi32, #tpu.memory_space<vmem>>
        %dma_start3A_28 = tpu.memref_squeeze %dma_start3A_27 : memref<1x128xi32, #tpu.memory_space<vmem>> -> memref<128xi32, #tpu.memory_space<vmem>>
        %dma_start3A_29 = arith.constant 0 : i32
        %dma_start3A_30 = arith.constant 0 : i32
        %dma_start3A_31 = tpu.memref_slice %arg10[%dma_start3A_29, %dma_start3A_30] : memref<10112x128xf32, #tpu.memory_space<vmem_shared>> -> memref<10112x128xf32, #tpu.memory_space<vmem_shared>>
        tpu.enqueue_indirect_dma source(%arg9 : memref<128x128xf32, #tpu.memory_space<vmem>>) target(%dma_start3A_31 : memref<10112x128xf32, #tpu.memory_space<vmem_shared>>) offsets(%dma_start3A_28 : memref<128xi32, #tpu.memory_space<vmem>>) semaphore(%run_scoped3A : memref<!tpu.dma_semaphore, #tpu.memory_space<semaphore_mem>>) {add = true}
        %dma_wait3A_32 = arith.constant 0 : i32
        %dma_wait3A_33 = tpu.memref_slice %arg8[%scan3A_15, %dma_wait3A_32] : memref<79x128xi32, #tpu.memory_space<vmem>> -> memref<1x128xi32, #tpu.memory_space<vmem>>
        %dma_wait3A_34 = tpu.memref_squeeze %dma_wait3A_33 : memref<1x128xi32, #tpu.memory_space<vmem>> -> memref<128xi32, #tpu.memory_space<vmem>>
        %dma_wait3A_35 = arith.constant 0 : i32
        %dma_wait3A_36 = arith.constant 0 : i32
        %dma_wait3A_37 = tpu.memref_slice %arg10[%dma_wait3A_35, %dma_wait3A_36] : memref<10112x128xf32, #tpu.memory_space<vmem_shared>> -> memref<10112x128xf32, #tpu.memory_space<vmem_shared>>
        tpu.wait_indirect_dma semaphore(%run_scoped3A : memref<!tpu.dma_semaphore, #tpu.memory_space<semaphore_mem>>) src(%arg9 : memref<128x128xf32, #tpu.memory_space<vmem>>) dst(%dma_wait3A_37 : memref<10112x128xf32, #tpu.memory_space<vmem_shared>>)
        tpu.yield
      }) : () -> ()
    }
    %scan3A_9 = arith.constant 79 : i32
    %barrier3A_10 = arith.constant 0 : index
    tpu.barrier barrier_id(%barrier3A_10)
    %mul3A_11 = arith.constant 632 : i32
    %mul3A_12 = arith.muli %arg1, %mul3A_11 : i32
    %mul3A_13 = arith.constant 632 : i32
    %mul3A_14 = arith.muli %arg1, %mul3A_13 : i32
    "tpu.region"() ({
      %run_scoped3A = tpu.sem_alloc : memref<!tpu.dma_semaphore, #tpu.memory_space<semaphore_mem>>
      %dma_start3A = arith.constant 0 : i32
      %dma_start3A_15 = arith.constant 0 : i32
      %dma_start3A_16 = tpu.memref_slice %arg6[%arg0, %dma_start3A, %dma_start3A_15] : memref<2x10112x128xf32, #tpu.memory_space<hbm>> -> memref<1x10112x128xf32, #tpu.memory_space<hbm>>
      %dma_start3A_17 = tpu.memref_squeeze %dma_start3A_16 : memref<1x10112x128xf32, #tpu.memory_space<hbm>> -> memref<10112x128xf32, #tpu.memory_space<hbm>>
      %dma_start3A_18 = arith.constant 0 : i32
      %dma_start3A_19 = tpu.memref_slice %dma_start3A_17[%mul3A_14, %dma_start3A_18] : memref<10112x128xf32, #tpu.memory_space<hbm>> -> memref<632x128xf32, #tpu.memory_space<hbm>>
      %dma_start3A_20 = arith.constant 0 : i32
      %dma_start3A_21 = tpu.memref_slice %arg10[%mul3A_12, %dma_start3A_20] : memref<10112x128xf32, #tpu.memory_space<vmem_shared>> -> memref<632x128xf32, #tpu.memory_space<vmem_shared>>
      tpu.enqueue_dma source(%dma_start3A_21 : memref<632x128xf32, #tpu.memory_space<vmem_shared>>) target(%dma_start3A_19 : memref<632x128xf32, #tpu.memory_space<hbm>>) target_semaphore(%run_scoped3A : memref<!tpu.dma_semaphore, #tpu.memory_space<semaphore_mem>>)
      %dma_wait3A = arith.constant 0 : i32
      %dma_wait3A_22 = arith.constant 0 : i32
      %dma_wait3A_23 = tpu.memref_slice %arg6[%arg0, %dma_wait3A, %dma_wait3A_22] : memref<2x10112x128xf32, #tpu.memory_space<hbm>> -> memref<1x10112x128xf32, #tpu.memory_space<hbm>>
      %dma_wait3A_24 = tpu.memref_squeeze %dma_wait3A_23 : memref<1x10112x128xf32, #tpu.memory_space<hbm>> -> memref<10112x128xf32, #tpu.memory_space<hbm>>
      %dma_wait3A_25 = arith.constant 0 : i32
      %dma_wait3A_26 = tpu.memref_slice %dma_wait3A_24[%mul3A_14, %dma_wait3A_25] : memref<10112x128xf32, #tpu.memory_space<hbm>> -> memref<632x128xf32, #tpu.memory_space<hbm>>
      %dma_wait3A_27 = arith.constant 0 : i32
      %dma_wait3A_28 = tpu.memref_slice %arg10[%mul3A_12, %dma_wait3A_27] : memref<10112x128xf32, #tpu.memory_space<vmem_shared>> -> memref<632x128xf32, #tpu.memory_space<vmem_shared>>
      tpu.wait_dma2 semaphore(%run_scoped3A : memref<!tpu.dma_semaphore, #tpu.memory_space<semaphore_mem>>) src(%dma_wait3A_28 : memref<632x128xf32, #tpu.memory_space<vmem_shared>>) dst(%dma_wait3A_26 : memref<632x128xf32, #tpu.memory_space<hbm>>)
      tpu.yield
    }) : () -> ()
    return
  }
}

#map = affine_map<(d0, d1) -> (0, 0)>
#map1 = affine_map<(d0, d1) -> (0, 0, 0)>
module attributes {stable_mosaic.version = 14 : i64} {
  func.func @k(%arg0: i32, %arg1: i32, %arg2: memref<10000x128xf32, #tpu.memory_space<hbm>>, %arg3: memref<32x79x128xi32, #tpu.memory_space<hbm>>, %arg4: memref<32x79x128xi32, #tpu.memory_space<hbm>>, %arg5: memref<10112x128xf32, #tpu.memory_space<hbm>>, %arg6: memref<2x10112x128xf32, #tpu.memory_space<hbm>>, %arg7: memref<79x128xi32, #tpu.memory_space<vmem>>, %arg8: memref<79x128xi32, #tpu.memory_space<vmem>>, %arg9: memref<128x128xf32, #tpu.memory_space<vmem>>, %arg10: memref<10112x128xf32, #tpu.memory_space<vmem_shared>>, %arg11: memref<!tpu.dma_semaphore, #tpu.memory_space<semaphore_mem>>) attributes {dimension_semantics = [#tpu.dimension_semantics<core_parallel>, #tpu.dimension_semantics<subcore_parallel>], iteration_bounds = array<i64: 2, 16>, scalar_prefetch = 0 : i64, scratch_operands = 5 : i64, tpu.core_type = #tpu.core_type<sc_vector_subcore>, window_params = [{transform_indices = #map}, {transform_indices = #map1}, {transform_indices = #map1}, {transform_indices = #map}, {transform_indices = #map1}]} {
    %mul3A = arith.constant 16 : i32
    %mul3A_0 = arith.muli %arg0, %mul3A : i32
    %add3A = arith.addi %mul3A_0, %arg1 : i32
    %mul3A_1 = arith.constant 632 : i32
    %mul3A_2 = arith.muli %arg1, %mul3A_1 : i32
    %mul3A_3 = arith.constant 632 : i32
    %mul3A_4 = arith.muli %arg1, %mul3A_3 : i32
    "tpu.region"() ({
      %run_scoped3A = tpu.sem_alloc : memref<!tpu.dma_semaphore, #tpu.memory_space<semaphore_mem>>
      %dma_start3A = arith.constant 0 : i32
      %dma_start3A_15 = tpu.memref_slice %arg10[%mul3A_4, %dma_start3A] : memref<10112x128xf32, #tpu.memory_space<vmem_shared>> -> memref<632x128xf32, #tpu.memory_space<vmem_shared>>
      %dma_start3A_16 = arith.constant 0 : i32
      %dma_start3A_17 = tpu.memref_slice %arg5[%mul3A_2, %dma_start3A_16] : memref<10112x128xf32, #tpu.memory_space<hbm>> -> memref<632x128xf32, #tpu.memory_space<hbm>>
      tpu.enqueue_dma source(%dma_start3A_17 : memref<632x128xf32, #tpu.memory_space<hbm>>) target(%dma_start3A_15 : memref<632x128xf32, #tpu.memory_space<vmem_shared>>) target_semaphore(%run_scoped3A : memref<!tpu.dma_semaphore, #tpu.memory_space<semaphore_mem>>)
      %dma_wait3A = arith.constant 0 : i32
      %dma_wait3A_18 = tpu.memref_slice %arg10[%mul3A_4, %dma_wait3A] : memref<10112x128xf32, #tpu.memory_space<vmem_shared>> -> memref<632x128xf32, #tpu.memory_space<vmem_shared>>
      %dma_wait3A_19 = arith.constant 0 : i32
      %dma_wait3A_20 = tpu.memref_slice %arg5[%mul3A_2, %dma_wait3A_19] : memref<10112x128xf32, #tpu.memory_space<hbm>> -> memref<632x128xf32, #tpu.memory_space<hbm>>
      tpu.wait_dma2 semaphore(%run_scoped3A : memref<!tpu.dma_semaphore, #tpu.memory_space<semaphore_mem>>) src(%dma_wait3A_20 : memref<632x128xf32, #tpu.memory_space<hbm>>) dst(%dma_wait3A_18 : memref<632x128xf32, #tpu.memory_space<vmem_shared>>)
      tpu.yield
    }) : () -> ()
    "tpu.region"() ({
      %run_scoped3A = tpu.sem_alloc : memref<!tpu.dma_semaphore, #tpu.memory_space<semaphore_mem>>
      %dma_start3A = arith.constant 0 : i32
      %dma_start3A_15 = arith.constant 0 : i32
      %dma_start3A_16 = tpu.memref_slice %arg3[%add3A, %dma_start3A, %dma_start3A_15] : memref<32x79x128xi32, #tpu.memory_space<hbm>> -> memref<1x79x128xi32, #tpu.memory_space<hbm>>
      %dma_start3A_17 = tpu.memref_squeeze %dma_start3A_16 : memref<1x79x128xi32, #tpu.memory_space<hbm>> -> memref<79x128xi32, #tpu.memory_space<hbm>>
      %dma_start3A_18 = arith.constant 0 : i32
      %dma_start3A_19 = arith.constant 0 : i32
      %dma_start3A_20 = tpu.memref_slice %arg3[%add3A, %dma_start3A_18, %dma_start3A_19] : memref<32x79x128xi32, #tpu.memory_space<hbm>> -> memref<1x79x128xi32, #tpu.memory_space<hbm>>
      %dma_start3A_21 = tpu.memref_squeeze %dma_start3A_20 : memref<1x79x128xi32, #tpu.memory_space<hbm>> -> memref<79x128xi32, #tpu.memory_space<hbm>>
      tpu.enqueue_dma source(%dma_start3A_21 : memref<79x128xi32, #tpu.memory_space<hbm>>) target(%arg7 : memref<79x128xi32, #tpu.memory_space<vmem>>) target_semaphore(%run_scoped3A : memref<!tpu.dma_semaphore, #tpu.memory_space<semaphore_mem>>)
      %dma_wait3A = arith.constant 0 : i32
      %dma_wait3A_22 = arith.constant 0 : i32
      %dma_wait3A_23 = tpu.memref_slice %arg3[%add3A, %dma_wait3A, %dma_wait3A_22] : memref<32x79x128xi32, #tpu.memory_space<hbm>> -> memref<1x79x128xi32, #tpu.memory_space<hbm>>
      %dma_wait3A_24 = tpu.memref_squeeze %dma_wait3A_23 : memref<1x79x128xi32, #tpu.memory_space<hbm>> -> memref<79x128xi32, #tpu.memory_space<hbm>>
      %dma_wait3A_25 = arith.constant 0 : i32
      %dma_wait3A_26 = arith.constant 0 : i32
      %dma_wait3A_27 = tpu.memref_slice %arg3[%add3A, %dma_wait3A_25, %dma_wait3A_26] : memref<32x79x128xi32, #tpu.memory_space<hbm>> -> memref<1x79x128xi32, #tpu.memory_space<hbm>>
      %dma_wait3A_28 = tpu.memref_squeeze %dma_wait3A_27 : memref<1x79x128xi32, #tpu.memory_space<hbm>> -> memref<79x128xi32, #tpu.memory_space<hbm>>
      tpu.wait_dma2 semaphore(%run_scoped3A : memref<!tpu.dma_semaphore, #tpu.memory_space<semaphore_mem>>) src(%dma_wait3A_28 : memref<79x128xi32, #tpu.memory_space<hbm>>) dst(%arg7 : memref<79x128xi32, #tpu.memory_space<vmem>>)
      tpu.yield
    }) : () -> ()
    "tpu.region"() ({
      %run_scoped3A = tpu.sem_alloc : memref<!tpu.dma_semaphore, #tpu.memory_space<semaphore_mem>>
      %dma_start3A = arith.constant 0 : i32
      %dma_start3A_15 = arith.constant 0 : i32
      %dma_start3A_16 = tpu.memref_slice %arg4[%add3A, %dma_start3A, %dma_start3A_15] : memref<32x79x128xi32, #tpu.memory_space<hbm>> -> memref<1x79x128xi32, #tpu.memory_space<hbm>>
      %dma_start3A_17 = tpu.memref_squeeze %dma_start3A_16 : memref<1x79x128xi32, #tpu.memory_space<hbm>> -> memref<79x128xi32, #tpu.memory_space<hbm>>
      %dma_start3A_18 = arith.constant 0 : i32
      %dma_start3A_19 = arith.constant 0 : i32
      %dma_start3A_20 = tpu.memref_slice %arg4[%add3A, %dma_start3A_18, %dma_start3A_19] : memref<32x79x128xi32, #tpu.memory_space<hbm>> -> memref<1x79x128xi32, #tpu.memory_space<hbm>>
      %dma_start3A_21 = tpu.memref_squeeze %dma_start3A_20 : memref<1x79x128xi32, #tpu.memory_space<hbm>> -> memref<79x128xi32, #tpu.memory_space<hbm>>
      tpu.enqueue_dma source(%dma_start3A_21 : memref<79x128xi32, #tpu.memory_space<hbm>>) target(%arg8 : memref<79x128xi32, #tpu.memory_space<vmem>>) target_semaphore(%run_scoped3A : memref<!tpu.dma_semaphore, #tpu.memory_space<semaphore_mem>>)
      %dma_wait3A = arith.constant 0 : i32
      %dma_wait3A_22 = arith.constant 0 : i32
      %dma_wait3A_23 = tpu.memref_slice %arg4[%add3A, %dma_wait3A, %dma_wait3A_22] : memref<32x79x128xi32, #tpu.memory_space<hbm>> -> memref<1x79x128xi32, #tpu.memory_space<hbm>>
      %dma_wait3A_24 = tpu.memref_squeeze %dma_wait3A_23 : memref<1x79x128xi32, #tpu.memory_space<hbm>> -> memref<79x128xi32, #tpu.memory_space<hbm>>
      %dma_wait3A_25 = arith.constant 0 : i32
      %dma_wait3A_26 = arith.constant 0 : i32
      %dma_wait3A_27 = tpu.memref_slice %arg4[%add3A, %dma_wait3A_25, %dma_wait3A_26] : memref<32x79x128xi32, #tpu.memory_space<hbm>> -> memref<1x79x128xi32, #tpu.memory_space<hbm>>
      %dma_wait3A_28 = tpu.memref_squeeze %dma_wait3A_27 : memref<1x79x128xi32, #tpu.memory_space<hbm>> -> memref<79x128xi32, #tpu.memory_space<hbm>>
      tpu.wait_dma2 semaphore(%run_scoped3A : memref<!tpu.dma_semaphore, #tpu.memory_space<semaphore_mem>>) src(%dma_wait3A_28 : memref<79x128xi32, #tpu.memory_space<hbm>>) dst(%arg8 : memref<79x128xi32, #tpu.memory_space<vmem>>)
      tpu.yield
    }) : () -> ()
    %barrier3A = arith.constant 0 : index
    tpu.barrier barrier_id(%barrier3A)
    %scan3A = arith.constant 0 : i32
    %scan3A_5 = arith.constant 0 : i32
    %scan3A_6 = arith.constant 79 : i32
    %scan3A_7 = arith.addi %scan3A_5, %scan3A_6 : i32
    %scan3A_8 = arith.constant 1 : i32
    scf.for %scan3A_15 = %scan3A_5 to %scan3A_7 step %scan3A_8  : i32 {
      %dma_start3A = arith.constant 0 : i32
      %dma_start3A_16 = tpu.memref_slice %arg7[%scan3A_15, %dma_start3A] : memref<79x128xi32, #tpu.memory_space<vmem>> -> memref<1x128xi32, #tpu.memory_space<vmem>>
      %dma_start3A_17 = tpu.memref_squeeze %dma_start3A_16 : memref<1x128xi32, #tpu.memory_space<vmem>> -> memref<128xi32, #tpu.memory_space<vmem>>
      %dma_start3A_18 = arith.constant 0 : i32
      %dma_start3A_19 = arith.constant 0 : i32
      %dma_start3A_20 = tpu.memref_slice %arg2[%dma_start3A_18, %dma_start3A_19] : memref<10000x128xf32, #tpu.memory_space<hbm>> -> memref<10000x128xf32, #tpu.memory_space<hbm>>
      tpu.enqueue_indirect_dma source(%dma_start3A_20 : memref<10000x128xf32, #tpu.memory_space<hbm>>) target(%arg9 : memref<128x128xf32, #tpu.memory_space<vmem>>) offsets(%dma_start3A_17 : memref<128xi32, #tpu.memory_space<vmem>>) semaphore(%arg11 : memref<!tpu.dma_semaphore, #tpu.memory_space<semaphore_mem>>)
      %dma_wait3A = arith.constant 0 : i32
      %dma_wait3A_21 = tpu.memref_slice %arg7[%scan3A_15, %dma_wait3A] : memref<79x128xi32, #tpu.memory_space<vmem>> -> memref<1x128xi32, #tpu.memory_space<vmem>>
      %dma_wait3A_22 = tpu.memref_squeeze %dma_wait3A_21 : memref<1x128xi32, #tpu.memory_space<vmem>> -> memref<128xi32, #tpu.memory_space<vmem>>
      %dma_wait3A_23 = arith.constant 0 : i32
      %dma_wait3A_24 = arith.constant 0 : i32
      %dma_wait3A_25 = tpu.memref_slice %arg2[%dma_wait3A_23, %dma_wait3A_24] : memref<10000x128xf32, #tpu.memory_space<hbm>> -> memref<10000x128xf32, #tpu.memory_space<hbm>>
      tpu.wait_indirect_dma semaphore(%arg11 : memref<!tpu.dma_semaphore, #tpu.memory_space<semaphore_mem>>) src(%dma_wait3A_25 : memref<10000x128xf32, #tpu.memory_space<hbm>>) dst(%arg9 : memref<128x128xf32, #tpu.memory_space<vmem>>)
      "tpu.region"() ({
        %run_scoped3A = tpu.sem_alloc : memref<!tpu.dma_semaphore, #tpu.memory_space<semaphore_mem>>
        %dma_start3A_26 = arith.constant 0 : i32
        %dma_start3A_27 = tpu.memref_slice %arg8[%scan3A_15, %dma_start3A_26] : memref<79x128xi32, #tpu.memory_space<vmem>> -> memref<1x128xi32, #tpu.memory_space<vmem>>
        %dma_start3A_28 = tpu.memref_squeeze %dma_start3A_27 : memref<1x128xi32, #tpu.memory_space<vmem>> -> memref<128xi32, #tpu.memory_space<vmem>>
        %dma_start3A_29 = arith.constant 0 : i32
        %dma_start3A_30 = arith.constant 0 : i32
        %dma_start3A_31 = tpu.memref_slice %arg10[%dma_start3A_29, %dma_start3A_30] : memref<10112x128xf32, #tpu.memory_space<vmem_shared>> -> memref<10112x128xf32, #tpu.memory_space<vmem_shared>>
        tpu.enqueue_indirect_dma source(%arg9 : memref<128x128xf32, #tpu.memory_space<vmem>>) target(%dma_start3A_31 : memref<10112x128xf32, #tpu.memory_space<vmem_shared>>) offsets(%dma_start3A_28 : memref<128xi32, #tpu.memory_space<vmem>>) semaphore(%run_scoped3A : memref<!tpu.dma_semaphore, #tpu.memory_space<semaphore_mem>>) {add = true}
        %dma_wait3A_32 = arith.constant 0 : i32
        %dma_wait3A_33 = tpu.memref_slice %arg8[%scan3A_15, %dma_wait3A_32] : memref<79x128xi32, #tpu.memory_space<vmem>> -> memref<1x128xi32, #tpu.memory_space<vmem>>
        %dma_wait3A_34 = tpu.memref_squeeze %dma_wait3A_33 : memref<1x128xi32, #tpu.memory_space<vmem>> -> memref<128xi32, #tpu.memory_space<vmem>>
        %dma_wait3A_35 = arith.constant 0 : i32
        %dma_wait3A_36 = arith.constant 0 : i32
        %dma_wait3A_37 = tpu.memref_slice %arg10[%dma_wait3A_35, %dma_wait3A_36] : memref<10112x128xf32, #tpu.memory_space<vmem_shared>> -> memref<10112x128xf32, #tpu.memory_space<vmem_shared>>
        tpu.wait_indirect_dma semaphore(%run_scoped3A : memref<!tpu.dma_semaphore, #tpu.memory_space<semaphore_mem>>) src(%arg9 : memref<128x128xf32, #tpu.memory_space<vmem>>) dst(%dma_wait3A_37 : memref<10112x128xf32, #tpu.memory_space<vmem_shared>>)
        tpu.yield
      }) : () -> ()
    }
    %scan3A_9 = arith.constant 79 : i32
    %barrier3A_10 = arith.constant 0 : index
    tpu.barrier barrier_id(%barrier3A_10)
    %mul3A_11 = arith.constant 632 : i32
    %mul3A_12 = arith.muli %arg1, %mul3A_11 : i32
    %mul3A_13 = arith.constant 632 : i32
    %mul3A_14 = arith.muli %arg1, %mul3A_13 : i32
    "tpu.region"() ({
      %run_scoped3A = tpu.sem_alloc : memref<!tpu.dma_semaphore, #tpu.memory_space<semaphore_mem>>
      %dma_start3A = arith.constant 0 : i32
      %dma_start3A_15 = arith.constant 0 : i32
      %dma_start3A_16 = tpu.memref_slice %arg6[%arg0, %dma_start3A, %dma_start3A_15] : memref<2x10112x128xf32, #tpu.memory_space<hbm>> -> memref<1x10112x128xf32, #tpu.memory_space<hbm>>
      %dma_start3A_17 = tpu.memref_squeeze %dma_start3A_16 : memref<1x10112x128xf32, #tpu.memory_space<hbm>> -> memref<10112x128xf32, #tpu.memory_space<hbm>>
      %dma_start3A_18 = arith.constant 0 : i32
      %dma_start3A_19 = tpu.memref_slice %dma_start3A_17[%mul3A_14, %dma_start3A_18] : memref<10112x128xf32, #tpu.memory_space<hbm>> -> memref<632x128xf32, #tpu.memory_space<hbm>>
      %dma_start3A_20 = arith.constant 0 : i32
      %dma_start3A_21 = tpu.memref_slice %arg10[%mul3A_12, %dma_start3A_20] : memref<10112x128xf32, #tpu.memory_space<vmem_shared>> -> memref<632x128xf32, #tpu.memory_space<vmem_shared>>
      tpu.enqueue_dma source(%dma_start3A_21 : memref<632x128xf32, #tpu.memory_space<vmem_shared>>) target(%dma_start3A_19 : memref<632x128xf32, #tpu.memory_space<hbm>>) target_semaphore(%run_scoped3A : memref<!tpu.dma_semaphore, #tpu.memory_space<semaphore_mem>>)
      %dma_wait3A = arith.constant 0 : i32
      %dma_wait3A_22 = arith.constant 0 : i32
      %dma_wait3A_23 = tpu.memref_slice %arg6[%arg0, %dma_wait3A, %dma_wait3A_22] : memref<2x10112x128xf32, #tpu.memory_space<hbm>> -> memref<1x10112x128xf32, #tpu.memory_space<hbm>>
      %dma_wait3A_24 = tpu.memref_squeeze %dma_wait3A_23 : memref<1x10112x128xf32, #tpu.memory_space<hbm>> -> memref<10112x128xf32, #tpu.memory_space<hbm>>
      %dma_wait3A_25 = arith.constant 0 : i32
      %dma_wait3A_26 = tpu.memref_slice %dma_wait3A_24[%mul3A_14, %dma_wait3A_25] : memref<10112x128xf32, #tpu.memory_space<hbm>> -> memref<632x128xf32, #tpu.memory_space<hbm>>
      %dma_wait3A_27 = arith.constant 0 : i32
      %dma_wait3A_28 = tpu.memref_slice %arg10[%mul3A_12, %dma_wait3A_27] : memref<10112x128xf32, #tpu.memory_space<vmem_shared>> -> memref<632x128xf32, #tpu.memory_space<vmem_shared>>
      tpu.wait_dma2 semaphore(%run_scoped3A : memref<!tpu.dma_semaphore, #tpu.memory_space<semaphore_mem>>) src(%dma_wait3A_28 : memref<632x128xf32, #tpu.memory_space<vmem_shared>>) dst(%dma_wait3A_26 : memref<632x128xf32, #tpu.memory_space<hbm>>)
      tpu.yield
    }) : () -> ()
    return
  }
}

#map = affine_map<(d0, d1) -> (0, 0)>
#map1 = affine_map<(d0, d1) -> (0, 0, 0)>
module attributes {stable_mosaic.version = 14 : i64} {
  func.func @k(%arg0: i32, %arg1: i32, %arg2: memref<10000x128xf32, #tpu.memory_space<hbm>>, %arg3: memref<32x79x128xi32, #tpu.memory_space<hbm>>, %arg4: memref<32x79x128xi32, #tpu.memory_space<hbm>>, %arg5: memref<10112x128xf32, #tpu.memory_space<hbm>>, %arg6: memref<2x10112x128xf32, #tpu.memory_space<hbm>>, %arg7: memref<79x128xi32, #tpu.memory_space<vmem>>, %arg8: memref<79x128xi32, #tpu.memory_space<vmem>>, %arg9: memref<128x128xf32, #tpu.memory_space<vmem>>, %arg10: memref<10112x128xf32, #tpu.memory_space<vmem_shared>>, %arg11: memref<!tpu.dma_semaphore, #tpu.memory_space<semaphore_mem>>) attributes {dimension_semantics = [#tpu.dimension_semantics<core_parallel>, #tpu.dimension_semantics<subcore_parallel>], iteration_bounds = array<i64: 2, 16>, scalar_prefetch = 0 : i64, scratch_operands = 5 : i64, tpu.core_type = #tpu.core_type<sc_vector_subcore>, window_params = [{transform_indices = #map}, {transform_indices = #map1}, {transform_indices = #map1}, {transform_indices = #map}, {transform_indices = #map1}]} {
    %mul3A = arith.constant 16 : i32
    %mul3A_0 = arith.muli %arg0, %mul3A : i32
    %add3A = arith.addi %mul3A_0, %arg1 : i32
    %mul3A_1 = arith.constant 632 : i32
    %mul3A_2 = arith.muli %arg1, %mul3A_1 : i32
    %mul3A_3 = arith.constant 632 : i32
    %mul3A_4 = arith.muli %arg1, %mul3A_3 : i32
    "tpu.region"() ({
      %run_scoped3A = tpu.sem_alloc : memref<!tpu.dma_semaphore, #tpu.memory_space<semaphore_mem>>
      %dma_start3A = arith.constant 0 : i32
      %dma_start3A_15 = tpu.memref_slice %arg10[%mul3A_4, %dma_start3A] : memref<10112x128xf32, #tpu.memory_space<vmem_shared>> -> memref<632x128xf32, #tpu.memory_space<vmem_shared>>
      %dma_start3A_16 = arith.constant 0 : i32
      %dma_start3A_17 = tpu.memref_slice %arg5[%mul3A_2, %dma_start3A_16] : memref<10112x128xf32, #tpu.memory_space<hbm>> -> memref<632x128xf32, #tpu.memory_space<hbm>>
      tpu.enqueue_dma source(%dma_start3A_17 : memref<632x128xf32, #tpu.memory_space<hbm>>) target(%dma_start3A_15 : memref<632x128xf32, #tpu.memory_space<vmem_shared>>) target_semaphore(%run_scoped3A : memref<!tpu.dma_semaphore, #tpu.memory_space<semaphore_mem>>)
      %dma_wait3A = arith.constant 0 : i32
      %dma_wait3A_18 = tpu.memref_slice %arg10[%mul3A_4, %dma_wait3A] : memref<10112x128xf32, #tpu.memory_space<vmem_shared>> -> memref<632x128xf32, #tpu.memory_space<vmem_shared>>
      %dma_wait3A_19 = arith.constant 0 : i32
      %dma_wait3A_20 = tpu.memref_slice %arg5[%mul3A_2, %dma_wait3A_19] : memref<10112x128xf32, #tpu.memory_space<hbm>> -> memref<632x128xf32, #tpu.memory_space<hbm>>
      tpu.wait_dma2 semaphore(%run_scoped3A : memref<!tpu.dma_semaphore, #tpu.memory_space<semaphore_mem>>) src(%dma_wait3A_20 : memref<632x128xf32, #tpu.memory_space<hbm>>) dst(%dma_wait3A_18 : memref<632x128xf32, #tpu.memory_space<vmem_shared>>)
      tpu.yield
    }) : () -> ()
    "tpu.region"() ({
      %run_scoped3A = tpu.sem_alloc : memref<!tpu.dma_semaphore, #tpu.memory_space<semaphore_mem>>
      %dma_start3A = arith.constant 0 : i32
      %dma_start3A_15 = arith.constant 0 : i32
      %dma_start3A_16 = tpu.memref_slice %arg3[%add3A, %dma_start3A, %dma_start3A_15] : memref<32x79x128xi32, #tpu.memory_space<hbm>> -> memref<1x79x128xi32, #tpu.memory_space<hbm>>
      %dma_start3A_17 = tpu.memref_squeeze %dma_start3A_16 : memref<1x79x128xi32, #tpu.memory_space<hbm>> -> memref<79x128xi32, #tpu.memory_space<hbm>>
      %dma_start3A_18 = arith.constant 0 : i32
      %dma_start3A_19 = arith.constant 0 : i32
      %dma_start3A_20 = tpu.memref_slice %arg3[%add3A, %dma_start3A_18, %dma_start3A_19] : memref<32x79x128xi32, #tpu.memory_space<hbm>> -> memref<1x79x128xi32, #tpu.memory_space<hbm>>
      %dma_start3A_21 = tpu.memref_squeeze %dma_start3A_20 : memref<1x79x128xi32, #tpu.memory_space<hbm>> -> memref<79x128xi32, #tpu.memory_space<hbm>>
      tpu.enqueue_dma source(%dma_start3A_21 : memref<79x128xi32, #tpu.memory_space<hbm>>) target(%arg7 : memref<79x128xi32, #tpu.memory_space<vmem>>) target_semaphore(%run_scoped3A : memref<!tpu.dma_semaphore, #tpu.memory_space<semaphore_mem>>)
      %dma_wait3A = arith.constant 0 : i32
      %dma_wait3A_22 = arith.constant 0 : i32
      %dma_wait3A_23 = tpu.memref_slice %arg3[%add3A, %dma_wait3A, %dma_wait3A_22] : memref<32x79x128xi32, #tpu.memory_space<hbm>> -> memref<1x79x128xi32, #tpu.memory_space<hbm>>
      %dma_wait3A_24 = tpu.memref_squeeze %dma_wait3A_23 : memref<1x79x128xi32, #tpu.memory_space<hbm>> -> memref<79x128xi32, #tpu.memory_space<hbm>>
      %dma_wait3A_25 = arith.constant 0 : i32
      %dma_wait3A_26 = arith.constant 0 : i32
      %dma_wait3A_27 = tpu.memref_slice %arg3[%add3A, %dma_wait3A_25, %dma_wait3A_26] : memref<32x79x128xi32, #tpu.memory_space<hbm>> -> memref<1x79x128xi32, #tpu.memory_space<hbm>>
      %dma_wait3A_28 = tpu.memref_squeeze %dma_wait3A_27 : memref<1x79x128xi32, #tpu.memory_space<hbm>> -> memref<79x128xi32, #tpu.memory_space<hbm>>
      tpu.wait_dma2 semaphore(%run_scoped3A : memref<!tpu.dma_semaphore, #tpu.memory_space<semaphore_mem>>) src(%dma_wait3A_28 : memref<79x128xi32, #tpu.memory_space<hbm>>) dst(%arg7 : memref<79x128xi32, #tpu.memory_space<vmem>>)
      tpu.yield
    }) : () -> ()
    "tpu.region"() ({
      %run_scoped3A = tpu.sem_alloc : memref<!tpu.dma_semaphore, #tpu.memory_space<semaphore_mem>>
      %dma_start3A = arith.constant 0 : i32
      %dma_start3A_15 = arith.constant 0 : i32
      %dma_start3A_16 = tpu.memref_slice %arg4[%add3A, %dma_start3A, %dma_start3A_15] : memref<32x79x128xi32, #tpu.memory_space<hbm>> -> memref<1x79x128xi32, #tpu.memory_space<hbm>>
      %dma_start3A_17 = tpu.memref_squeeze %dma_start3A_16 : memref<1x79x128xi32, #tpu.memory_space<hbm>> -> memref<79x128xi32, #tpu.memory_space<hbm>>
      %dma_start3A_18 = arith.constant 0 : i32
      %dma_start3A_19 = arith.constant 0 : i32
      %dma_start3A_20 = tpu.memref_slice %arg4[%add3A, %dma_start3A_18, %dma_start3A_19] : memref<32x79x128xi32, #tpu.memory_space<hbm>> -> memref<1x79x128xi32, #tpu.memory_space<hbm>>
      %dma_start3A_21 = tpu.memref_squeeze %dma_start3A_20 : memref<1x79x128xi32, #tpu.memory_space<hbm>> -> memref<79x128xi32, #tpu.memory_space<hbm>>
      tpu.enqueue_dma source(%dma_start3A_21 : memref<79x128xi32, #tpu.memory_space<hbm>>) target(%arg8 : memref<79x128xi32, #tpu.memory_space<vmem>>) target_semaphore(%run_scoped3A : memref<!tpu.dma_semaphore, #tpu.memory_space<semaphore_mem>>)
      %dma_wait3A = arith.constant 0 : i32
      %dma_wait3A_22 = arith.constant 0 : i32
      %dma_wait3A_23 = tpu.memref_slice %arg4[%add3A, %dma_wait3A, %dma_wait3A_22] : memref<32x79x128xi32, #tpu.memory_space<hbm>> -> memref<1x79x128xi32, #tpu.memory_space<hbm>>
      %dma_wait3A_24 = tpu.memref_squeeze %dma_wait3A_23 : memref<1x79x128xi32, #tpu.memory_space<hbm>> -> memref<79x128xi32, #tpu.memory_space<hbm>>
      %dma_wait3A_25 = arith.constant 0 : i32
      %dma_wait3A_26 = arith.constant 0 : i32
      %dma_wait3A_27 = tpu.memref_slice %arg4[%add3A, %dma_wait3A_25, %dma_wait3A_26] : memref<32x79x128xi32, #tpu.memory_space<hbm>> -> memref<1x79x128xi32, #tpu.memory_space<hbm>>
      %dma_wait3A_28 = tpu.memref_squeeze %dma_wait3A_27 : memref<1x79x128xi32, #tpu.memory_space<hbm>> -> memref<79x128xi32, #tpu.memory_space<hbm>>
      tpu.wait_dma2 semaphore(%run_scoped3A : memref<!tpu.dma_semaphore, #tpu.memory_space<semaphore_mem>>) src(%dma_wait3A_28 : memref<79x128xi32, #tpu.memory_space<hbm>>) dst(%arg8 : memref<79x128xi32, #tpu.memory_space<vmem>>)
      tpu.yield
    }) : () -> ()
    %barrier3A = arith.constant 0 : index
    tpu.barrier barrier_id(%barrier3A)
    %scan3A = arith.constant 0 : i32
    %scan3A_5 = arith.constant 0 : i32
    %scan3A_6 = arith.constant 79 : i32
    %scan3A_7 = arith.addi %scan3A_5, %scan3A_6 : i32
    %scan3A_8 = arith.constant 1 : i32
    scf.for %scan3A_15 = %scan3A_5 to %scan3A_7 step %scan3A_8  : i32 {
      %dma_start3A = arith.constant 0 : i32
      %dma_start3A_16 = tpu.memref_slice %arg7[%scan3A_15, %dma_start3A] : memref<79x128xi32, #tpu.memory_space<vmem>> -> memref<1x128xi32, #tpu.memory_space<vmem>>
      %dma_start3A_17 = tpu.memref_squeeze %dma_start3A_16 : memref<1x128xi32, #tpu.memory_space<vmem>> -> memref<128xi32, #tpu.memory_space<vmem>>
      %dma_start3A_18 = arith.constant 0 : i32
      %dma_start3A_19 = arith.constant 0 : i32
      %dma_start3A_20 = tpu.memref_slice %arg2[%dma_start3A_18, %dma_start3A_19] : memref<10000x128xf32, #tpu.memory_space<hbm>> -> memref<10000x128xf32, #tpu.memory_space<hbm>>
      tpu.enqueue_indirect_dma source(%dma_start3A_20 : memref<10000x128xf32, #tpu.memory_space<hbm>>) target(%arg9 : memref<128x128xf32, #tpu.memory_space<vmem>>) offsets(%dma_start3A_17 : memref<128xi32, #tpu.memory_space<vmem>>) semaphore(%arg11 : memref<!tpu.dma_semaphore, #tpu.memory_space<semaphore_mem>>)
      %dma_wait3A = arith.constant 0 : i32
      %dma_wait3A_21 = tpu.memref_slice %arg7[%scan3A_15, %dma_wait3A] : memref<79x128xi32, #tpu.memory_space<vmem>> -> memref<1x128xi32, #tpu.memory_space<vmem>>
      %dma_wait3A_22 = tpu.memref_squeeze %dma_wait3A_21 : memref<1x128xi32, #tpu.memory_space<vmem>> -> memref<128xi32, #tpu.memory_space<vmem>>
      %dma_wait3A_23 = arith.constant 0 : i32
      %dma_wait3A_24 = arith.constant 0 : i32
      %dma_wait3A_25 = tpu.memref_slice %arg2[%dma_wait3A_23, %dma_wait3A_24] : memref<10000x128xf32, #tpu.memory_space<hbm>> -> memref<10000x128xf32, #tpu.memory_space<hbm>>
      tpu.wait_indirect_dma semaphore(%arg11 : memref<!tpu.dma_semaphore, #tpu.memory_space<semaphore_mem>>) src(%dma_wait3A_25 : memref<10000x128xf32, #tpu.memory_space<hbm>>) dst(%arg9 : memref<128x128xf32, #tpu.memory_space<vmem>>)
      "tpu.region"() ({
        %run_scoped3A = tpu.sem_alloc : memref<!tpu.dma_semaphore, #tpu.memory_space<semaphore_mem>>
        %dma_start3A_26 = arith.constant 0 : i32
        %dma_start3A_27 = tpu.memref_slice %arg8[%scan3A_15, %dma_start3A_26] : memref<79x128xi32, #tpu.memory_space<vmem>> -> memref<1x128xi32, #tpu.memory_space<vmem>>
        %dma_start3A_28 = tpu.memref_squeeze %dma_start3A_27 : memref<1x128xi32, #tpu.memory_space<vmem>> -> memref<128xi32, #tpu.memory_space<vmem>>
        %dma_start3A_29 = arith.constant 0 : i32
        %dma_start3A_30 = arith.constant 0 : i32
        %dma_start3A_31 = tpu.memref_slice %arg10[%dma_start3A_29, %dma_start3A_30] : memref<10112x128xf32, #tpu.memory_space<vmem_shared>> -> memref<10112x128xf32, #tpu.memory_space<vmem_shared>>
        tpu.enqueue_indirect_dma source(%arg9 : memref<128x128xf32, #tpu.memory_space<vmem>>) target(%dma_start3A_31 : memref<10112x128xf32, #tpu.memory_space<vmem_shared>>) offsets(%dma_start3A_28 : memref<128xi32, #tpu.memory_space<vmem>>) semaphore(%run_scoped3A : memref<!tpu.dma_semaphore, #tpu.memory_space<semaphore_mem>>) {add = true}
        %dma_wait3A_32 = arith.constant 0 : i32
        %dma_wait3A_33 = tpu.memref_slice %arg8[%scan3A_15, %dma_wait3A_32] : memref<79x128xi32, #tpu.memory_space<vmem>> -> memref<1x128xi32, #tpu.memory_space<vmem>>
        %dma_wait3A_34 = tpu.memref_squeeze %dma_wait3A_33 : memref<1x128xi32, #tpu.memory_space<vmem>> -> memref<128xi32, #tpu.memory_space<vmem>>
        %dma_wait3A_35 = arith.constant 0 : i32
        %dma_wait3A_36 = arith.constant 0 : i32
        %dma_wait3A_37 = tpu.memref_slice %arg10[%dma_wait3A_35, %dma_wait3A_36] : memref<10112x128xf32, #tpu.memory_space<vmem_shared>> -> memref<10112x128xf32, #tpu.memory_space<vmem_shared>>
        tpu.wait_indirect_dma semaphore(%run_scoped3A : memref<!tpu.dma_semaphore, #tpu.memory_space<semaphore_mem>>) src(%arg9 : memref<128x128xf32, #tpu.memory_space<vmem>>) dst(%dma_wait3A_37 : memref<10112x128xf32, #tpu.memory_space<vmem_shared>>)
        tpu.yield
      }) : () -> ()
    }
    %scan3A_9 = arith.constant 79 : i32
    %barrier3A_10 = arith.constant 0 : index
    tpu.barrier barrier_id(%barrier3A_10)
    %mul3A_11 = arith.constant 632 : i32
    %mul3A_12 = arith.muli %arg1, %mul3A_11 : i32
    %mul3A_13 = arith.constant 632 : i32
    %mul3A_14 = arith.muli %arg1, %mul3A_13 : i32
    "tpu.region"() ({
      %run_scoped3A = tpu.sem_alloc : memref<!tpu.dma_semaphore, #tpu.memory_space<semaphore_mem>>
      %dma_start3A = arith.constant 0 : i32
      %dma_start3A_15 = arith.constant 0 : i32
      %dma_start3A_16 = tpu.memref_slice %arg6[%arg0, %dma_start3A, %dma_start3A_15] : memref<2x10112x128xf32, #tpu.memory_space<hbm>> -> memref<1x10112x128xf32, #tpu.memory_space<hbm>>
      %dma_start3A_17 = tpu.memref_squeeze %dma_start3A_16 : memref<1x10112x128xf32, #tpu.memory_space<hbm>> -> memref<10112x128xf32, #tpu.memory_space<hbm>>
      %dma_start3A_18 = arith.constant 0 : i32
      %dma_start3A_19 = tpu.memref_slice %dma_start3A_17[%mul3A_14, %dma_start3A_18] : memref<10112x128xf32, #tpu.memory_space<hbm>> -> memref<632x128xf32, #tpu.memory_space<hbm>>
      %dma_start3A_20 = arith.constant 0 : i32
      %dma_start3A_21 = tpu.memref_slice %arg10[%mul3A_12, %dma_start3A_20] : memref<10112x128xf32, #tpu.memory_space<vmem_shared>> -> memref<632x128xf32, #tpu.memory_space<vmem_shared>>
      tpu.enqueue_dma source(%dma_start3A_21 : memref<632x128xf32, #tpu.memory_space<vmem_shared>>) target(%dma_start3A_19 : memref<632x128xf32, #tpu.memory_space<hbm>>) target_semaphore(%run_scoped3A : memref<!tpu.dma_semaphore, #tpu.memory_space<semaphore_mem>>)
      %dma_wait3A = arith.constant 0 : i32
      %dma_wait3A_22 = arith.constant 0 : i32
      %dma_wait3A_23 = tpu.memref_slice %arg6[%arg0, %dma_wait3A, %dma_wait3A_22] : memref<2x10112x128xf32, #tpu.memory_space<hbm>> -> memref<1x10112x128xf32, #tpu.memory_space<hbm>>
      %dma_wait3A_24 = tpu.memref_squeeze %dma_wait3A_23 : memref<1x10112x128xf32, #tpu.memory_space<hbm>> -> memref<10112x128xf32, #tpu.memory_space<hbm>>
      %dma_wait3A_25 = arith.constant 0 : i32
      %dma_wait3A_26 = tpu.memref_slice %dma_wait3A_24[%mul3A_14, %dma_wait3A_25] : memref<10112x128xf32, #tpu.memory_space<hbm>> -> memref<632x128xf32, #tpu.memory_space<hbm>>
      %dma_wait3A_27 = arith.constant 0 : i32
      %dma_wait3A_28 = tpu.memref_slice %arg10[%mul3A_12, %dma_wait3A_27] : memref<10112x128xf32, #tpu.memory_space<vmem_shared>> -> memref<632x128xf32, #tpu.memory_space<vmem_shared>>
      tpu.wait_dma2 semaphore(%run_scoped3A : memref<!tpu.dma_semaphore, #tpu.memory_space<semaphore_mem>>) src(%dma_wait3A_28 : memref<632x128xf32, #tpu.memory_space<vmem_shared>>) dst(%dma_wait3A_26 : memref<632x128xf32, #tpu.memory_space<hbm>>)
      tpu.yield
    }) : () -> ()
    return
  }
}

module attributes {stable_mosaic.version = 14 : i64} {
  func.func @_proj_body(%arg0: i32, %arg1: memref<1000x128xf32, #tpu.memory_space<vmem>>, %arg2: memref<128x128xf32, #tpu.memory_space<vmem>>, %arg3: memref<128x128xf32, #tpu.memory_space<vmem>>, %arg4: memref<1000x128xf32, #tpu.memory_space<vmem>>, %arg5: memref<1000x128xf32, #tpu.memory_space<vmem>>) attributes {dimension_semantics = [#tpu.dimension_semantics<arbitrary>], iteration_bounds = array<i64: 10>, scalar_prefetch = 0 : i64, scratch_operands = 0 : i64, tpu.core_type = #tpu.core_type<tc>, window_params = [{transform_indices = @transform_0, window_bounds = array<i64: 1000, 128>}, {pipeline_mode = #tpu.pipeline_mode<synchronous>, transform_indices = @transform_1, window_bounds = array<i64: 128, 128>}, {pipeline_mode = #tpu.pipeline_mode<synchronous>, transform_indices = @transform_2, window_bounds = array<i64: 128, 128>}, {transform_indices = @transform_3, window_bounds = array<i64: 1000, 128>}, {transform_indices = @transform_4, window_bounds = array<i64: 1000, 128>}]} {
    %get3A = arith.constant 0 : index
    %get3A_0 = arith.constant 0 : index
    %get3A_1 = vector.load %arg1[%get3A, %get3A_0] : memref<1000x128xf32, #tpu.memory_space<vmem>>, vector<1000x128xf32>
    %get3A_2 = arith.constant 0 : index
    %get3A_3 = arith.constant 0 : index
    %get3A_4 = vector.load %arg2[%get3A_2, %get3A_3] : memref<128x128xf32, #tpu.memory_space<vmem>>, vector<128x128xf32>
    %dot_general3A = arith.constant dense<0.000000e+00> : vector<1000x128xf32>
    %dot_general3A_5 = tpu.matmul %get3A_1, %get3A_4, %dot_general3A {dimension_numbers = #tpu.dot_dimension_numbers<[1], [0], [0], [1], [0, 0, 1, 1], [], []>, transpose_lhs_hint = false} : vector<1000x128xf32>, vector<128x128xf32>, vector<1000x128xf32> -> vector<1000x128xf32>
    %tanh3A = math.tanh %dot_general3A_5 : vector<1000x128xf32>
    %swap3A = arith.constant 0 : index
    %swap3A_6 = arith.constant 0 : index
    %swap3A_7 = vector.load %arg4[%swap3A, %swap3A_6] : memref<1000x128xf32, #tpu.memory_space<vmem>>, vector<1000x128xf32>
    tpu.vector_store %arg4[%swap3A, %swap3A_6], %tanh3A {strides = array<i32>} : memref<1000x128xf32, #tpu.memory_space<vmem>>, vector<1000x128xf32>,
    %get3A_8 = arith.constant 0 : index
    %get3A_9 = arith.constant 0 : index
    %get3A_10 = vector.load %arg3[%get3A_8, %get3A_9] : memref<128x128xf32, #tpu.memory_space<vmem>>, vector<128x128xf32>
    %dot_general3A_11 = arith.constant dense<0.000000e+00> : vector<1000x128xf32>
    %dot_general3A_12 = tpu.matmul %tanh3A, %get3A_10, %dot_general3A_11 {dimension_numbers = #tpu.dot_dimension_numbers<[1], [0], [0], [1], [0, 0, 1, 1], [], []>, transpose_lhs_hint = false} : vector<1000x128xf32>, vector<128x128xf32>, vector<1000x128xf32> -> vector<1000x128xf32>
    %swap3A_13 = arith.constant 0 : index
    %swap3A_14 = arith.constant 0 : index
    %swap3A_15 = vector.load %arg5[%swap3A_13, %swap3A_14] : memref<1000x128xf32, #tpu.memory_space<vmem>>, vector<1000x128xf32>
    tpu.vector_store %arg5[%swap3A_13, %swap3A_14], %dot_general3A_12 {strides = array<i32>} : memref<1000x128xf32, #tpu.memory_space<vmem>>, vector<1000x128xf32>,
    return
  }
  func.func @transform_0(%arg0: i32) -> (i32, i32) {
    %c0_i32 = arith.constant 0 : i32
    %c0_i32_0 = arith.constant 0 : i32
    return %arg0, %c0_i32 : i32, i32
  }
  func.func @transform_1(%arg0: i32) -> (i32, i32) {
    %c0_i32 = arith.constant 0 : i32
    %c0_i32_0 = arith.constant 0 : i32
    %c0_i32_1 = arith.constant 0 : i32
    return %c0_i32, %c0_i32_0 : i32, i32
  }
  func.func @transform_2(%arg0: i32) -> (i32, i32) {
    %c0_i32 = arith.constant 0 : i32
    %c0_i32_0 = arith.constant 0 : i32
    %c0_i32_1 = arith.constant 0 : i32
    return %c0_i32, %c0_i32_0 : i32, i32
  }
  func.func @transform_3(%arg0: i32) -> (i32, i32) {
    %c0_i32 = arith.constant 0 : i32
    %c0_i32_0 = arith.constant 0 : i32
    return %arg0, %c0_i32 : i32, i32
  }
  func.func @transform_4(%arg0: i32) -> (i32, i32) {
    %c0_i32 = arith.constant 0 : i32
    %c0_i32_0 = arith.constant 0 : i32
    return %arg0, %c0_i32 : i32, i32
  }
}

module attributes {stable_mosaic.version = 14 : i64} {
  func.func @_gru_body(%arg0: i32, %arg1: memref<2x1000x128xf32, #tpu.memory_space<vmem>>, %arg2: memref<1000x128xf32, #tpu.memory_space<vmem>>, %arg3: memref<128x384xf32, #tpu.memory_space<vmem>>, %arg4: memref<128x384xf32, #tpu.memory_space<vmem>>, %arg5: memref<8x384xf32, #tpu.memory_space<vmem>>, %arg6: memref<8x384xf32, #tpu.memory_space<vmem>>, %arg7: memref<128x128xf32, #tpu.memory_space<vmem>>, %arg8: memref<1000x128xf32, #tpu.memory_space<vmem>>, %arg9: memref<1000x128xf32, #tpu.memory_space<vmem>>) attributes {dimension_semantics = [#tpu.dimension_semantics<arbitrary>], iteration_bounds = array<i64: 10>, scalar_prefetch = 0 : i64, scratch_operands = 0 : i64, tpu.core_type = #tpu.core_type<tc>, window_params = [{transform_indices = @transform_0, window_bounds = array<i64: 2, 1000, 128>}, {transform_indices = @transform_1, window_bounds = array<i64: 1000, 128>}, {pipeline_mode = #tpu.pipeline_mode<synchronous>, transform_indices = @transform_2, window_bounds = array<i64: 128, 384>}, {pipeline_mode = #tpu.pipeline_mode<synchronous>, transform_indices = @transform_3, window_bounds = array<i64: 128, 384>}, {pipeline_mode = #tpu.pipeline_mode<synchronous>, transform_indices = @transform_4, window_bounds = array<i64: 8, 384>}, {pipeline_mode = #tpu.pipeline_mode<synchronous>, transform_indices = @transform_5, window_bounds = array<i64: 8, 384>}, {pipeline_mode = #tpu.pipeline_mode<synchronous>, transform_indices = @transform_6, window_bounds = array<i64: 128, 128>}, {transform_indices = @transform_7, window_bounds = array<i64: 1000, 128>}, {transform_indices = @transform_8, window_bounds = array<i64: 1000, 128>}]} {
    %get3A = arith.constant 0 : index
    %get3A_0 = arith.constant 0 : index
    %get3A_1 = arith.constant 0 : index
    %get3A_2 = vector.load %arg1[%get3A, %get3A_0, %get3A_1] : memref<2x1000x128xf32, #tpu.memory_space<vmem>>, vector<1x1000x128xf32>
    %get3A_3 = vector.shape_cast %get3A_2 : vector<1x1000x128xf32> to vector<1000x128xf32>
    %get3A_4 = arith.constant 1 : index
    %get3A_5 = arith.constant 0 : index
    %get3A_6 = arith.constant 0 : index
    %get3A_7 = vector.load %arg1[%get3A_4, %get3A_5, %get3A_6] : memref<2x1000x128xf32, #tpu.memory_space<vmem>>, vector<1x1000x128xf32>
    %get3A_8 = vector.shape_cast %get3A_7 : vector<1x1000x128xf32> to vector<1000x128xf32>
    %add3A = arith.addf %get3A_3, %get3A_8 : vector<1000x128xf32>
    %get3A_9 = arith.constant 0 : index
    %get3A_10 = arith.constant 0 : index
    %get3A_11 = vector.load %arg2[%get3A_9, %get3A_10] : memref<1000x128xf32, #tpu.memory_space<vmem>>, vector<1000x128xf32>
    %get3A_12 = arith.constant 0 : index
    %get3A_13 = arith.constant 0 : index
    %get3A_14 = vector.load %arg3[%get3A_12, %get3A_13] : memref<128x384xf32, #tpu.memory_space<vmem>>, vector<128x384xf32>
    %dot_general3A = arith.constant dense<0.000000e+00> : vector<1000x384xf32>
    %dot_general3A_15 = tpu.matmul %add3A, %get3A_14, %dot_general3A {dimension_numbers = #tpu.dot_dimension_numbers<[1], [0], [0], [1], [0, 0, 1, 1], [], []>, transpose_lhs_hint = false} : vector<1000x128xf32>, vector<128x384xf32>, vector<1000x384xf32> -> vector<1000x384xf32>
    %get3A_16 = arith.constant 0 : index
    %get3A_17 = arith.constant 0 : index
    %get3A_18 = vector.load %arg5[%get3A_16, %get3A_17] : memref<8x384xf32, #tpu.memory_space<vmem>>, vector<1x384xf32>
    %add3A_19 = vector.broadcast %get3A_18 : vector<1x384xf32> to vector<1000x384xf32>
    %add3A_20 = arith.addf %dot_general3A_15, %add3A_19 : vector<1000x384xf32>
    %get3A_21 = arith.constant 0 : index
    %get3A_22 = arith.constant 0 : index
    %get3A_23 = vector.load %arg4[%get3A_21, %get3A_22] : memref<128x384xf32, #tpu.memory_space<vmem>>, vector<128x384xf32>
    %dot_general3A_24 = arith.constant dense<0.000000e+00> : vector<1000x384xf32>
    %dot_general3A_25 = tpu.matmul %get3A_11, %get3A_23, %dot_general3A_24 {dimension_numbers = #tpu.dot_dimension_numbers<[1], [0], [0], [1], [0, 0, 1, 1], [], []>, transpose_lhs_hint = false} : vector<1000x128xf32>, vector<128x384xf32>, vector<1000x384xf32> -> vector<1000x384xf32>
    %get3A_26 = arith.constant 0 : index
    %get3A_27 = arith.constant 0 : index
    %get3A_28 = vector.load %arg6[%get3A_26, %get3A_27] : memref<8x384xf32, #tpu.memory_space<vmem>>, vector<1x384xf32>
    %add3A_29 = vector.broadcast %get3A_28 : vector<1x384xf32> to vector<1000x384xf32>
    %add3A_30 = arith.addf %dot_general3A_25, %add3A_29 : vector<1000x384xf32>
    %slice3A = vector.extract_strided_slice %add3A_20 {offsets = [0, 0], sizes = [1000, 128], strides = [1, 1]} : vector<1000x384xf32> to vector<1000x128xf32>
    %slice3A_31 = vector.extract_strided_slice %add3A_30 {offsets = [0, 0], sizes = [1000, 128], strides = [1, 1]} : vector<1000x384xf32> to vector<1000x128xf32>
    %add3A_32 = arith.addf %slice3A, %slice3A_31 : vector<1000x128xf32>
    %logistic3A = arith.negf %add3A_32 : vector<1000x128xf32>
    %logistic3A_33 = math.exp %logistic3A : vector<1000x128xf32>
    %logistic3A_34 = arith.constant 1.000000e+00 : f32
    %logistic3A_35 = vector.broadcast %logistic3A_34 : f32 to vector<1000x128xf32>
    %logistic3A_36 = arith.addf %logistic3A_35, %logistic3A_33 : vector<1000x128xf32>
    %logistic3A_37 = arith.divf %logistic3A_35, %logistic3A_36 : vector<1000x128xf32>
    %slice3A_38 = vector.extract_strided_slice %add3A_20 {offsets = [0, 128], sizes = [1000, 128], strides = [1, 1]} : vector<1000x384xf32> to vector<1000x128xf32>
    %slice3A_39 = vector.extract_strided_slice %add3A_30 {offsets = [0, 128], sizes = [1000, 128], strides = [1, 1]} : vector<1000x384xf32> to vector<1000x128xf32>
    %add3A_40 = arith.addf %slice3A_38, %slice3A_39 : vector<1000x128xf32>
    %logistic3A_41 = arith.negf %add3A_40 : vector<1000x128xf32>
    %logistic3A_42 = math.exp %logistic3A_41 : vector<1000x128xf32>
    %logistic3A_43 = arith.constant 1.000000e+00 : f32
    %logistic3A_44 = vector.broadcast %logistic3A_43 : f32 to vector<1000x128xf32>
    %logistic3A_45 = arith.addf %logistic3A_44, %logistic3A_42 : vector<1000x128xf32>
    %logistic3A_46 = arith.divf %logistic3A_44, %logistic3A_45 : vector<1000x128xf32>
    %slice3A_47 = vector.extract_strided_slice %add3A_20 {offsets = [0, 256], sizes = [1000, 128], strides = [1, 1]} : vector<1000x384xf32> to vector<1000x128xf32>
    %slice3A_48 = vector.extract_strided_slice %add3A_30 {offsets = [0, 256], sizes = [1000, 128], strides = [1, 1]} : vector<1000x384xf32> to vector<1000x128xf32>
    %mul3A = arith.mulf %logistic3A_37, %slice3A_48 : vector<1000x128xf32>
    %add3A_49 = arith.addf %slice3A_47, %mul3A : vector<1000x128xf32>
    %tanh3A = math.tanh %add3A_49 : vector<1000x128xf32>
    %sub3A = arith.constant 1.000000e+00 : f32
    %sub3A_50 = vector.broadcast %sub3A : f32 to vector<1000x128xf32>
    %sub3A_51 = arith.subf %sub3A_50, %logistic3A_46 : vector<1000x128xf32>
    %mul3A_52 = arith.mulf %sub3A_51, %tanh3A : vector<1000x128xf32>
    %mul3A_53 = arith.mulf %logistic3A_46, %get3A_11 : vector<1000x128xf32>
    %add3A_54 = arith.addf %mul3A_52, %mul3A_53 : vector<1000x128xf32>
    %swap3A = arith.constant 0 : index
    %swap3A_55 = arith.constant 0 : index
    %swap3A_56 = vector.load %arg8[%swap3A, %swap3A_55] : memref<1000x128xf32, #tpu.memory_space<vmem>>, vector<1000x128xf32>
    tpu.vector_store %arg8[%swap3A, %swap3A_55], %add3A_54 {strides = array<i32>} : memref<1000x128xf32, #tpu.memory_space<vmem>>, vector<1000x128xf32>,
    %get3A_57 = arith.constant 0 : index
    %get3A_58 = arith.constant 0 : index
    %get3A_59 = vector.load %arg7[%get3A_57, %get3A_58] : memref<128x128xf32, #tpu.memory_space<vmem>>, vector<128x128xf32>
    %dot_general3A_60 = arith.constant dense<0.000000e+00> : vector<1000x128xf32>
    %dot_general3A_61 = tpu.matmul %add3A_54, %get3A_59, %dot_general3A_60 {dimension_numbers = #tpu.dot_dimension_numbers<[1], [0], [0], [1], [0, 0, 1, 1], [], []>, transpose_lhs_hint = false} : vector<1000x128xf32>, vector<128x128xf32>, vector<1000x128xf32> -> vector<1000x128xf32>
    %swap3A_62 = arith.constant 0 : index
    %swap3A_63 = arith.constant 0 : index
    %swap3A_64 = vector.load %arg9[%swap3A_62, %swap3A_63] : memref<1000x128xf32, #tpu.memory_space<vmem>>, vector<1000x128xf32>
    tpu.vector_store %arg9[%swap3A_62, %swap3A_63], %dot_general3A_61 {strides = array<i32>} : memref<1000x128xf32, #tpu.memory_space<vmem>>, vector<1000x128xf32>,
    return
  }
  func.func @transform_0(%arg0: i32) -> (i32, i32, i32) {
    %c0_i32 = arith.constant 0 : i32
    %c0_i32_0 = arith.constant 0 : i32
    %c0_i32_1 = arith.constant 0 : i32
    return %c0_i32, %arg0, %c0_i32_0 : i32, i32, i32
  }
  func.func @transform_1(%arg0: i32) -> (i32, i32) {
    %c0_i32 = arith.constant 0 : i32
    %c0_i32_0 = arith.constant 0 : i32
    return %arg0, %c0_i32 : i32, i32
  }
  func.func @transform_2(%arg0: i32) -> (i32, i32) {
    %c0_i32 = arith.constant 0 : i32
    %c0_i32_0 = arith.constant 0 : i32
    %c0_i32_1 = arith.constant 0 : i32
    return %c0_i32, %c0_i32_0 : i32, i32
  }
  func.func @transform_3(%arg0: i32) -> (i32, i32) {
    %c0_i32 = arith.constant 0 : i32
    %c0_i32_0 = arith.constant 0 : i32
    %c0_i32_1 = arith.constant 0 : i32
    return %c0_i32, %c0_i32_0 : i32, i32
  }
  func.func @transform_4(%arg0: i32) -> (i32, i32) {
    %c0_i32 = arith.constant 0 : i32
    %c0_i32_0 = arith.constant 0 : i32
    %c0_i32_1 = arith.constant 0 : i32
    return %c0_i32, %c0_i32_0 : i32, i32
  }
  func.func @transform_5(%arg0: i32) -> (i32, i32) {
    %c0_i32 = arith.constant 0 : i32
    %c0_i32_0 = arith.constant 0 : i32
    %c0_i32_1 = arith.constant 0 : i32
    return %c0_i32, %c0_i32_0 : i32, i32
  }
  func.func @transform_6(%arg0: i32) -> (i32, i32) {
    %c0_i32 = arith.constant 0 : i32
    %c0_i32_0 = arith.constant 0 : i32
    %c0_i32_1 = arith.constant 0 : i32
    return %c0_i32, %c0_i32_0 : i32, i32
  }
  func.func @transform_7(%arg0: i32) -> (i32, i32) {
    %c0_i32 = arith.constant 0 : i32
    %c0_i32_0 = arith.constant 0 : i32
    return %arg0, %c0_i32 : i32, i32
  }
  func.func @transform_8(%arg0: i32) -> (i32, i32) {
    %c0_i32 = arith.constant 0 : i32
    %c0_i32_0 = arith.constant 0 : i32
    return %arg0, %c0_i32 : i32, i32
  }
}

module attributes {stable_mosaic.version = 14 : i64} {
  func.func @_gru_body(%arg0: i32, %arg1: memref<2x1000x128xf32, #tpu.memory_space<vmem>>, %arg2: memref<1000x128xf32, #tpu.memory_space<vmem>>, %arg3: memref<128x384xf32, #tpu.memory_space<vmem>>, %arg4: memref<128x384xf32, #tpu.memory_space<vmem>>, %arg5: memref<8x384xf32, #tpu.memory_space<vmem>>, %arg6: memref<8x384xf32, #tpu.memory_space<vmem>>, %arg7: memref<128x128xf32, #tpu.memory_space<vmem>>, %arg8: memref<1000x128xf32, #tpu.memory_space<vmem>>, %arg9: memref<1000x128xf32, #tpu.memory_space<vmem>>) attributes {dimension_semantics = [#tpu.dimension_semantics<arbitrary>], iteration_bounds = array<i64: 10>, scalar_prefetch = 0 : i64, scratch_operands = 0 : i64, tpu.core_type = #tpu.core_type<tc>, window_params = [{transform_indices = @transform_0, window_bounds = array<i64: 2, 1000, 128>}, {transform_indices = @transform_1, window_bounds = array<i64: 1000, 128>}, {pipeline_mode = #tpu.pipeline_mode<synchronous>, transform_indices = @transform_2, window_bounds = array<i64: 128, 384>}, {pipeline_mode = #tpu.pipeline_mode<synchronous>, transform_indices = @transform_3, window_bounds = array<i64: 128, 384>}, {pipeline_mode = #tpu.pipeline_mode<synchronous>, transform_indices = @transform_4, window_bounds = array<i64: 8, 384>}, {pipeline_mode = #tpu.pipeline_mode<synchronous>, transform_indices = @transform_5, window_bounds = array<i64: 8, 384>}, {pipeline_mode = #tpu.pipeline_mode<synchronous>, transform_indices = @transform_6, window_bounds = array<i64: 128, 128>}, {transform_indices = @transform_7, window_bounds = array<i64: 1000, 128>}, {transform_indices = @transform_8, window_bounds = array<i64: 1000, 128>}]} {
    %get3A = arith.constant 0 : index
    %get3A_0 = arith.constant 0 : index
    %get3A_1 = arith.constant 0 : index
    %get3A_2 = vector.load %arg1[%get3A, %get3A_0, %get3A_1] : memref<2x1000x128xf32, #tpu.memory_space<vmem>>, vector<1x1000x128xf32>
    %get3A_3 = vector.shape_cast %get3A_2 : vector<1x1000x128xf32> to vector<1000x128xf32>
    %get3A_4 = arith.constant 1 : index
    %get3A_5 = arith.constant 0 : index
    %get3A_6 = arith.constant 0 : index
    %get3A_7 = vector.load %arg1[%get3A_4, %get3A_5, %get3A_6] : memref<2x1000x128xf32, #tpu.memory_space<vmem>>, vector<1x1000x128xf32>
    %get3A_8 = vector.shape_cast %get3A_7 : vector<1x1000x128xf32> to vector<1000x128xf32>
    %add3A = arith.addf %get3A_3, %get3A_8 : vector<1000x128xf32>
    %get3A_9 = arith.constant 0 : index
    %get3A_10 = arith.constant 0 : index
    %get3A_11 = vector.load %arg2[%get3A_9, %get3A_10] : memref<1000x128xf32, #tpu.memory_space<vmem>>, vector<1000x128xf32>
    %get3A_12 = arith.constant 0 : index
    %get3A_13 = arith.constant 0 : index
    %get3A_14 = vector.load %arg3[%get3A_12, %get3A_13] : memref<128x384xf32, #tpu.memory_space<vmem>>, vector<128x384xf32>
    %dot_general3A = arith.constant dense<0.000000e+00> : vector<1000x384xf32>
    %dot_general3A_15 = tpu.matmul %add3A, %get3A_14, %dot_general3A {dimension_numbers = #tpu.dot_dimension_numbers<[1], [0], [0], [1], [0, 0, 1, 1], [], []>, transpose_lhs_hint = false} : vector<1000x128xf32>, vector<128x384xf32>, vector<1000x384xf32> -> vector<1000x384xf32>
    %get3A_16 = arith.constant 0 : index
    %get3A_17 = arith.constant 0 : index
    %get3A_18 = vector.load %arg5[%get3A_16, %get3A_17] : memref<8x384xf32, #tpu.memory_space<vmem>>, vector<1x384xf32>
    %add3A_19 = vector.broadcast %get3A_18 : vector<1x384xf32> to vector<1000x384xf32>
    %add3A_20 = arith.addf %dot_general3A_15, %add3A_19 : vector<1000x384xf32>
    %get3A_21 = arith.constant 0 : index
    %get3A_22 = arith.constant 0 : index
    %get3A_23 = vector.load %arg4[%get3A_21, %get3A_22] : memref<128x384xf32, #tpu.memory_space<vmem>>, vector<128x384xf32>
    %dot_general3A_24 = arith.constant dense<0.000000e+00> : vector<1000x384xf32>
    %dot_general3A_25 = tpu.matmul %get3A_11, %get3A_23, %dot_general3A_24 {dimension_numbers = #tpu.dot_dimension_numbers<[1], [0], [0], [1], [0, 0, 1, 1], [], []>, transpose_lhs_hint = false} : vector<1000x128xf32>, vector<128x384xf32>, vector<1000x384xf32> -> vector<1000x384xf32>
    %get3A_26 = arith.constant 0 : index
    %get3A_27 = arith.constant 0 : index
    %get3A_28 = vector.load %arg6[%get3A_26, %get3A_27] : memref<8x384xf32, #tpu.memory_space<vmem>>, vector<1x384xf32>
    %add3A_29 = vector.broadcast %get3A_28 : vector<1x384xf32> to vector<1000x384xf32>
    %add3A_30 = arith.addf %dot_general3A_25, %add3A_29 : vector<1000x384xf32>
    %slice3A = vector.extract_strided_slice %add3A_20 {offsets = [0, 0], sizes = [1000, 128], strides = [1, 1]} : vector<1000x384xf32> to vector<1000x128xf32>
    %slice3A_31 = vector.extract_strided_slice %add3A_30 {offsets = [0, 0], sizes = [1000, 128], strides = [1, 1]} : vector<1000x384xf32> to vector<1000x128xf32>
    %add3A_32 = arith.addf %slice3A, %slice3A_31 : vector<1000x128xf32>
    %logistic3A = arith.negf %add3A_32 : vector<1000x128xf32>
    %logistic3A_33 = math.exp %logistic3A : vector<1000x128xf32>
    %logistic3A_34 = arith.constant 1.000000e+00 : f32
    %logistic3A_35 = vector.broadcast %logistic3A_34 : f32 to vector<1000x128xf32>
    %logistic3A_36 = arith.addf %logistic3A_35, %logistic3A_33 : vector<1000x128xf32>
    %logistic3A_37 = arith.divf %logistic3A_35, %logistic3A_36 : vector<1000x128xf32>
    %slice3A_38 = vector.extract_strided_slice %add3A_20 {offsets = [0, 128], sizes = [1000, 128], strides = [1, 1]} : vector<1000x384xf32> to vector<1000x128xf32>
    %slice3A_39 = vector.extract_strided_slice %add3A_30 {offsets = [0, 128], sizes = [1000, 128], strides = [1, 1]} : vector<1000x384xf32> to vector<1000x128xf32>
    %add3A_40 = arith.addf %slice3A_38, %slice3A_39 : vector<1000x128xf32>
    %logistic3A_41 = arith.negf %add3A_40 : vector<1000x128xf32>
    %logistic3A_42 = math.exp %logistic3A_41 : vector<1000x128xf32>
    %logistic3A_43 = arith.constant 1.000000e+00 : f32
    %logistic3A_44 = vector.broadcast %logistic3A_43 : f32 to vector<1000x128xf32>
    %logistic3A_45 = arith.addf %logistic3A_44, %logistic3A_42 : vector<1000x128xf32>
    %logistic3A_46 = arith.divf %logistic3A_44, %logistic3A_45 : vector<1000x128xf32>
    %slice3A_47 = vector.extract_strided_slice %add3A_20 {offsets = [0, 256], sizes = [1000, 128], strides = [1, 1]} : vector<1000x384xf32> to vector<1000x128xf32>
    %slice3A_48 = vector.extract_strided_slice %add3A_30 {offsets = [0, 256], sizes = [1000, 128], strides = [1, 1]} : vector<1000x384xf32> to vector<1000x128xf32>
    %mul3A = arith.mulf %logistic3A_37, %slice3A_48 : vector<1000x128xf32>
    %add3A_49 = arith.addf %slice3A_47, %mul3A : vector<1000x128xf32>
    %tanh3A = math.tanh %add3A_49 : vector<1000x128xf32>
    %sub3A = arith.constant 1.000000e+00 : f32
    %sub3A_50 = vector.broadcast %sub3A : f32 to vector<1000x128xf32>
    %sub3A_51 = arith.subf %sub3A_50, %logistic3A_46 : vector<1000x128xf32>
    %mul3A_52 = arith.mulf %sub3A_51, %tanh3A : vector<1000x128xf32>
    %mul3A_53 = arith.mulf %logistic3A_46, %get3A_11 : vector<1000x128xf32>
    %add3A_54 = arith.addf %mul3A_52, %mul3A_53 : vector<1000x128xf32>
    %swap3A = arith.constant 0 : index
    %swap3A_55 = arith.constant 0 : index
    %swap3A_56 = vector.load %arg8[%swap3A, %swap3A_55] : memref<1000x128xf32, #tpu.memory_space<vmem>>, vector<1000x128xf32>
    tpu.vector_store %arg8[%swap3A, %swap3A_55], %add3A_54 {strides = array<i32>} : memref<1000x128xf32, #tpu.memory_space<vmem>>, vector<1000x128xf32>,
    %get3A_57 = arith.constant 0 : index
    %get3A_58 = arith.constant 0 : index
    %get3A_59 = vector.load %arg7[%get3A_57, %get3A_58] : memref<128x128xf32, #tpu.memory_space<vmem>>, vector<128x128xf32>
    %dot_general3A_60 = arith.constant dense<0.000000e+00> : vector<1000x128xf32>
    %dot_general3A_61 = tpu.matmul %add3A_54, %get3A_59, %dot_general3A_60 {dimension_numbers = #tpu.dot_dimension_numbers<[1], [0], [0], [1], [0, 0, 1, 1], [], []>, transpose_lhs_hint = false} : vector<1000x128xf32>, vector<128x128xf32>, vector<1000x128xf32> -> vector<1000x128xf32>
    %swap3A_62 = arith.constant 0 : index
    %swap3A_63 = arith.constant 0 : index
    %swap3A_64 = vector.load %arg9[%swap3A_62, %swap3A_63] : memref<1000x128xf32, #tpu.memory_space<vmem>>, vector<1000x128xf32>
    tpu.vector_store %arg9[%swap3A_62, %swap3A_63], %dot_general3A_61 {strides = array<i32>} : memref<1000x128xf32, #tpu.memory_space<vmem>>, vector<1000x128xf32>,
    return
  }
  func.func @transform_0(%arg0: i32) -> (i32, i32, i32) {
    %c0_i32 = arith.constant 0 : i32
    %c0_i32_0 = arith.constant 0 : i32
    %c0_i32_1 = arith.constant 0 : i32
    return %c0_i32, %arg0, %c0_i32_0 : i32, i32, i32
  }
  func.func @transform_1(%arg0: i32) -> (i32, i32) {
    %c0_i32 = arith.constant 0 : i32
    %c0_i32_0 = arith.constant 0 : i32
    return %arg0, %c0_i32 : i32, i32
  }
  func.func @transform_2(%arg0: i32) -> (i32, i32) {
    %c0_i32 = arith.constant 0 : i32
    %c0_i32_0 = arith.constant 0 : i32
    %c0_i32_1 = arith.constant 0 : i32
    return %c0_i32, %c0_i32_0 : i32, i32
  }
  func.func @transform_3(%arg0: i32) -> (i32, i32) {
    %c0_i32 = arith.constant 0 : i32
    %c0_i32_0 = arith.constant 0 : i32
    %c0_i32_1 = arith.constant 0 : i32
    return %c0_i32, %c0_i32_0 : i32, i32
  }
  func.func @transform_4(%arg0: i32) -> (i32, i32) {
    %c0_i32 = arith.constant 0 : i32
    %c0_i32_0 = arith.constant 0 : i32
    %c0_i32_1 = arith.constant 0 : i32
    return %c0_i32, %c0_i32_0 : i32, i32
  }
  func.func @transform_5(%arg0: i32) -> (i32, i32) {
    %c0_i32 = arith.constant 0 : i32
    %c0_i32_0 = arith.constant 0 : i32
    %c0_i32_1 = arith.constant 0 : i32
    return %c0_i32, %c0_i32_0 : i32, i32
  }
  func.func @transform_6(%arg0: i32) -> (i32, i32) {
    %c0_i32 = arith.constant 0 : i32
    %c0_i32_0 = arith.constant 0 : i32
    %c0_i32_1 = arith.constant 0 : i32
    return %c0_i32, %c0_i32_0 : i32, i32
  }
  func.func @transform_7(%arg0: i32) -> (i32, i32) {
    %c0_i32 = arith.constant 0 : i32
    %c0_i32_0 = arith.constant 0 : i32
    return %arg0, %c0_i32 : i32, i32
  }
  func.func @transform_8(%arg0: i32) -> (i32, i32) {
    %c0_i32 = arith.constant 0 : i32
    %c0_i32_0 = arith.constant 0 : i32
    return %arg0, %c0_i32 : i32, i32
  }
}

module attributes {stable_mosaic.version = 14 : i64} {
  func.func @_readout_body(%arg0: memref<10000x128xf32, #tpu.memory_space<vmem>>, %arg1: memref<10000x128xf32, #tpu.memory_space<vmem>>, %arg2: memref<64x10000xf32, #tpu.memory_space<vmem>>, %arg3: memref<128x128xf32, #tpu.memory_space<vmem>>, %arg4: memref<128x128xf32, #tpu.memory_space<vmem>>, %arg5: memref<64x128xf32, #tpu.memory_space<vmem>>) attributes {dimension_semantics = [], scalar_prefetch = 0 : i64, scratch_operands = 0 : i64, tpu.core_type = #tpu.core_type<tc>} {
    %get3A = arith.constant 0 : index
    %get3A_0 = arith.constant 0 : index
    %get3A_1 = vector.load %arg2[%get3A, %get3A_0] : memref<64x10000xf32, #tpu.memory_space<vmem>>, vector<64x10000xf32>
    %reduce_sum3A = arith.constant dense<0.000000e+00> : vector<64xf32>
    %reduce_sum3A_2 = vector.multi_reduction <add>, %get3A_1, %reduce_sum3A [1] : vector<64x10000xf32> to vector<64xf32>
    %max3A = arith.constant 1.000000e+00 : f32
    %max3A_3 = vector.broadcast %max3A : f32 to vector<64xf32>
    %max3A_4 = arith.maximumf %reduce_sum3A_2, %max3A_3 : vector<64xf32>
    %div3A = arith.constant 1.000000e+00 : f32
    %div3A_5 = vector.broadcast %div3A : f32 to vector<64xf32>
    %div3A_6 = arith.divf %div3A_5, %max3A_4 : vector<64xf32>
    %get3A_7 = arith.constant 0 : index
    %get3A_8 = arith.constant 0 : index
    %get3A_9 = vector.load %arg0[%get3A_7, %get3A_8] : memref<10000x128xf32, #tpu.memory_space<vmem>>, vector<10000x128xf32>
    %dot_general3A = arith.constant dense<0.000000e+00> : vector<64x128xf32>
    %dot_general3A_10 = tpu.matmul %get3A_1, %get3A_9, %dot_general3A {dimension_numbers = #tpu.dot_dimension_numbers<[1], [0], [0], [1], [0, 0, 1, 1], [], []>, transpose_lhs_hint = false} : vector<64x10000xf32>, vector<10000x128xf32>, vector<64x128xf32> -> vector<64x128xf32>
    %broadcast_in_dim3A = vector.shape_cast %div3A_6 : vector<64xf32> to vector<64x1xf32>
    %mul3A = vector.broadcast %broadcast_in_dim3A : vector<64x1xf32> to vector<64x128xf32>
    %mul3A_11 = arith.mulf %dot_general3A_10, %mul3A : vector<64x128xf32>
    %max3A_12 = arith.constant 0.000000e+00 : f32
    %max3A_13 = vector.broadcast %max3A_12 : f32 to vector<64x128xf32>
    %max3A_14 = arith.maximumf %mul3A_11, %max3A_13 : vector<64x128xf32>
    %get3A_15 = arith.constant 0 : index
    %get3A_16 = arith.constant 0 : index
    %get3A_17 = vector.load %arg1[%get3A_15, %get3A_16] : memref<10000x128xf32, #tpu.memory_space<vmem>>, vector<10000x128xf32>
    %dot_general3A_18 = arith.constant dense<0.000000e+00> : vector<64x128xf32>
    %dot_general3A_19 = tpu.matmul %get3A_1, %get3A_17, %dot_general3A_18 {dimension_numbers = #tpu.dot_dimension_numbers<[1], [0], [0], [1], [0, 0, 1, 1], [], []>, transpose_lhs_hint = false} : vector<64x10000xf32>, vector<10000x128xf32>, vector<64x128xf32> -> vector<64x128xf32>
    %broadcast_in_dim3A_20 = vector.shape_cast %div3A_6 : vector<64xf32> to vector<64x1xf32>
    %mul3A_21 = vector.broadcast %broadcast_in_dim3A_20 : vector<64x1xf32> to vector<64x128xf32>
    %mul3A_22 = arith.mulf %dot_general3A_19, %mul3A_21 : vector<64x128xf32>
    %max3A_23 = arith.constant 0.000000e+00 : f32
    %max3A_24 = vector.broadcast %max3A_23 : f32 to vector<64x128xf32>
    %max3A_25 = arith.maximumf %mul3A_22, %max3A_24 : vector<64x128xf32>
    %get3A_26 = arith.constant 0 : index
    %get3A_27 = arith.constant 0 : index
    %get3A_28 = vector.load %arg3[%get3A_26, %get3A_27] : memref<128x128xf32, #tpu.memory_space<vmem>>, vector<128x128xf32>
    %dot_general3A_29 = arith.constant dense<0.000000e+00> : vector<64x128xf32>
    %dot_general3A_30 = tpu.matmul %max3A_14, %get3A_28, %dot_general3A_29 {dimension_numbers = #tpu.dot_dimension_numbers<[1], [0], [0], [1], [0, 0, 1, 1], [], []>, transpose_lhs_hint = false} : vector<64x128xf32>, vector<128x128xf32>, vector<64x128xf32> -> vector<64x128xf32>
    %get3A_31 = arith.constant 0 : index
    %get3A_32 = arith.constant 0 : index
    %get3A_33 = vector.load %arg4[%get3A_31, %get3A_32] : memref<128x128xf32, #tpu.memory_space<vmem>>, vector<128x128xf32>
    %dot_general3A_34 = arith.constant dense<0.000000e+00> : vector<64x128xf32>
    %dot_general3A_35 = tpu.matmul %max3A_25, %get3A_33, %dot_general3A_34 {dimension_numbers = #tpu.dot_dimension_numbers<[1], [0], [0], [1], [0, 0, 1, 1], [], []>, transpose_lhs_hint = false} : vector<64x128xf32>, vector<128x128xf32>, vector<64x128xf32> -> vector<64x128xf32>
    %add3A = arith.addf %dot_general3A_30, %dot_general3A_35 : vector<64x128xf32>
    %swap3A = arith.constant 0 : index
    %swap3A_36 = arith.constant 0 : index
    %swap3A_37 = vector.load %arg5[%swap3A, %swap3A_36] : memref<64x128xf32, #tpu.memory_space<vmem>>, vector<64x128xf32>
    tpu.vector_store %arg5[%swap3A, %swap3A_36], %add3A {strides = array<i32>} : memref<64x128xf32, #tpu.memory_space<vmem>>, vector<64x128xf32>,
    return
  }
}

</mosaic_0001>

<sc_bundles>
// kernel: kernel.17.cloned.1.call-start
scs
__scs_entry_jumppad:
0x0: {  	(pc) =	sbr.rel $0x88, $3  }
0x1: {  	(tag) =	ssettag $0x0;
	lr =	simm.s32 $0x1  }
0x2: {  	[smem:$0x3F8E] =	sst lr;
	_ =	strace $0xD0000000  }
0x3: {  	_ = 	snop  }
0x4: {  	_ = 	snop  }
0x5: {  	_ = 	snop  }
0x6: {  	_ = 	snop  }
0x7: {  	_ = 	snop  }
__scs_overlays_trampoline_lowered:
0x8: {  	[smem:$0x3F9D] =	sst s0  }
0x9: {  	[smem:$0x3F9E] =	sst s1  }
0xa: {  	[smem:$0x3F9F] =	sst s2  }
0xb: {  	[smem:$0x3FA0] =	sst s3  }
0xc: {  	[smem:$0x3FA1] =	sst s4  }
0xd: {  	[smem:$0x3FA2] =	sst s5  }
0xe: {  	[smem:$0x3FA3] =	sst s6  }
0xf: {  	[smem:$0x3FA4] =	sst s7  }
0x10: {  	[smem:$0x3FA5] =	sst s8  }
0x11: {  	[smem:$0x3FA6] =	sst s9;
	s0 =	simm.s32 @!p0 $0x0  }
0x12: {  	s1 =	sld [smem:$0x3F8C];
	s0 =	simm.s32 @p0 $0x1  }
0x13: {  	[smem:$0x3FA7] =	sst s0;
	s0 =	simm.s32 @!p1 $0x0  }
0x14: {  	s2 =	sld [smem:$0x3F8B];
	s0 =	simm.s32 @p1 $0x1  }
0x15: {  	[smem:$0x3FA8] =	sst s0;
	s0 =	simm.s32 @!p2 $0x0  }
0x16: {  	s3 =	sld [smem:$0x3FDB];
	s0 =	simm.s32 @p2 $0x1  }
0x17: {  	s4 =	simm.s32 $0x1BF5;
	[smem:$0x3FAA] =	sst s0  }
0x18: {  	s0 =	sld [smem:$0x3F8D];
	_ =	swait.ge [sflag:s4], $0x0  }
0x19: {  	s7 =	sld [smem:$0x3F8E]  }
0x1a: {  	s8 =	sadd.s32 $0xFFFFE003, lr  }
0x1b: {  	s9 =	sadd.s32 $0xFFFFFEF7, lr;
	s5 =	simm.s32 $0xFFFFFFFF;
	p2 =	slt.u32 s8, $0xFFFFF086  }
0x1c: {  	p1 =	slt.u32 s9, $0xF7A;
	s5 =	simm.s32 @!p2 $0x0  }
0x1d: {  	s5 =	simm.s32 @p1 $0x1;
	p0 =	seq.s32 s7, s2  }
0x1e: {  	s7 =	smul.u32 @!p0 $0xF7A, s2;
	p2 =	seq.s32 @!p0 s5, $0x0  }
0x1f: {  	s9 =	smul.u32 $0xF7A, s1;
	s8 =	simm.s32 @!p0 $0x1BF5;
	p2 =	por !p2, p0  }
0x20: {  	[sflag:s8] =	ssyncset.s32 @!p0 $0xFFFFF086;
	s6 =	sadd.s32 @!p0 s3, s7;
	s7 =	simm.s32 @!p0 $0x108  }
0x21: {  	s3 =	sadd.s32 s3, s9;
	s6 =	sadd.s32 @!p0 $0x88, s6;
	s7 =	simm.s32 @p2 $0x1082  }
0x22: {  	[simem:s7], [sflag:s8] =	dma.local @!p0 [hbm:s6], $0xF7A  }
0x23: {  	s9 =	sor.u32 $0xD0000000, s2;
	s6 =	simm.s32 $0x108;
	_ =	swait.ge @!p0 [sflag:s8], $0x0  }
0x24: {  	s3 =	sadd.s32 $0x88, s3;
	s6 =	simm.s32 @!p1 $0x1082;
	[sflag:s4] =	ssyncset.s32 $0xFFFFF086  }
0x25: {  	[simem:s6], [sflag:s4] =	dma.local [hbm:s3], $0xF7A  }
0x26: {  	[smem:$0x3F8E] =	sst s1;
	(tag) =	ssettag s2;
	_ =	strace s9  }
0x27: {  	s1 =	sld [smem:$0x3F9E]  }
0x28: {  	s2 =	sld [smem:$0x3F9F]  }
0x29: {  	s4 =	sld [smem:$0x3FA1]  }
0x2a: {  	p0 =	seq.s32 s5, $0x0;
	s5 =	sld [smem:$0x3FA2]  }
0x2b: {  	s6 =	sld [smem:$0x3FA3]  }
0x2c: {  	s7 =	sld [smem:$0x3FA4]  }
0x2d: {  	s3 =	simm.s32 $0x108;
	s8 =	sld [smem:$0x3FA5]  }
0x2e: {  	s3 =	simm.s32 @!p0 $0x1082;
	s9 =	sld [smem:$0x3FA6]  }
0x2f: {  	lr =	sadd.s32 s0, s3;
	s0 =	sld [smem:$0x3F9D]  }
0x30: {  	s3 =	sld [smem:$0x3FA0]  }
0x31: {  	[smem:$0x3FA9] =	sst s10  }
0x32: {  	s10 =	sld [smem:$0x3FA7];
	_ =	sdelay $0x3  }
0x33: {  	p0 =	seq.s32 s10, $0x1;
	s10 =	sld [smem:$0x3FA9];
	_ =	sdelay $0x3  }
0x34: {  	[smem:$0x3FA9] =	sst s10  }
0x35: {  	s10 =	sld [smem:$0x3FA8];
	_ =	sdelay $0x3  }
0x36: {  	p1 =	seq.s32 s10, $0x1;
	s10 =	sld [smem:$0x3FA9];
	_ =	sdelay $0x3  }
0x37: {  	[smem:$0x3FA9] =	sst s10  }
0x38: {  	s10 =	sld [smem:$0x3FAA]  }
0x39: {  	_ = 	snop;
	(pc) =	sbr.ind lr, $3  }
0x3a: {  	_ = 	snop  }
0x3b: {  	_ = 	snop  }
0x3c: {  	p2 =	seq.s32 s10, $0x1;
	s10 =	sld [smem:$0x3FA9]  }
0x3d: {  	_ =	shalt  }
0x3e: {  	_ =	shalt  }
0x3f: {  	_ =	shalt  }
0x40: {  	_ =	shalt  }
0x41: {  	_ =	shalt  }
0x42: {  	_ =	shalt  }
0x43: {  	_ =	shalt  }
0x44: {  	_ =	shalt  }
0x45: {  	_ =	shalt  }
0x46: {  	_ =	shalt  }
0x47: {  	_ =	shalt  }
0x48: {  	_ =	shalt  }
0x49: {  	_ =	shalt  }
0x4a: {  	_ =	shalt  }
0x4b: {  	_ =	shalt  }
0x4c: {  	_ =	shalt  }
0x4d: {  	_ =	shalt  }
0x4e: {  	_ =	shalt  }
0x4f: {  	_ =	shalt  }
0x50: {  	_ =	shalt  }
0x51: {  	_ =	shalt  }
0x52: {  	_ =	shalt  }
0x53: {  	_ =	shalt  }
0x54: {  	_ =	shalt  }
0x55: {  	_ =	shalt  }
0x56: {  	_ =	shalt  }
0x57: {  	_ =	shalt  }
0x58: {  	_ =	shalt  }
0x59: {  	_ =	shalt  }
0x5a: {  	_ =	shalt  }
0x5b: {  	_ =	shalt  }
0x5c: {  	_ =	shalt  }
0x5d: {  	_ =	shalt  }
0x5e: {  	_ =	shalt  }
0x5f: {  	_ =	shalt  }
0x60: {  	_ =	shalt  }
0x61: {  	_ =	shalt  }
0x62: {  	_ =	shalt  }
0x63: {  	_ =	shalt  }
0x64: {  	_ =	shalt  }
0x65: {  	_ =	shalt  }
0x66: {  	_ =	shalt  }
0x67: {  	_ =	shalt  }
0x68: {  	_ =	shalt  }
0x69: {  	_ =	shalt  }
0x6a: {  	_ =	shalt  }
0x6b: {  	_ =	shalt  }
0x6c: {  	_ =	shalt  }
0x6d: {  	_ =	shalt  }
0x6e: {  	_ =	shalt  }
0x6f: {  	_ =	shalt  }
0x70: {  	_ =	shalt  }
0x71: {  	_ =	shalt  }
0x72: {  	_ =	shalt  }
0x73: {  	_ =	shalt  }
0x74: {  	_ =	shalt  }
0x75: {  	_ =	shalt  }
0x76: {  	_ =	shalt  }
0x77: {  	_ =	shalt  }
0x78: {  	_ =	shalt  }
0x79: {  	_ =	shalt  }
0x7a: {  	_ =	shalt  }
0x7b: {  	_ =	shalt  }
0x7c: {  	_ =	shalt  }
0x7d: {  	_ =	shalt  }
0x7e: {  	_ =	shalt  }
0x7f: {  	_ =	shalt  }
0x80: {  	_ =	shalt  }
0x81: {  	_ =	shalt  }
0x82: {  	_ =	shalt  }
0x83: {  	_ =	shalt  }
0x84: {  	_ =	shalt  }
0x85: {  	_ =	shalt  }
0x86: {  	_ =	shalt  }
0x87: {  	_ =	shalt  }
.Lfunc_end0:
.L_simem_size_0:
called_computation_lowered:
.L_overlay_start_0:
0x88: {  	s2 =	sld [smem:$0x3FD9]  }
0x89: {  	s3 =	sld [smem:$0x3FFE];
	_ =	sdelay $0x1  }
0x8a: {  	s1 =	srdreg.scid  }
0x8b: {  	s0 =	sand.u32 $0x1, s1  }
0x8c: {  	s17 =	sshll.u32 s0, $0xA;
	s2 =	sadd.s32 s3, s2  }
0x8d: {  	s2 =	sadd.s32 s2, s17  }
0x8e: {  	[smem:$0x3FB5] =	sst s2  }
0x8f: {  	_ = 	snop  }
0x90: {  	(tm) =	ssettm $0x1  }
0x91: {  	s18 =	sld [smem:$0x3FFB];
	_ =	sdelay $0x3  }
0x92: {  	_ =	strace s18  }
0x93: {  	s2 =	sld [smem:$0x3FFC];
	_ =	sdelay $0x3  }
0x94: {  	_ =	strace s2  }
0x95: {  	s2 =	sld [smem:$0x3FFD];
	_ =	sdelay $0x3  }
0x96: {  	_ =	strace s2  }
0x97: {  	_ =	strace $0x8FFFFFFF  }
0x98: {  	s19 =	sld [smem:$0x3FDB];
	_ =	sdelay $0x1  }
0x99: {  	s20 =	simm.s32 $_scs_section_size  }
0x9a: {  	s4 =	simm.s32 $_size__tile_overlayer_lowered;
	s5 =	simm.s32 $_tile_overlayer_lowered  }
0x9b: {  	s6 =	simm.s32 $0x1BFF;
	s21 =	sshll.u32 s5, $0x1;
	s3 =	sadd.s32 s20, s19  }
0x9c: {  	s22 =	simm.s32 $0x0;
	s4 =	sshll.u32 s4, $0x1;
	s5 =	sadd.s32 s21, s3  }
0x9d: {  	[timem:s22], [sflag:s6] =	dma.local [hbm:s5], s4  }
0x9e: {  	_ =	swait.ge [sflag:s6], s4  }
0x9f: {  	s4 =	ssub.s32 $0x0, s4;
	[sflag:s6] =	ssyncset.done $0x0  }
0xa0: {  	[sflag:s6] =	ssyncadd.s32 s4;
	_ =	sdelay $0x1  }
0xa1: {  	s23 =	simm.s32 $0x1B8B  }
0xa2: {  	_ =	swait.ge [sflag:s23], $0x1  }
0xa3: {  	[sflag:s23] =	ssyncset.done $0x0  }
0xa4: {  	[sflag:s23] =	ssyncadd.s32 $0xFFFFFFFF  }
0xa5: {  	s4 =	sld [smem:$0x0]  }
0xa6: {  	s5 =	sand.u32 $0xFFFFFFFE, s1  }
0xa7: {  	p0 =	sne.s32 s1, s5  }
0xa8: {  	s5 =	sshll.u32 @p0 s5, $0xE  }
0xa9: {  	s5 =	sadd.s32 @p0 $0x11B8D, s5;
	s6 =	sshll.u32 @p0 s4, $0x11  }
0xaa: {  	s5 =	sor.u32 @p0 s6, s5  }
0xab: {  	[sflag:s5] =	ssyncadd.remote.s32 @p0 $0x1;
	_ =	sdelay $0x1  }
0xac: {  	s5 =	simm.s32 @p0 $0x1B8D  }
0xad: {  	_ =	swait.eq @p0 [sflag:s5], $0x1  }
0xae: {  	[sflag:s5] =	ssyncadd.s32 @p0 $0xFFFFFFFF  }
0xaf: {  	s6 =	sshll.u32 @!p0 s1, $0xE  }
0xb0: {  	s6 =	sor.u32 @!p0 $0x4000, s6;
	s5 =	simm.s32 @!p0 $0x1B8D  }
0xb1: {  	s4 =	sshll.u32 @!p0 s4, $0x11;
	s6 =	sadd.s32 @!p0 $0x11B8D, s6;
	_ =	swait.eq @!p0 [sflag:s5], $0x1  }
0xb2: {  	s4 =	sor.u32 @!p0 s4, s6;
	[sflag:s5] =	ssyncadd.s32 @!p0 $0xFFFFFFFF  }
0xb3: {  	s25 =	simm.s32 $0x1B8E;
	s24 =	sld [smem:$0x3FFE];
	[sflag:s4] =	ssyncadd.remote.s32 @!p0 $0x1  }
0xb4: {  	s26 =	simm.s32 $execute0_lowered;
	[smem:$0x3FD2] =	sst s25  }
0xb5: {  	s5 =	sshll.u32 s26, $0x1;
	_ =	strace $0x80000049;
	[dreg:$0x1] =	wrdreg $0xFFFFFFFF  }
0xb6: {  	s28 =	simm.s32 $_size_execute0_lowered;
	s3 =	sadd.s32 s3, s5;
	[dreg:$0x0] =	wrdreg $0x0  }
0xb7: {  	s5 =	sshll.u32 s28, $0x1;
	[dreg:$0x2] =	wrdreg s3  }
0xb8: {  	[dreg:$0x3] =	wrdreg s5  }
0xb9: {  	[dreg:$0x4] =	wrdreg $0xC0  }
0xba: {  	_ =	task [dreg:s22], $0x5FFFF  }
0xbb: {  	[dreg:$0x1] =	wrdreg $0xFFFFFFFF  }
0xbc: {  	[dreg:$0x0] =	wrdreg $0x60  }
0xbd: {  	[dreg:$0x2] =	wrdreg s24  }
0xbe: {  	[dreg:$0x3] =	wrdreg $0x90000  }
0xbf: {  	[dreg:$0x4] =	wrdreg $0x9  }
0xc0: {  	_ =	task.clear_ibuf [dreg:s22], $0x5FFFF;
	_ =	strace $0x90000049  }
0xc1: {  	s29 =	simm.s32 $0x9;
	_ =	strace $0x8000004B  }
0xc2: {  	_ =	swait.ge [sflag:s29], $0x1  }
0xc3: {  	[sflag:s29] =	ssyncadd.s32 $0xFFFFFFFF  }
0xc4: {  	_ =	strace $0x9000004B  }
0xc5: {  	_ =	sfence  }
0xc6: {  	s30 =	sld [smem:$0x0];
	_ =	sdelay $0x2  }
0xc7: {  	s31 =	sshll.u32 s1, $0xD;
	s1 =	sshrl.u32 s1, $0x2  }
0xc8: {  	s4 =	sand.u32 $0x4000, s31;
	s1 =	sadd.s32 s1, s30  }
0xc9: {  	s0 =	sor.u32 s4, s0;
	s1 =	sshll.u32 s1, $0x11  }
0xca: {  	s0 =	sor.u32 s1, s0  }
0xcb: {  	s0 =	sadd.s32 $0x8F2B, s0  }
0xcc: {  	[sflag:s0] =	ssyncadd.remote.s32 $0x1  }
0xcd: {  	_ =	sfence.sel $0xFFFF  }
0xce: {  	[dreg:$0x0] =	wrdreg $0xFFFFFFFF;
	(pc) =	sbr.abs _section_cstart, $3  }
0xcf: {  	[dreg:$0x1] =	wrdreg $0xFFFFFFFF  }
0xd0: {  	_ =	task.clear_ibuf [dreg:s22], $0x2FFFF;
	_ =	strace $0x9FFFFFFF  }
0xd1: {  	(tm) =	ssettm $0x7FFFFFFF  }
tec
execute0_lowered:
.L_overlay_start_1:
0x0: {  	(tag) =	ssettag $0x1  }
0x1: {  	s6 =	rddreg [dreg:$0x0]  }
0x2: {  	s0 =	srdreg.scid;
	s2 =	rddreg [dreg:$0x1]  }
0x3: {  	s3 =	simm.s32 $0x0;
	s5 =	sand.u32 $0x1, s0;
	s0 =	stileid.u32  }
0x4: {  	s14 =	simm.s32 $0x5000;
	s15 =	simm.s32 $0x1;
	s16 =	smul.u32 $0x2780, s0  }
0x5: {  	[smem:$0x7FF] =	sst s3;
	s1 =	sshll.u32 s5, $0x4;
	s8 =	smul.u32 $0x27800, s5  }
0x6: {  	s5 =	ssub.s32 $0x2, s5;
	s28 =	smul.u32 $0x4F000, s0;
	s31 =	sshll.u32 s0, $0x6  }
0x7: {  	s4 =	sor.u32 s0, s1;
	s1 =	rddreg [dreg:$0x2];
	_ =	strace $0x8000004A  }
0x8: {  	s29 =	sshrl.u32 s5, $0x1;
	s7 =	smul.u32 $0x500, s4;
	s4 =	sadd.s32 $0xCD000, s6  }
0x9: {  	s10 =	sadd.s32 s16, s6;
	s11 =	sadd.s32 s8, s6;
	s30 =	sshrl.u32 s28, $0x2  }
0xa: {  	s12 =	ssub.s32 s5, s29;
	s13 =	sadd.s32 s30, s2;
	s5 =	sadd.s32 $0x42800, s10  }
0xb: {  	s17 =	sadd.s32 $0xF4200, s11;
	s11 =	simm.s32 $0x2;
	s9 =	sadd.s32 s7, s6  }
0xc: {  	s6 =	sor.u32 $0x1C02, s31;
	s10 =	sshrl.u32 s13, $0x3;
	s13 =	simm.s32 $0x80  }
0xd: {  	s16 =	sadd.s32 s16, s17;
	s17 =	simm.s32 $0x0;
	s7 =	sadd.s32 $0xB9000, s9  }
0xe: {  	s8 =	sadd.s32 $0xC3000, s9;
	s9 =	smax.u32 s12, $0x1;
	s12 =	simm.s32 $0x2800  }
.LBB2_1:
0xf: {  	[spmem:s10], [sflag:s6] =	dma.local [hbm:s5], $0x2780  }
0x10: {  	_ =	swait.ge [sflag:s11], $0x2780  }
0x11: {  	[sflag:s11] =	ssyncset.done $0x0  }
0x12: {  	[sflag:s11] =	ssyncadd.s32 $0xFFFFD880  }
0x13: {  	[tilespmem:s3], [sflag:$0x2] =	stream.linear.gather [hbm4b:s7+s3], $0x2780, $0x38;
	[tilespmem:$0x1CC00] =	vst v63  }
0x14: {  	_ =	swait.ge [sflag:s11], $0x2780  }
0x15: {  	[sflag:s11] =	ssyncset.done $0x0  }
0x16: {  	[sflag:s11] =	ssyncadd.s32 $0xFFFFD880  }
0x17: {  	[tilespmem:s12], [sflag:$0x2] =	stream.linear.gather [hbm4b:s8+s3], $0x2780, $0x38;
	[tilespmem:$0x1CC00] =	vst v63  }
0x18: {  	_ =	swait.ge [sflag:s11], $0x2780  }
0x19: {  	[sflag:s11] =	ssyncset.done $0x0  }
0x1a: {  	[sflag:s11] =	ssyncadd.s32 $0xFFFFD880  }
0x1b: {  	s18 =	simm.s32 $0x0;
	[bflag:$0x0] =	sbarrier.arrive $0xFFFF  }
0x1c: {  	[tilespmem:s14], [sflag:$0x1] =	stream.indirect.gather [hbm4b:s4+s13], $0x80, s18, s13, $0xb8;
	[tilespmem:$0x1CC00] =	vst v63  }
0x1d: {  	_ =	swait.ge [sflag:s15], $0x4000  }
0x1e: {  	[sflag:s15] =	ssyncset.done $0x0  }
0x1f: {  	s31 =	simm.s32 $0x2800;
	[sflag:s15] =	ssyncadd.s32 $0xFFFFC000  }
0x20: {  	[spmem:s2] =	stream.indirect.scatter.add.f32 [tilespmem:s14], [sflag:$0x2], $0x80, s31, s13, $0xb8;
	[tilespmem:$0x1CC00] =	vst v63  }
0x21: {  	_ =	swait.ge [sflag:s11], $0x4000  }
0x22: {  	s19 =	simm.s32 $0x400;
	s18 =	simm.s32 $0x200;
	[sflag:s11] =	ssyncset.done $0x0  }
.LBB2_2:
0x23: {  	s20 =	sshra.s32 s18, $0x2  }
0x24: {  	[sflag:s11] =	ssyncadd.s32 $0xFFFFC000;
	s18 =	smov.u32 s19;
	s21 =	sadd.s32 $0x200, s19  }
0x25: {  	[tilespmem:s14], [sflag:$0x1] =	stream.indirect.gather [hbm4b:s4+s13], $0x80, s20, s13, $0xb8;
	[tilespmem:$0x1CC00] =	vst v63  }
0x26: {  	p0 =	sne.s32 s19, $0x9C00;
	_ =	swait.ge [sflag:s15], $0x4000  }
.Ltmp0:
0x27: {  	[sflag:s15] =	ssyncset.done $0x0;
	(pc) =	sbr.rel @p0 .LBB2_2-.Ltmp0, $4  }
0x28: {  	s19 =	sadd.s32 $0x2800, s20;
	[sflag:s15] =	ssyncadd.s32 $0xFFFFC000  }
0x29: {  	[spmem:s2] =	stream.indirect.scatter.add.f32 [tilespmem:s14], [sflag:$0x2], $0x80, s19, s13, $0xb8;
	[tilespmem:$0x1CC00] =	vst v63  }
0x2a: {  	_ =	swait.ge [sflag:s11], $0x4000  }
0x2b: {  	s19 =	smov.u32 s21;
	[sflag:s11] =	ssyncset.done $0x0  }
0x2c: {  	s18 =	sshra.s32 s18, $0x2;
	[sflag:s11] =	ssyncadd.s32 $0xFFFFC000  }
0x2d: {  	[tilespmem:s14], [sflag:$0x1] =	stream.indirect.gather [hbm4b:s4+s13], $0x80, s18, s13, $0xb8;
	[tilespmem:$0x1CC00] =	vst v63  }
0x2e: {  	_ =	swait.ge [sflag:s15], $0x4000  }
0x2f: {  	[sflag:s15] =	ssyncset.done $0x0  }
0x30: {  	s18 =	sadd.s32 $0x2800, s18;
	[sflag:s15] =	ssyncadd.s32 $0xFFFFC000  }
0x31: {  	[spmem:s2] =	stream.indirect.scatter.add.f32 [tilespmem:s14], [sflag:$0x2], $0x80, s18, s13, $0xb8;
	[tilespmem:$0x1CC00] =	vst v63  }
0x32: {  	_ =	swait.ge [sflag:s11], $0x4000  }
0x33: {  	s17 =	sadd.s32 $0x1, s17;
	[sflag:s11] =	ssyncset.done $0x0  }
0x34: {  	p0 =	sne.s32 s17, s9;
	[sflag:s11] =	ssyncadd.s32 $0xFFFFC000  }
.Ltmp1:
0x35: {  	[bflag:$0x0] =	sbarrier.arrive $0xFFFF;
	(pc) =	sbr.rel @p0 .LBB2_1-.Ltmp1, $4  }
0x36: {  	[hbm:s16], [sflag:s6] =	dma.local [spmem:s10], $0x2780  }
0x37: {  	_ =	swait.ge [sflag:s11], $0x2780  }
0x38: {  	[sflag:s11] =	ssyncset.done $0x0  }
0x39: {  	[sflag:s11] =	ssyncadd.s32 $0xFFFFD880  }
0x3a: {  	_ =	sfence.sel $0x180000  }
0x3b: {  	[bflag:$0x0] =	sbarrier.arrive $0xFFFF  }
0x3c: {  	p0 =	sne.s32 s0, $0x0;
	_ =	strace $0x9000004A  }
0x3d: {  	s0 =	sadd.s32 @!p0 $0x100000, s1;
	[bflag:$0x2] =	sbarrier.arrive $0xFFFF  }
0x3e: {  	[sflag:s0] =	ssyncadd.tile.s32 @!p0 $0x1;
	_ =	shalt  }
.Lfunc_end2:
_tile_overlayer_lowered:
.L_overlay_start_2:
0x3f: {  	(tag) =	ssettag $0x2  }
0x40: {  	s0 =	rddreg [dreg:$0x0];
	s2 =	stileid.u32  }
0x41: {  	s1 =	rddreg [dreg:$0x1];
	p0 =	sne.s32 s2, $0x0  }
0x42: {  	s3 =	rddreg [dreg:$0x2];
	[bflag:$0x3] =	sbarrier.arrive $0xFFFF;
	s2 =	simm.s32 @!p0 $0x1C02  }
0x43: {  	[timem:s3], [sflag:s2] =	dma.local @!p0 [hbm:s0], s1  }
0x44: {  	s0 =	simm.s32 @!p0 $0x2  }
0x45: {  	_ =	swait.ge @!p0 [sflag:s0], s1  }
0x46: {  	s1 =	ssub.s32 @!p0 $0x0, s1;
	[sflag:s0] =	ssyncset.done @!p0 $0x0  }
0x47: {  	[sflag:s0] =	ssyncadd.s32 @!p0 s1  }
0x48: {  	[bflag:$0x3] =	sbarrier.arrive $0xFFFF  }
0x49: {  	_ =	shalt  }

// kernel: kernel.20.cloned.1.call-start
scs
__scs_entry_jumppad:
0x0: {  	(pc) =	sbr.rel $0x88, $3  }
0x1: {  	(tag) =	ssettag $0x0;
	lr =	simm.s32 $0x1  }
0x2: {  	[smem:$0x3F8E] =	sst lr;
	_ =	strace $0xD0000000  }
0x3: {  	_ = 	snop  }
0x4: {  	_ = 	snop  }
0x5: {  	_ = 	snop  }
0x6: {  	_ = 	snop  }
0x7: {  	_ = 	snop  }
__scs_overlays_trampoline_lowered:
0x8: {  	[smem:$0x3F9D] =	sst s0  }
0x9: {  	[smem:$0x3F9E] =	sst s1  }
0xa: {  	[smem:$0x3F9F] =	sst s2  }
0xb: {  	[smem:$0x3FA0] =	sst s3  }
0xc: {  	[smem:$0x3FA1] =	sst s4  }
0xd: {  	[smem:$0x3FA2] =	sst s5  }
0xe: {  	[smem:$0x3FA3] =	sst s6  }
0xf: {  	[smem:$0x3FA4] =	sst s7  }
0x10: {  	[smem:$0x3FA5] =	sst s8  }
0x11: {  	[smem:$0x3FA6] =	sst s9;
	s0 =	simm.s32 @!p0 $0x0  }
0x12: {  	s1 =	sld [smem:$0x3F8C];
	s0 =	simm.s32 @p0 $0x1  }
0x13: {  	[smem:$0x3FA7] =	sst s0;
	s0 =	simm.s32 @!p1 $0x0  }
0x14: {  	s2 =	sld [smem:$0x3F8B];
	s0 =	simm.s32 @p1 $0x1  }
0x15: {  	[smem:$0x3FA8] =	sst s0;
	s0 =	simm.s32 @!p2 $0x0  }
0x16: {  	s3 =	sld [smem:$0x3FDB];
	s0 =	simm.s32 @p2 $0x1  }
0x17: {  	s4 =	simm.s32 $0x1BF5;
	[smem:$0x3FAA] =	sst s0  }
0x18: {  	s0 =	sld [smem:$0x3F8D];
	_ =	swait.ge [sflag:s4], $0x0  }
0x19: {  	s7 =	sld [smem:$0x3F8E]  }
0x1a: {  	s8 =	sadd.s32 $0xFFFFE003, lr  }
0x1b: {  	s9 =	sadd.s32 $0xFFFFFEF7, lr;
	s5 =	simm.s32 $0xFFFFFFFF;
	p2 =	slt.u32 s8, $0xFFFFF086  }
0x1c: {  	p1 =	slt.u32 s9, $0xF7A;
	s5 =	simm.s32 @!p2 $0x0  }
0x1d: {  	s5 =	simm.s32 @p1 $0x1;
	p0 =	seq.s32 s7, s2  }
0x1e: {  	s7 =	smul.u32 @!p0 $0xF7A, s2;
	p2 =	seq.s32 @!p0 s5, $0x0  }
0x1f: {  	s9 =	smul.u32 $0xF7A, s1;
	s8 =	simm.s32 @!p0 $0x1BF5;
	p2 =	por !p2, p0  }
0x20: {  	[sflag:s8] =	ssyncset.s32 @!p0 $0xFFFFF086;
	s6 =	sadd.s32 @!p0 s3, s7;
	s7 =	simm.s32 @!p0 $0x108  }
0x21: {  	s3 =	sadd.s32 s3, s9;
	s6 =	sadd.s32 @!p0 $0x88, s6;
	s7 =	simm.s32 @p2 $0x1082  }
0x22: {  	[simem:s7], [sflag:s8] =	dma.local @!p0 [hbm:s6], $0xF7A  }
0x23: {  	s9 =	sor.u32 $0xD0000000, s2;
	s6 =	simm.s32 $0x108;
	_ =	swait.ge @!p0 [sflag:s8], $0x0  }
0x24: {  	s3 =	sadd.s32 $0x88, s3;
	s6 =	simm.s32 @!p1 $0x1082;
	[sflag:s4] =	ssyncset.s32 $0xFFFFF086  }
0x25: {  	[simem:s6], [sflag:s4] =	dma.local [hbm:s3], $0xF7A  }
0x26: {  	[smem:$0x3F8E] =	sst s1;
	(tag) =	ssettag s2;
	_ =	strace s9  }
0x27: {  	s1 =	sld [smem:$0x3F9E]  }
0x28: {  	s2 =	sld [smem:$0x3F9F]  }
0x29: {  	s4 =	sld [smem:$0x3FA1]  }
0x2a: {  	p0 =	seq.s32 s5, $0x0;
	s5 =	sld [smem:$0x3FA2]  }
0x2b: {  	s6 =	sld [smem:$0x3FA3]  }
0x2c: {  	s7 =	sld [smem:$0x3FA4]  }
0x2d: {  	s3 =	simm.s32 $0x108;
	s8 =	sld [smem:$0x3FA5]  }
0x2e: {  	s3 =	simm.s32 @!p0 $0x1082;
	s9 =	sld [smem:$0x3FA6]  }
0x2f: {  	lr =	sadd.s32 s0, s3;
	s0 =	sld [smem:$0x3F9D]  }
0x30: {  	s3 =	sld [smem:$0x3FA0]  }
0x31: {  	[smem:$0x3FA9] =	sst s10  }
0x32: {  	s10 =	sld [smem:$0x3FA7];
	_ =	sdelay $0x3  }
0x33: {  	p0 =	seq.s32 s10, $0x1;
	s10 =	sld [smem:$0x3FA9];
	_ =	sdelay $0x3  }
0x34: {  	[smem:$0x3FA9] =	sst s10  }
0x35: {  	s10 =	sld [smem:$0x3FA8];
	_ =	sdelay $0x3  }
0x36: {  	p1 =	seq.s32 s10, $0x1;
	s10 =	sld [smem:$0x3FA9];
	_ =	sdelay $0x3  }
0x37: {  	[smem:$0x3FA9] =	sst s10  }
0x38: {  	s10 =	sld [smem:$0x3FAA]  }
0x39: {  	_ = 	snop;
	(pc) =	sbr.ind lr, $3  }
0x3a: {  	_ = 	snop  }
0x3b: {  	_ = 	snop  }
0x3c: {  	p2 =	seq.s32 s10, $0x1;
	s10 =	sld [smem:$0x3FA9]  }
0x3d: {  	_ =	shalt  }
0x3e: {  	_ =	shalt  }
0x3f: {  	_ =	shalt  }
0x40: {  	_ =	shalt  }
0x41: {  	_ =	shalt  }
0x42: {  	_ =	shalt  }
0x43: {  	_ =	shalt  }
0x44: {  	_ =	shalt  }
0x45: {  	_ =	shalt  }
0x46: {  	_ =	shalt  }
0x47: {  	_ =	shalt  }
0x48: {  	_ =	shalt  }
0x49: {  	_ =	shalt  }
0x4a: {  	_ =	shalt  }
0x4b: {  	_ =	shalt  }
0x4c: {  	_ =	shalt  }
0x4d: {  	_ =	shalt  }
0x4e: {  	_ =	shalt  }
0x4f: {  	_ =	shalt  }
0x50: {  	_ =	shalt  }
0x51: {  	_ =	shalt  }
0x52: {  	_ =	shalt  }
0x53: {  	_ =	shalt  }
0x54: {  	_ =	shalt  }
0x55: {  	_ =	shalt  }
0x56: {  	_ =	shalt  }
0x57: {  	_ =	shalt  }
0x58: {  	_ =	shalt  }
0x59: {  	_ =	shalt  }
0x5a: {  	_ =	shalt  }
0x5b: {  	_ =	shalt  }
0x5c: {  	_ =	shalt  }
0x5d: {  	_ =	shalt  }
0x5e: {  	_ =	shalt  }
0x5f: {  	_ =	shalt  }
0x60: {  	_ =	shalt  }
0x61: {  	_ =	shalt  }
0x62: {  	_ =	shalt  }
0x63: {  	_ =	shalt  }
0x64: {  	_ =	shalt  }
0x65: {  	_ =	shalt  }
0x66: {  	_ =	shalt  }
0x67: {  	_ =	shalt  }
0x68: {  	_ =	shalt  }
0x69: {  	_ =	shalt  }
0x6a: {  	_ =	shalt  }
0x6b: {  	_ =	shalt  }
0x6c: {  	_ =	shalt  }
0x6d: {  	_ =	shalt  }
0x6e: {  	_ =	shalt  }
0x6f: {  	_ =	shalt  }
0x70: {  	_ =	shalt  }
0x71: {  	_ =	shalt  }
0x72: {  	_ =	shalt  }
0x73: {  	_ =	shalt  }
0x74: {  	_ =	shalt  }
0x75: {  	_ =	shalt  }
0x76: {  	_ =	shalt  }
0x77: {  	_ =	shalt  }
0x78: {  	_ =	shalt  }
0x79: {  	_ =	shalt  }
0x7a: {  	_ =	shalt  }
0x7b: {  	_ =	shalt  }
0x7c: {  	_ =	shalt  }
0x7d: {  	_ =	shalt  }
0x7e: {  	_ =	shalt  }
0x7f: {  	_ =	shalt  }
0x80: {  	_ =	shalt  }
0x81: {  	_ =	shalt  }
0x82: {  	_ =	shalt  }
0x83: {  	_ =	shalt  }
0x84: {  	_ =	shalt  }
0x85: {  	_ =	shalt  }
0x86: {  	_ =	shalt  }
0x87: {  	_ =	shalt  }
.Lfunc_end0:
.L_simem_size_0:
called_computation.1_lowered:
.L_overlay_start_0:
0x88: {  	s2 =	sld [smem:$0x3FD9]  }
0x89: {  	s3 =	sld [smem:$0x3FFE];
	_ =	sdelay $0x1  }
0x8a: {  	s1 =	srdreg.scid  }
0x8b: {  	s0 =	sand.u32 $0x1, s1  }
0x8c: {  	s16 =	sshll.u32 s0, $0xA;
	s2 =	sadd.s32 s3, s2  }
0x8d: {  	s2 =	sadd.s32 s2, s16  }
0x8e: {  	[smem:$0x3FB5] =	sst s2  }
0x8f: {  	_ = 	snop  }
0x90: {  	(tm) =	ssettm $0x1  }
0x91: {  	s17 =	sld [smem:$0x3FFB];
	_ =	sdelay $0x3  }
0x92: {  	_ =	strace s17  }
0x93: {  	s2 =	sld [smem:$0x3FFC];
	_ =	sdelay $0x3  }
0x94: {  	_ =	strace s2  }
0x95: {  	s2 =	sld [smem:$0x3FFD];
	_ =	sdelay $0x3  }
0x96: {  	_ =	strace s2  }
0x97: {  	_ =	strace $0x8FFFFFFF  }
0x98: {  	s18 =	sld [smem:$0x3FDB];
	_ =	sdelay $0x1  }
0x99: {  	s19 =	simm.s32 $_scs_section_size  }
0x9a: {  	s4 =	simm.s32 $_size__tile_overlayer_lowered;
	s5 =	simm.s32 $_tile_overlayer_lowered  }
0x9b: {  	s22 =	simm.s32 $0x1BFF;
	s21 =	sshll.u32 s5, $0x1;
	s2 =	sadd.s32 s19, s18  }
0x9c: {  	s6 =	simm.s32 $0x0;
	s20 =	sshll.u32 s4, $0x1;
	s4 =	sadd.s32 s21, s2  }
0x9d: {  	[timem:s6], [sflag:s22] =	dma.local [hbm:s4], s20  }
0x9e: {  	_ =	swait.ge [sflag:s22], s20  }
0x9f: {  	s3 =	ssub.s32 $0x0, s20;
	[sflag:s22] =	ssyncset.done $0x0  }
0xa0: {  	[sflag:s22] =	ssyncadd.s32 s3;
	_ =	sdelay $0x1  }
0xa1: {  	s23 =	simm.s32 $0x1B8B  }
0xa2: {  	_ =	swait.ge [sflag:s23], $0x1  }
0xa3: {  	[sflag:s23] =	ssyncset.done $0x0  }
0xa4: {  	s25 =	simm.s32 $0x1B8E;
	s24 =	sld [smem:$0x3FFE];
	[sflag:s23] =	ssyncadd.s32 $0xFFFFFFFF  }
0xa5: {  	s26 =	simm.s32 $execute0_lowered;
	[smem:$0x3FD2] =	sst s25  }
0xa6: {  	s4 =	sshll.u32 s26, $0x1;
	_ =	strace $0x80000046;
	[dreg:$0x1] =	wrdreg $0xFFFFFFFF  }
0xa7: {  	s28 =	simm.s32 $_size_execute0_lowered;
	s2 =	sadd.s32 s2, s4;
	[dreg:$0x0] =	wrdreg $0x0  }
0xa8: {  	s4 =	sshll.u32 s28, $0x1;
	[dreg:$0x2] =	wrdreg s2  }
0xa9: {  	[dreg:$0x3] =	wrdreg s4  }
0xaa: {  	[dreg:$0x4] =	wrdreg $0xC0  }
0xab: {  	_ =	task [dreg:s6], $0x5FFFF  }
0xac: {  	[dreg:$0x1] =	wrdreg $0xFFFFFFFF  }
0xad: {  	[dreg:$0x0] =	wrdreg $0x60  }
0xae: {  	[dreg:$0x2] =	wrdreg s24  }
0xaf: {  	[dreg:$0x3] =	wrdreg $0x90000  }
0xb0: {  	[dreg:$0x4] =	wrdreg $0xA  }
0xb1: {  	_ =	task.clear_ibuf [dreg:s6], $0x5FFFF;
	_ =	strace $0x90000046  }
0xb2: {  	s29 =	simm.s32 $0xA;
	_ =	strace $0x80000048  }
0xb3: {  	_ =	swait.ge [sflag:s29], $0x1  }
0xb4: {  	[sflag:s29] =	ssyncadd.s32 $0xFFFFFFFF  }
0xb5: {  	_ =	strace $0x90000048  }
0xb6: {  	_ =	sfence  }
0xb7: {  	s30 =	sld [smem:$0x0];
	_ =	sdelay $0x2  }
0xb8: {  	s31 =	sshll.u32 s1, $0xD;
	s1 =	sshrl.u32 s1, $0x2  }
0xb9: {  	s3 =	sand.u32 $0x4000, s31;
	s1 =	sadd.s32 s1, s30  }
0xba: {  	s0 =	sor.u32 s3, s0;
	s1 =	sshll.u32 s1, $0x11  }
0xbb: {  	s0 =	sor.u32 s1, s0  }
0xbc: {  	s0 =	sadd.s32 $0x8F2B, s0  }
0xbd: {  	[sflag:s0] =	ssyncadd.remote.s32 $0x1  }
0xbe: {  	_ =	sfence.sel $0xFFFF  }
0xbf: {  	[dreg:$0x0] =	wrdreg $0xFFFFFFFF;
	(pc) =	sbr.abs _section_cstart, $3  }
0xc0: {  	[dreg:$0x1] =	wrdreg $0xFFFFFFFF  }
0xc1: {  	_ =	task.clear_ibuf [dreg:s6], $0x2FFFF;
	_ =	strace $0x9FFFFFFF  }
0xc2: {  	(tm) =	ssettm $0x7FFFFFFF  }
0xc3: {  	_ =	shalt  }
tec
execute0_lowered:
.L_overlay_start_1:
0x0: {  	(tag) =	ssettag $0x1  }
0x1: {  	s6 =	rddreg [dreg:$0x0]  }
0x2: {  	s0 =	srdreg.scid;
	s2 =	rddreg [dreg:$0x1]  }
0x3: {  	s3 =	simm.s32 $0x0;
	s5 =	sand.u32 $0x1, s0;
	s0 =	stileid.u32  }
0x4: {  	s14 =	simm.s32 $0x5000;
	s15 =	simm.s32 $0x1;
	s16 =	smul.u32 $0x2780, s0  }
0x5: {  	[smem:$0x7FF] =	sst s3;
	s1 =	sshll.u32 s5, $0x4;
	s8 =	smul.u32 $0x27800, s5  }
0x6: {  	s5 =	ssub.s32 $0x2, s5;
	s28 =	smul.u32 $0x4F000, s0;
	s31 =	sshll.u32 s0, $0x6  }
0x7: {  	s4 =	sor.u32 s0, s1;
	s1 =	rddreg [dreg:$0x2];
	_ =	strace $0x80000047  }
0x8: {  	s29 =	sshrl.u32 s5, $0x1;
	s7 =	smul.u32 $0x500, s4;
	s4 =	sadd.s32 $0x1B600, s6  }
0x9: {  	s10 =	sadd.s32 s16, s6;
	s11 =	sadd.s32 s8, s6;
	s30 =	sshrl.u32 s28, $0x2  }
0xa: {  	s12 =	ssub.s32 s5, s29;
	s13 =	sadd.s32 s30, s2;
	s5 =	sadd.s32 $0x42800, s10  }
0xb: {  	s17 =	sadd.s32 $0x6A000, s11;
	s11 =	simm.s32 $0x2;
	s9 =	sadd.s32 s7, s6  }
0xc: {  	s6 =	sor.u32 $0x1C02, s31;
	s10 =	sshrl.u32 s13, $0x3;
	s13 =	simm.s32 $0x80  }
0xd: {  	s16 =	sadd.s32 s16, s17;
	s17 =	simm.s32 $0x0;
	s7 =	sadd.s32 $0x6E00, s9  }
0xe: {  	s8 =	sadd.s32 $0x10E00, s9;
	s9 =	smax.u32 s12, $0x1;
	s12 =	simm.s32 $0x2800  }
.LBB2_1:
0xf: {  	[spmem:s10], [sflag:s6] =	dma.local [hbm:s5], $0x2780  }
0x10: {  	_ =	swait.ge [sflag:s11], $0x2780  }
0x11: {  	[sflag:s11] =	ssyncset.done $0x0  }
0x12: {  	[sflag:s11] =	ssyncadd.s32 $0xFFFFD880  }
0x13: {  	[tilespmem:s3], [sflag:$0x2] =	stream.linear.gather [hbm4b:s7+s3], $0x2780, $0x38;
	[tilespmem:$0x1CC00] =	vst v63  }
0x14: {  	_ =	swait.ge [sflag:s11], $0x2780  }
0x15: {  	[sflag:s11] =	ssyncset.done $0x0  }
0x16: {  	[sflag:s11] =	ssyncadd.s32 $0xFFFFD880  }
0x17: {  	[tilespmem:s12], [sflag:$0x2] =	stream.linear.gather [hbm4b:s8+s3], $0x2780, $0x38;
	[tilespmem:$0x1CC00] =	vst v63  }
0x18: {  	_ =	swait.ge [sflag:s11], $0x2780  }
0x19: {  	[sflag:s11] =	ssyncset.done $0x0  }
0x1a: {  	[sflag:s11] =	ssyncadd.s32 $0xFFFFD880  }
0x1b: {  	s18 =	simm.s32 $0x0;
	[bflag:$0x0] =	sbarrier.arrive $0xFFFF  }
0x1c: {  	[tilespmem:s14], [sflag:$0x1] =	stream.indirect.gather [hbm4b:s4+s13], $0x80, s18, s13, $0xb8;
	[tilespmem:$0x1CC00] =	vst v63  }
0x1d: {  	_ =	swait.ge [sflag:s15], $0x4000  }
0x1e: {  	[sflag:s15] =	ssyncset.done $0x0  }
0x1f: {  	s31 =	simm.s32 $0x2800;
	[sflag:s15] =	ssyncadd.s32 $0xFFFFC000  }
0x20: {  	[spmem:s2] =	stream.indirect.scatter.add.f32 [tilespmem:s14], [sflag:$0x2], $0x80, s31, s13, $0xb8;
	[tilespmem:$0x1CC00] =	vst v63  }
0x21: {  	_ =	swait.ge [sflag:s11], $0x4000  }
0x22: {  	s19 =	simm.s32 $0x400;
	s18 =	simm.s32 $0x200;
	[sflag:s11] =	ssyncset.done $0x0  }
.LBB2_2:
0x23: {  	s20 =	sshra.s32 s18, $0x2  }
0x24: {  	[sflag:s11] =	ssyncadd.s32 $0xFFFFC000;
	s18 =	smov.u32 s19;
	s21 =	sadd.s32 $0x200, s19  }
0x25: {  	[tilespmem:s14], [sflag:$0x1] =	stream.indirect.gather [hbm4b:s4+s13], $0x80, s20, s13, $0xb8;
	[tilespmem:$0x1CC00] =	vst v63  }
0x26: {  	p0 =	sne.s32 s19, $0x9C00;
	_ =	swait.ge [sflag:s15], $0x4000  }
.Ltmp0:
0x27: {  	[sflag:s15] =	ssyncset.done $0x0;
	(pc) =	sbr.rel @p0 .LBB2_2-.Ltmp0, $4  }
0x28: {  	s19 =	sadd.s32 $0x2800, s20;
	[sflag:s15] =	ssyncadd.s32 $0xFFFFC000  }
0x29: {  	[spmem:s2] =	stream.indirect.scatter.add.f32 [tilespmem:s14], [sflag:$0x2], $0x80, s19, s13, $0xb8;
	[tilespmem:$0x1CC00] =	vst v63  }
0x2a: {  	_ =	swait.ge [sflag:s11], $0x4000  }
0x2b: {  	s19 =	smov.u32 s21;
	[sflag:s11] =	ssyncset.done $0x0  }
0x2c: {  	s18 =	sshra.s32 s18, $0x2;
	[sflag:s11] =	ssyncadd.s32 $0xFFFFC000  }
0x2d: {  	[tilespmem:s14], [sflag:$0x1] =	stream.indirect.gather [hbm4b:s4+s13], $0x80, s18, s13, $0xb8;
	[tilespmem:$0x1CC00] =	vst v63  }
0x2e: {  	_ =	swait.ge [sflag:s15], $0x4000  }
0x2f: {  	[sflag:s15] =	ssyncset.done $0x0  }
0x30: {  	s18 =	sadd.s32 $0x2800, s18;
	[sflag:s15] =	ssyncadd.s32 $0xFFFFC000  }
0x31: {  	[spmem:s2] =	stream.indirect.scatter.add.f32 [tilespmem:s14], [sflag:$0x2], $0x80, s18, s13, $0xb8;
	[tilespmem:$0x1CC00] =	vst v63  }
0x32: {  	_ =	swait.ge [sflag:s11], $0x4000  }
0x33: {  	s17 =	sadd.s32 $0x1, s17;
	[sflag:s11] =	ssyncset.done $0x0  }
0x34: {  	p0 =	sne.s32 s17, s9;
	[sflag:s11] =	ssyncadd.s32 $0xFFFFC000  }
.Ltmp1:
0x35: {  	[bflag:$0x0] =	sbarrier.arrive $0xFFFF;
	(pc) =	sbr.rel @p0 .LBB2_1-.Ltmp1, $4  }
0x36: {  	[hbm:s16], [sflag:s6] =	dma.local [spmem:s10], $0x2780  }
0x37: {  	_ =	swait.ge [sflag:s11], $0x2780  }
0x38: {  	[sflag:s11] =	ssyncset.done $0x0  }
0x39: {  	[sflag:s11] =	ssyncadd.s32 $0xFFFFD880  }
0x3a: {  	_ =	sfence.sel $0x180000  }
0x3b: {  	[bflag:$0x0] =	sbarrier.arrive $0xFFFF  }
0x3c: {  	p0 =	sne.s32 s0, $0x0;
	_ =	strace $0x90000047  }
0x3d: {  	s0 =	sadd.s32 @!p0 $0x100000, s1;
	[bflag:$0x2] =	sbarrier.arrive $0xFFFF  }
0x3e: {  	[sflag:s0] =	ssyncadd.tile.s32 @!p0 $0x1;
	_ =	shalt  }
.Lfunc_end2:
_tile_overlayer_lowered:
.L_overlay_start_2:
0x3f: {  	(tag) =	ssettag $0x2  }
0x40: {  	s0 =	rddreg [dreg:$0x0];
	s2 =	stileid.u32  }
0x41: {  	s1 =	rddreg [dreg:$0x1];
	p0 =	sne.s32 s2, $0x0  }
0x42: {  	s3 =	rddreg [dreg:$0x2];
	[bflag:$0x3] =	sbarrier.arrive $0xFFFF;
	s2 =	simm.s32 @!p0 $0x1C02  }
0x43: {  	[timem:s3], [sflag:s2] =	dma.local @!p0 [hbm:s0], s1  }
0x44: {  	s0 =	simm.s32 @!p0 $0x2  }
0x45: {  	_ =	swait.ge @!p0 [sflag:s0], s1  }
0x46: {  	s1 =	ssub.s32 @!p0 $0x0, s1;
	[sflag:s0] =	ssyncset.done @!p0 $0x0  }
0x47: {  	[sflag:s0] =	ssyncadd.s32 @!p0 s1  }
0x48: {  	[bflag:$0x3] =	sbarrier.arrive $0xFFFF  }
0x49: {  	_ =	shalt  }

// kernel: kernel.23.cloned.1.call-start
scs
__scs_entry_jumppad:
0x0: {  	(pc) =	sbr.rel $0x88, $3  }
0x1: {  	(tag) =	ssettag $0x0;
	lr =	simm.s32 $0x1  }
0x2: {  	[smem:$0x3F8E] =	sst lr;
	_ =	strace $0xD0000000  }
0x3: {  	_ = 	snop  }
0x4: {  	_ = 	snop  }
0x5: {  	_ = 	snop  }
0x6: {  	_ = 	snop  }
0x7: {  	_ = 	snop  }
__scs_overlays_trampoline_lowered:
0x8: {  	[smem:$0x3F9D] =	sst s0  }
0x9: {  	[smem:$0x3F9E] =	sst s1  }
0xa: {  	[smem:$0x3F9F] =	sst s2  }
0xb: {  	[smem:$0x3FA0] =	sst s3  }
0xc: {  	[smem:$0x3FA1] =	sst s4  }
0xd: {  	[smem:$0x3FA2] =	sst s5  }
0xe: {  	[smem:$0x3FA3] =	sst s6  }
0xf: {  	[smem:$0x3FA4] =	sst s7  }
0x10: {  	[smem:$0x3FA5] =	sst s8  }
0x11: {  	[smem:$0x3FA6] =	sst s9;
	s0 =	simm.s32 @!p0 $0x0  }
0x12: {  	s1 =	sld [smem:$0x3F8C];
	s0 =	simm.s32 @p0 $0x1  }
0x13: {  	[smem:$0x3FA7] =	sst s0;
	s0 =	simm.s32 @!p1 $0x0  }
0x14: {  	s2 =	sld [smem:$0x3F8B];
	s0 =	simm.s32 @p1 $0x1  }
0x15: {  	[smem:$0x3FA8] =	sst s0;
	s0 =	simm.s32 @!p2 $0x0  }
0x16: {  	s3 =	sld [smem:$0x3FDB];
	s0 =	simm.s32 @p2 $0x1  }
0x17: {  	s4 =	simm.s32 $0x1BF5;
	[smem:$0x3FAA] =	sst s0  }
0x18: {  	s0 =	sld [smem:$0x3F8D];
	_ =	swait.ge [sflag:s4], $0x0  }
0x19: {  	s7 =	sld [smem:$0x3F8E]  }
0x1a: {  	s8 =	sadd.s32 $0xFFFFE003, lr  }
0x1b: {  	s9 =	sadd.s32 $0xFFFFFEF7, lr;
	s5 =	simm.s32 $0xFFFFFFFF;
	p2 =	slt.u32 s8, $0xFFFFF086  }
0x1c: {  	p1 =	slt.u32 s9, $0xF7A;
	s5 =	simm.s32 @!p2 $0x0  }
0x1d: {  	s5 =	simm.s32 @p1 $0x1;
	p0 =	seq.s32 s7, s2  }
0x1e: {  	s7 =	smul.u32 @!p0 $0xF7A, s2;
	p2 =	seq.s32 @!p0 s5, $0x0  }
0x1f: {  	s9 =	smul.u32 $0xF7A, s1;
	s8 =	simm.s32 @!p0 $0x1BF5;
	p2 =	por !p2, p0  }
0x20: {  	[sflag:s8] =	ssyncset.s32 @!p0 $0xFFFFF086;
	s6 =	sadd.s32 @!p0 s3, s7;
	s7 =	simm.s32 @!p0 $0x108  }
0x21: {  	s3 =	sadd.s32 s3, s9;
	s6 =	sadd.s32 @!p0 $0x88, s6;
	s7 =	simm.s32 @p2 $0x1082  }
0x22: {  	[simem:s7], [sflag:s8] =	dma.local @!p0 [hbm:s6], $0xF7A  }
0x23: {  	s9 =	sor.u32 $0xD0000000, s2;
	s6 =	simm.s32 $0x108;
	_ =	swait.ge @!p0 [sflag:s8], $0x0  }
0x24: {  	s3 =	sadd.s32 $0x88, s3;
	s6 =	simm.s32 @!p1 $0x1082;
	[sflag:s4] =	ssyncset.s32 $0xFFFFF086  }
0x25: {  	[simem:s6], [sflag:s4] =	dma.local [hbm:s3], $0xF7A  }
0x26: {  	[smem:$0x3F8E] =	sst s1;
	(tag) =	ssettag s2;
	_ =	strace s9  }
0x27: {  	s1 =	sld [smem:$0x3F9E]  }
0x28: {  	s2 =	sld [smem:$0x3F9F]  }
0x29: {  	s4 =	sld [smem:$0x3FA1]  }
0x2a: {  	p0 =	seq.s32 s5, $0x0;
	s5 =	sld [smem:$0x3FA2]  }
0x2b: {  	s6 =	sld [smem:$0x3FA3]  }
0x2c: {  	s7 =	sld [smem:$0x3FA4]  }
0x2d: {  	s3 =	simm.s32 $0x108;
	s8 =	sld [smem:$0x3FA5]  }
0x2e: {  	s3 =	simm.s32 @!p0 $0x1082;
	s9 =	sld [smem:$0x3FA6]  }
0x2f: {  	lr =	sadd.s32 s0, s3;
	s0 =	sld [smem:$0x3F9D]  }
0x30: {  	s3 =	sld [smem:$0x3FA0]  }
0x31: {  	[smem:$0x3FA9] =	sst s10  }
0x32: {  	s10 =	sld [smem:$0x3FA7];
	_ =	sdelay $0x3  }
0x33: {  	p0 =	seq.s32 s10, $0x1;
	s10 =	sld [smem:$0x3FA9];
	_ =	sdelay $0x3  }
0x34: {  	[smem:$0x3FA9] =	sst s10  }
0x35: {  	s10 =	sld [smem:$0x3FA8];
	_ =	sdelay $0x3  }
0x36: {  	p1 =	seq.s32 s10, $0x1;
	s10 =	sld [smem:$0x3FA9];
	_ =	sdelay $0x3  }
0x37: {  	[smem:$0x3FA9] =	sst s10  }
0x38: {  	s10 =	sld [smem:$0x3FAA]  }
0x39: {  	_ = 	snop;
	(pc) =	sbr.ind lr, $3  }
0x3a: {  	_ = 	snop  }
0x3b: {  	_ = 	snop  }
0x3c: {  	p2 =	seq.s32 s10, $0x1;
	s10 =	sld [smem:$0x3FA9]  }
0x3d: {  	_ =	shalt  }
0x3e: {  	_ =	shalt  }
0x3f: {  	_ =	shalt  }
0x40: {  	_ =	shalt  }
0x41: {  	_ =	shalt  }
0x42: {  	_ =	shalt  }
0x43: {  	_ =	shalt  }
0x44: {  	_ =	shalt  }
0x45: {  	_ =	shalt  }
0x46: {  	_ =	shalt  }
0x47: {  	_ =	shalt  }
0x48: {  	_ =	shalt  }
0x49: {  	_ =	shalt  }
0x4a: {  	_ =	shalt  }
0x4b: {  	_ =	shalt  }
0x4c: {  	_ =	shalt  }
0x4d: {  	_ =	shalt  }
0x4e: {  	_ =	shalt  }
0x4f: {  	_ =	shalt  }
0x50: {  	_ =	shalt  }
0x51: {  	_ =	shalt  }
0x52: {  	_ =	shalt  }
0x53: {  	_ =	shalt  }
0x54: {  	_ =	shalt  }
0x55: {  	_ =	shalt  }
0x56: {  	_ =	shalt  }
0x57: {  	_ =	shalt  }
0x58: {  	_ =	shalt  }
0x59: {  	_ =	shalt  }
0x5a: {  	_ =	shalt  }
0x5b: {  	_ =	shalt  }
0x5c: {  	_ =	shalt  }
0x5d: {  	_ =	shalt  }
0x5e: {  	_ =	shalt  }
0x5f: {  	_ =	shalt  }
0x60: {  	_ =	shalt  }
0x61: {  	_ =	shalt  }
0x62: {  	_ =	shalt  }
0x63: {  	_ =	shalt  }
0x64: {  	_ =	shalt  }
0x65: {  	_ =	shalt  }
0x66: {  	_ =	shalt  }
0x67: {  	_ =	shalt  }
0x68: {  	_ =	shalt  }
0x69: {  	_ =	shalt  }
0x6a: {  	_ =	shalt  }
0x6b: {  	_ =	shalt  }
0x6c: {  	_ =	shalt  }
0x6d: {  	_ =	shalt  }
0x6e: {  	_ =	shalt  }
0x6f: {  	_ =	shalt  }
0x70: {  	_ =	shalt  }
0x71: {  	_ =	shalt  }
0x72: {  	_ =	shalt  }
0x73: {  	_ =	shalt  }
0x74: {  	_ =	shalt  }
0x75: {  	_ =	shalt  }
0x76: {  	_ =	shalt  }
0x77: {  	_ =	shalt  }
0x78: {  	_ =	shalt  }
0x79: {  	_ =	shalt  }
0x7a: {  	_ =	shalt  }
0x7b: {  	_ =	shalt  }
0x7c: {  	_ =	shalt  }
0x7d: {  	_ =	shalt  }
0x7e: {  	_ =	shalt  }
0x7f: {  	_ =	shalt  }
0x80: {  	_ =	shalt  }
0x81: {  	_ =	shalt  }
0x82: {  	_ =	shalt  }
0x83: {  	_ =	shalt  }
0x84: {  	_ =	shalt  }
0x85: {  	_ =	shalt  }
0x86: {  	_ =	shalt  }
0x87: {  	_ =	shalt  }
.Lfunc_end0:
.L_simem_size_0:
called_computation.2_lowered:
.L_overlay_start_0:
0x88: {  	s2 =	sld [smem:$0x3FD9]  }
0x89: {  	s3 =	sld [smem:$0x3FFE];
	_ =	sdelay $0x1  }
0x8a: {  	s1 =	srdreg.scid  }
0x8b: {  	s0 =	sand.u32 $0x1, s1  }
0x8c: {  	s17 =	sshll.u32 s0, $0xA;
	s2 =	sadd.s32 s3, s2  }
0x8d: {  	s2 =	sadd.s32 s2, s17  }
0x8e: {  	[smem:$0x3FB5] =	sst s2  }
0x8f: {  	_ = 	snop  }
0x90: {  	(tm) =	ssettm $0x1  }
0x91: {  	s18 =	sld [smem:$0x3FFB];
	_ =	sdelay $0x3  }
0x92: {  	_ =	strace s18  }
0x93: {  	s2 =	sld [smem:$0x3FFC];
	_ =	sdelay $0x3  }
0x94: {  	_ =	strace s2  }
0x95: {  	s2 =	sld [smem:$0x3FFD];
	_ =	sdelay $0x3  }
0x96: {  	_ =	strace s2  }
0x97: {  	_ =	strace $0x8FFFFFFF  }
0x98: {  	s19 =	sld [smem:$0x3FDB];
	_ =	sdelay $0x1  }
0x99: {  	s20 =	simm.s32 $_scs_section_size  }
0x9a: {  	s4 =	simm.s32 $_size__tile_overlayer_lowered;
	s5 =	simm.s32 $_tile_overlayer_lowered  }
0x9b: {  	s6 =	simm.s32 $0x1BFF;
	s21 =	sshll.u32 s5, $0x1;
	s3 =	sadd.s32 s20, s19  }
0x9c: {  	s22 =	simm.s32 $0x0;
	s4 =	sshll.u32 s4, $0x1;
	s5 =	sadd.s32 s21, s3  }
0x9d: {  	[timem:s22], [sflag:s6] =	dma.local [hbm:s5], s4  }
0x9e: {  	_ =	swait.ge [sflag:s6], s4  }
0x9f: {  	s4 =	ssub.s32 $0x0, s4;
	[sflag:s6] =	ssyncset.done $0x0  }
0xa0: {  	[sflag:s6] =	ssyncadd.s32 s4;
	_ =	sdelay $0x1  }
0xa1: {  	s23 =	simm.s32 $0x1B8B  }
0xa2: {  	_ =	swait.ge [sflag:s23], $0x1  }
0xa3: {  	[sflag:s23] =	ssyncset.done $0x0  }
0xa4: {  	[sflag:s23] =	ssyncadd.s32 $0xFFFFFFFF  }
0xa5: {  	s4 =	sld [smem:$0x0]  }
0xa6: {  	s5 =	sand.u32 $0xFFFFFFFE, s1  }
0xa7: {  	p0 =	sne.s32 s1, s5  }
0xa8: {  	s5 =	sshll.u32 @p0 s5, $0xE  }
0xa9: {  	s5 =	sadd.s32 @p0 $0x11B8D, s5;
	s6 =	sshll.u32 @p0 s4, $0x11  }
0xaa: {  	s5 =	sor.u32 @p0 s6, s5  }
0xab: {  	[sflag:s5] =	ssyncadd.remote.s32 @p0 $0x1;
	_ =	sdelay $0x1  }
0xac: {  	s5 =	simm.s32 @p0 $0x1B8D  }
0xad: {  	_ =	swait.eq @p0 [sflag:s5], $0x1  }
0xae: {  	[sflag:s5] =	ssyncadd.s32 @p0 $0xFFFFFFFF  }
0xaf: {  	s6 =	sshll.u32 @!p0 s1, $0xE  }
0xb0: {  	s6 =	sor.u32 @!p0 $0x4000, s6;
	s5 =	simm.s32 @!p0 $0x1B8D  }
0xb1: {  	s4 =	sshll.u32 @!p0 s4, $0x11;
	s6 =	sadd.s32 @!p0 $0x11B8D, s6;
	_ =	swait.eq @!p0 [sflag:s5], $0x1  }
0xb2: {  	s4 =	sor.u32 @!p0 s4, s6;
	[sflag:s5] =	ssyncadd.s32 @!p0 $0xFFFFFFFF  }
0xb3: {  	s25 =	simm.s32 $0x1B8E;
	s24 =	sld [smem:$0x3FFE];
	[sflag:s4] =	ssyncadd.remote.s32 @!p0 $0x1  }
0xb4: {  	s26 =	simm.s32 $execute0_lowered;
	[smem:$0x3FD2] =	sst s25  }
0xb5: {  	s5 =	sshll.u32 s26, $0x1;
	_ =	strace $0x8000004F;
	[dreg:$0x1] =	wrdreg $0xFFFFFFFF  }
0xb6: {  	s28 =	simm.s32 $_size_execute0_lowered;
	s3 =	sadd.s32 s3, s5;
	[dreg:$0x0] =	wrdreg $0x0  }
0xb7: {  	s5 =	sshll.u32 s28, $0x1;
	[dreg:$0x2] =	wrdreg s3  }
0xb8: {  	[dreg:$0x3] =	wrdreg s5  }
0xb9: {  	[dreg:$0x4] =	wrdreg $0xC0  }
0xba: {  	_ =	task [dreg:s22], $0x5FFFF  }
0xbb: {  	[dreg:$0x1] =	wrdreg $0xFFFFFFFF  }
0xbc: {  	[dreg:$0x0] =	wrdreg $0x60  }
0xbd: {  	[dreg:$0x2] =	wrdreg s24  }
0xbe: {  	[dreg:$0x3] =	wrdreg $0x90000  }
0xbf: {  	[dreg:$0x4] =	wrdreg $0x9  }
0xc0: {  	_ =	task.clear_ibuf [dreg:s22], $0x5FFFF;
	_ =	strace $0x9000004F  }
0xc1: {  	s29 =	simm.s32 $0x9;
	_ =	strace $0x80000051  }
0xc2: {  	_ =	swait.ge [sflag:s29], $0x1  }
0xc3: {  	[sflag:s29] =	ssyncadd.s32 $0xFFFFFFFF  }
0xc4: {  	_ =	strace $0x90000051  }
0xc5: {  	_ =	sfence  }
0xc6: {  	s30 =	sld [smem:$0x0];
	_ =	sdelay $0x2  }
0xc7: {  	s31 =	sshll.u32 s1, $0xD;
	s1 =	sshrl.u32 s1, $0x2  }
0xc8: {  	s4 =	sand.u32 $0x4000, s31;
	s1 =	sadd.s32 s1, s30  }
0xc9: {  	s0 =	sor.u32 s4, s0;
	s1 =	sshll.u32 s1, $0x11  }
0xca: {  	s0 =	sor.u32 s1, s0  }
0xcb: {  	s0 =	sadd.s32 $0x8F2B, s0  }
0xcc: {  	[sflag:s0] =	ssyncadd.remote.s32 $0x1  }
0xcd: {  	_ =	sfence.sel $0xFFFF  }
0xce: {  	[dreg:$0x0] =	wrdreg $0xFFFFFFFF;
	(pc) =	sbr.abs _section_cstart, $3  }
0xcf: {  	[dreg:$0x1] =	wrdreg $0xFFFFFFFF  }
0xd0: {  	_ =	task.clear_ibuf [dreg:s22], $0x2FFFF;
	_ =	strace $0x9FFFFFFF  }
0xd1: {  	(tm) =	ssettm $0x7FFFFFFF  }
tec
execute0_lowered:
.L_overlay_start_1:
0x0: {  	(tag) =	ssettag $0x1  }
0x1: {  	s6 =	rddreg [dreg:$0x0]  }
0x2: {  	s0 =	srdreg.scid;
	s2 =	rddreg [dreg:$0x1]  }
0x3: {  	s3 =	simm.s32 $0x0;
	s5 =	sand.u32 $0x1, s0;
	s0 =	stileid.u32  }
0x4: {  	s14 =	simm.s32 $0x5000;
	s15 =	simm.s32 $0x1;
	s16 =	smul.u32 $0x2780, s0  }
0x5: {  	[smem:$0x7FF] =	sst s3;
	s1 =	sshll.u32 s5, $0x4;
	s8 =	smul.u32 $0x27800, s5  }
0x6: {  	s5 =	ssub.s32 $0x2, s5;
	s28 =	smul.u32 $0x4F000, s0;
	s31 =	sshll.u32 s0, $0x6  }
0x7: {  	s4 =	sor.u32 s0, s1;
	s1 =	rddreg [dreg:$0x2];
	_ =	strace $0x80000050  }
0x8: {  	s29 =	sshrl.u32 s5, $0x1;
	s7 =	smul.u32 $0x500, s4;
	s4 =	sadd.s32 $0x91200, s6  }
0x9: {  	s10 =	sadd.s32 s16, s6;
	s11 =	sadd.s32 s8, s6;
	s30 =	sshrl.u32 s28, $0x2  }
0xa: {  	s12 =	ssub.s32 s5, s29;
	s13 =	sadd.s32 s30, s2;
	s5 =	sadd.s32 $0x42800, s10  }
0xb: {  	s17 =	sadd.s32 $0xF4200, s11;
	s11 =	simm.s32 $0x2;
	s9 =	sadd.s32 s7, s6  }
0xc: {  	s6 =	sor.u32 $0x1C02, s31;
	s10 =	sshrl.u32 s13, $0x3;
	s13 =	simm.s32 $0x80  }
0xd: {  	s16 =	sadd.s32 s16, s17;
	s17 =	simm.s32 $0x0;
	s7 =	sadd.s32 $0xB9000, s9  }
0xe: {  	s8 =	sadd.s32 $0xC3000, s9;
	s9 =	smax.u32 s12, $0x1;
	s12 =	simm.s32 $0x2800  }
.LBB2_1:
0xf: {  	[spmem:s10], [sflag:s6] =	dma.local [hbm:s5], $0x2780  }
0x10: {  	_ =	swait.ge [sflag:s11], $0x2780  }
0x11: {  	[sflag:s11] =	ssyncset.done $0x0  }
0x12: {  	[sflag:s11] =	ssyncadd.s32 $0xFFFFD880  }
0x13: {  	[tilespmem:s3], [sflag:$0x2] =	stream.linear.gather [hbm4b:s7+s3], $0x2780, $0x38;
	[tilespmem:$0x1CC00] =	vst v63  }
0x14: {  	_ =	swait.ge [sflag:s11], $0x2780  }
0x15: {  	[sflag:s11] =	ssyncset.done $0x0  }
0x16: {  	[sflag:s11] =	ssyncadd.s32 $0xFFFFD880  }
0x17: {  	[tilespmem:s12], [sflag:$0x2] =	stream.linear.gather [hbm4b:s8+s3], $0x2780, $0x38;
	[tilespmem:$0x1CC00] =	vst v63  }
0x18: {  	_ =	swait.ge [sflag:s11], $0x2780  }
0x19: {  	[sflag:s11] =	ssyncset.done $0x0  }
0x1a: {  	[sflag:s11] =	ssyncadd.s32 $0xFFFFD880  }
0x1b: {  	s18 =	simm.s32 $0x0;
	[bflag:$0x0] =	sbarrier.arrive $0xFFFF  }
0x1c: {  	[tilespmem:s14], [sflag:$0x1] =	stream.indirect.gather [hbm4b:s4+s13], $0x80, s18, s13, $0xb8;
	[tilespmem:$0x1CC00] =	vst v63  }
0x1d: {  	_ =	swait.ge [sflag:s15], $0x4000  }
0x1e: {  	[sflag:s15] =	ssyncset.done $0x0  }
0x1f: {  	s31 =	simm.s32 $0x2800;
	[sflag:s15] =	ssyncadd.s32 $0xFFFFC000  }
0x20: {  	[spmem:s2] =	stream.indirect.scatter.add.f32 [tilespmem:s14], [sflag:$0x2], $0x80, s31, s13, $0xb8;
	[tilespmem:$0x1CC00] =	vst v63  }
0x21: {  	_ =	swait.ge [sflag:s11], $0x4000  }
0x22: {  	s19 =	simm.s32 $0x400;
	s18 =	simm.s32 $0x200;
	[sflag:s11] =	ssyncset.done $0x0  }
.LBB2_2:
0x23: {  	s20 =	sshra.s32 s18, $0x2  }
0x24: {  	[sflag:s11] =	ssyncadd.s32 $0xFFFFC000;
	s18 =	smov.u32 s19;
	s21 =	sadd.s32 $0x200, s19  }
0x25: {  	[tilespmem:s14], [sflag:$0x1] =	stream.indirect.gather [hbm4b:s4+s13], $0x80, s20, s13, $0xb8;
	[tilespmem:$0x1CC00] =	vst v63  }
0x26: {  	p0 =	sne.s32 s19, $0x9C00;
	_ =	swait.ge [sflag:s15], $0x4000  }
.Ltmp0:
0x27: {  	[sflag:s15] =	ssyncset.done $0x0;
	(pc) =	sbr.rel @p0 .LBB2_2-.Ltmp0, $4  }
0x28: {  	s19 =	sadd.s32 $0x2800, s20;
	[sflag:s15] =	ssyncadd.s32 $0xFFFFC000  }
0x29: {  	[spmem:s2] =	stream.indirect.scatter.add.f32 [tilespmem:s14], [sflag:$0x2], $0x80, s19, s13, $0xb8;
	[tilespmem:$0x1CC00] =	vst v63  }
0x2a: {  	_ =	swait.ge [sflag:s11], $0x4000  }
0x2b: {  	s19 =	smov.u32 s21;
	[sflag:s11] =	ssyncset.done $0x0  }
0x2c: {  	s18 =	sshra.s32 s18, $0x2;
	[sflag:s11] =	ssyncadd.s32 $0xFFFFC000  }
0x2d: {  	[tilespmem:s14], [sflag:$0x1] =	stream.indirect.gather [hbm4b:s4+s13], $0x80, s18, s13, $0xb8;
	[tilespmem:$0x1CC00] =	vst v63  }
0x2e: {  	_ =	swait.ge [sflag:s15], $0x4000  }
0x2f: {  	[sflag:s15] =	ssyncset.done $0x0  }
0x30: {  	s18 =	sadd.s32 $0x2800, s18;
	[sflag:s15] =	ssyncadd.s32 $0xFFFFC000  }
0x31: {  	[spmem:s2] =	stream.indirect.scatter.add.f32 [tilespmem:s14], [sflag:$0x2], $0x80, s18, s13, $0xb8;
	[tilespmem:$0x1CC00] =	vst v63  }
0x32: {  	_ =	swait.ge [sflag:s11], $0x4000  }
0x33: {  	s17 =	sadd.s32 $0x1, s17;
	[sflag:s11] =	ssyncset.done $0x0  }
0x34: {  	p0 =	sne.s32 s17, s9;
	[sflag:s11] =	ssyncadd.s32 $0xFFFFC000  }
.Ltmp1:
0x35: {  	[bflag:$0x0] =	sbarrier.arrive $0xFFFF;
	(pc) =	sbr.rel @p0 .LBB2_1-.Ltmp1, $4  }
0x36: {  	[hbm:s16], [sflag:s6] =	dma.local [spmem:s10], $0x2780  }
0x37: {  	_ =	swait.ge [sflag:s11], $0x2780  }
0x38: {  	[sflag:s11] =	ssyncset.done $0x0  }
0x39: {  	[sflag:s11] =	ssyncadd.s32 $0xFFFFD880  }
0x3a: {  	_ =	sfence.sel $0x180000  }
0x3b: {  	[bflag:$0x0] =	sbarrier.arrive $0xFFFF  }
0x3c: {  	p0 =	sne.s32 s0, $0x0;
	_ =	strace $0x90000050  }
0x3d: {  	s0 =	sadd.s32 @!p0 $0x100000, s1;
	[bflag:$0x2] =	sbarrier.arrive $0xFFFF  }
0x3e: {  	[sflag:s0] =	ssyncadd.tile.s32 @!p0 $0x1;
	_ =	shalt  }
.Lfunc_end2:
_tile_overlayer_lowered:
.L_overlay_start_2:
0x3f: {  	(tag) =	ssettag $0x2  }
0x40: {  	s0 =	rddreg [dreg:$0x0];
	s2 =	stileid.u32  }
0x41: {  	s1 =	rddreg [dreg:$0x1];
	p0 =	sne.s32 s2, $0x0  }
0x42: {  	s3 =	rddreg [dreg:$0x2];
	[bflag:$0x3] =	sbarrier.arrive $0xFFFF;
	s2 =	simm.s32 @!p0 $0x1C02  }
0x43: {  	[timem:s3], [sflag:s2] =	dma.local @!p0 [hbm:s0], s1  }
0x44: {  	s0 =	simm.s32 @!p0 $0x2  }
0x45: {  	_ =	swait.ge @!p0 [sflag:s0], s1  }
0x46: {  	s1 =	ssub.s32 @!p0 $0x0, s1;
	[sflag:s0] =	ssyncset.done @!p0 $0x0  }
0x47: {  	[sflag:s0] =	ssyncadd.s32 @!p0 s1  }
0x48: {  	[bflag:$0x3] =	sbarrier.arrive $0xFFFF  }
0x49: {  	_ =	shalt  }

// kernel: kernel.26.cloned.1.call-start
scs
__scs_entry_jumppad:
0x0: {  	(pc) =	sbr.rel $0x88, $3  }
0x1: {  	(tag) =	ssettag $0x0;
	lr =	simm.s32 $0x1  }
0x2: {  	[smem:$0x3F8E] =	sst lr;
	_ =	strace $0xD0000000  }
0x3: {  	_ = 	snop  }
0x4: {  	_ = 	snop  }
0x5: {  	_ = 	snop  }
0x6: {  	_ = 	snop  }
0x7: {  	_ = 	snop  }
__scs_overlays_trampoline_lowered:
0x8: {  	[smem:$0x3F9D] =	sst s0  }
0x9: {  	[smem:$0x3F9E] =	sst s1  }
0xa: {  	[smem:$0x3F9F] =	sst s2  }
0xb: {  	[smem:$0x3FA0] =	sst s3  }
0xc: {  	[smem:$0x3FA1] =	sst s4  }
0xd: {  	[smem:$0x3FA2] =	sst s5  }
0xe: {  	[smem:$0x3FA3] =	sst s6  }
0xf: {  	[smem:$0x3FA4] =	sst s7  }
0x10: {  	[smem:$0x3FA5] =	sst s8  }
0x11: {  	[smem:$0x3FA6] =	sst s9;
	s0 =	simm.s32 @!p0 $0x0  }
0x12: {  	s1 =	sld [smem:$0x3F8C];
	s0 =	simm.s32 @p0 $0x1  }
0x13: {  	[smem:$0x3FA7] =	sst s0;
	s0 =	simm.s32 @!p1 $0x0  }
0x14: {  	s2 =	sld [smem:$0x3F8B];
	s0 =	simm.s32 @p1 $0x1  }
0x15: {  	[smem:$0x3FA8] =	sst s0;
	s0 =	simm.s32 @!p2 $0x0  }
0x16: {  	s3 =	sld [smem:$0x3FDB];
	s0 =	simm.s32 @p2 $0x1  }
0x17: {  	s4 =	simm.s32 $0x1BF5;
	[smem:$0x3FAA] =	sst s0  }
0x18: {  	s0 =	sld [smem:$0x3F8D];
	_ =	swait.ge [sflag:s4], $0x0  }
0x19: {  	s7 =	sld [smem:$0x3F8E]  }
0x1a: {  	s8 =	sadd.s32 $0xFFFFE003, lr  }
0x1b: {  	s9 =	sadd.s32 $0xFFFFFEF7, lr;
	s5 =	simm.s32 $0xFFFFFFFF;
	p2 =	slt.u32 s8, $0xFFFFF086  }
0x1c: {  	p1 =	slt.u32 s9, $0xF7A;
	s5 =	simm.s32 @!p2 $0x0  }
0x1d: {  	s5 =	simm.s32 @p1 $0x1;
	p0 =	seq.s32 s7, s2  }
0x1e: {  	s7 =	smul.u32 @!p0 $0xF7A, s2;
	p2 =	seq.s32 @!p0 s5, $0x0  }
0x1f: {  	s9 =	smul.u32 $0xF7A, s1;
	s8 =	simm.s32 @!p0 $0x1BF5;
	p2 =	por !p2, p0  }
0x20: {  	[sflag:s8] =	ssyncset.s32 @!p0 $0xFFFFF086;
	s6 =	sadd.s32 @!p0 s3, s7;
	s7 =	simm.s32 @!p0 $0x108  }
0x21: {  	s3 =	sadd.s32 s3, s9;
	s6 =	sadd.s32 @!p0 $0x88, s6;
	s7 =	simm.s32 @p2 $0x1082  }
0x22: {  	[simem:s7], [sflag:s8] =	dma.local @!p0 [hbm:s6], $0xF7A  }
0x23: {  	s9 =	sor.u32 $0xD0000000, s2;
	s6 =	simm.s32 $0x108;
	_ =	swait.ge @!p0 [sflag:s8], $0x0  }
0x24: {  	s3 =	sadd.s32 $0x88, s3;
	s6 =	simm.s32 @!p1 $0x1082;
	[sflag:s4] =	ssyncset.s32 $0xFFFFF086  }
0x25: {  	[simem:s6], [sflag:s4] =	dma.local [hbm:s3], $0xF7A  }
0x26: {  	[smem:$0x3F8E] =	sst s1;
	(tag) =	ssettag s2;
	_ =	strace s9  }
0x27: {  	s1 =	sld [smem:$0x3F9E]  }
0x28: {  	s2 =	sld [smem:$0x3F9F]  }
0x29: {  	s4 =	sld [smem:$0x3FA1]  }
0x2a: {  	p0 =	seq.s32 s5, $0x0;
	s5 =	sld [smem:$0x3FA2]  }
0x2b: {  	s6 =	sld [smem:$0x3FA3]  }
0x2c: {  	s7 =	sld [smem:$0x3FA4]  }
0x2d: {  	s3 =	simm.s32 $0x108;
	s8 =	sld [smem:$0x3FA5]  }
0x2e: {  	s3 =	simm.s32 @!p0 $0x1082;
	s9 =	sld [smem:$0x3FA6]  }
0x2f: {  	lr =	sadd.s32 s0, s3;
	s0 =	sld [smem:$0x3F9D]  }
0x30: {  	s3 =	sld [smem:$0x3FA0]  }
0x31: {  	[smem:$0x3FA9] =	sst s10  }
0x32: {  	s10 =	sld [smem:$0x3FA7];
	_ =	sdelay $0x3  }
0x33: {  	p0 =	seq.s32 s10, $0x1;
	s10 =	sld [smem:$0x3FA9];
	_ =	sdelay $0x3  }
0x34: {  	[smem:$0x3FA9] =	sst s10  }
0x35: {  	s10 =	sld [smem:$0x3FA8];
	_ =	sdelay $0x3  }
0x36: {  	p1 =	seq.s32 s10, $0x1;
	s10 =	sld [smem:$0x3FA9];
	_ =	sdelay $0x3  }
0x37: {  	[smem:$0x3FA9] =	sst s10  }
0x38: {  	s10 =	sld [smem:$0x3FAA]  }
0x39: {  	_ = 	snop;
	(pc) =	sbr.ind lr, $3  }
0x3a: {  	_ = 	snop  }
0x3b: {  	_ = 	snop  }
0x3c: {  	p2 =	seq.s32 s10, $0x1;
	s10 =	sld [smem:$0x3FA9]  }
0x3d: {  	_ =	shalt  }
0x3e: {  	_ =	shalt  }
0x3f: {  	_ =	shalt  }
0x40: {  	_ =	shalt  }
0x41: {  	_ =	shalt  }
0x42: {  	_ =	shalt  }
0x43: {  	_ =	shalt  }
0x44: {  	_ =	shalt  }
0x45: {  	_ =	shalt  }
0x46: {  	_ =	shalt  }
0x47: {  	_ =	shalt  }
0x48: {  	_ =	shalt  }
0x49: {  	_ =	shalt  }
0x4a: {  	_ =	shalt  }
0x4b: {  	_ =	shalt  }
0x4c: {  	_ =	shalt  }
0x4d: {  	_ =	shalt  }
0x4e: {  	_ =	shalt  }
0x4f: {  	_ =	shalt  }
0x50: {  	_ =	shalt  }
0x51: {  	_ =	shalt  }
0x52: {  	_ =	shalt  }
0x53: {  	_ =	shalt  }
0x54: {  	_ =	shalt  }
0x55: {  	_ =	shalt  }
0x56: {  	_ =	shalt  }
0x57: {  	_ =	shalt  }
0x58: {  	_ =	shalt  }
0x59: {  	_ =	shalt  }
0x5a: {  	_ =	shalt  }
0x5b: {  	_ =	shalt  }
0x5c: {  	_ =	shalt  }
0x5d: {  	_ =	shalt  }
0x5e: {  	_ =	shalt  }
0x5f: {  	_ =	shalt  }
0x60: {  	_ =	shalt  }
0x61: {  	_ =	shalt  }
0x62: {  	_ =	shalt  }
0x63: {  	_ =	shalt  }
0x64: {  	_ =	shalt  }
0x65: {  	_ =	shalt  }
0x66: {  	_ =	shalt  }
0x67: {  	_ =	shalt  }
0x68: {  	_ =	shalt  }
0x69: {  	_ =	shalt  }
0x6a: {  	_ =	shalt  }
0x6b: {  	_ =	shalt  }
0x6c: {  	_ =	shalt  }
0x6d: {  	_ =	shalt  }
0x6e: {  	_ =	shalt  }
0x6f: {  	_ =	shalt  }
0x70: {  	_ =	shalt  }
0x71: {  	_ =	shalt  }
0x72: {  	_ =	shalt  }
0x73: {  	_ =	shalt  }
0x74: {  	_ =	shalt  }
0x75: {  	_ =	shalt  }
0x76: {  	_ =	shalt  }
0x77: {  	_ =	shalt  }
0x78: {  	_ =	shalt  }
0x79: {  	_ =	shalt  }
0x7a: {  	_ =	shalt  }
0x7b: {  	_ =	shalt  }
0x7c: {  	_ =	shalt  }
0x7d: {  	_ =	shalt  }
0x7e: {  	_ =	shalt  }
0x7f: {  	_ =	shalt  }
0x80: {  	_ =	shalt  }
0x81: {  	_ =	shalt  }
0x82: {  	_ =	shalt  }
0x83: {  	_ =	shalt  }
0x84: {  	_ =	shalt  }
0x85: {  	_ =	shalt  }
0x86: {  	_ =	shalt  }
0x87: {  	_ =	shalt  }
.Lfunc_end0:
.L_simem_size_0:
called_computation.3_lowered:
.L_overlay_start_0:
0x88: {  	s2 =	sld [smem:$0x3FD9]  }
0x89: {  	s3 =	sld [smem:$0x3FFE];
	_ =	sdelay $0x1  }
0x8a: {  	s1 =	srdreg.scid  }
0x8b: {  	s0 =	sand.u32 $0x1, s1  }
0x8c: {  	s17 =	sshll.u32 s0, $0xA;
	s2 =	sadd.s32 s3, s2  }
0x8d: {  	s2 =	sadd.s32 s2, s17  }
0x8e: {  	[smem:$0x3FB5] =	sst s2  }
0x8f: {  	_ = 	snop  }
0x90: {  	(tm) =	ssettm $0x1  }
0x91: {  	s18 =	sld [smem:$0x3FFB];
	_ =	sdelay $0x3  }
0x92: {  	_ =	strace s18  }
0x93: {  	s2 =	sld [smem:$0x3FFC];
	_ =	sdelay $0x3  }
0x94: {  	_ =	strace s2  }
0x95: {  	s2 =	sld [smem:$0x3FFD];
	_ =	sdelay $0x3  }
0x96: {  	_ =	strace s2  }
0x97: {  	_ =	strace $0x8FFFFFFF  }
0x98: {  	s19 =	sld [smem:$0x3FDB];
	_ =	sdelay $0x1  }
0x99: {  	s20 =	simm.s32 $_scs_section_size  }
0x9a: {  	s4 =	simm.s32 $_size__tile_overlayer_lowered;
	s5 =	simm.s32 $_tile_overlayer_lowered  }
0x9b: {  	s6 =	simm.s32 $0x1BFF;
	s21 =	sshll.u32 s5, $0x1;
	s3 =	sadd.s32 s20, s19  }
0x9c: {  	s22 =	simm.s32 $0x0;
	s4 =	sshll.u32 s4, $0x1;
	s5 =	sadd.s32 s21, s3  }
0x9d: {  	[timem:s22], [sflag:s6] =	dma.local [hbm:s5], s4  }
0x9e: {  	_ =	swait.ge [sflag:s6], s4  }
0x9f: {  	s4 =	ssub.s32 $0x0, s4;
	[sflag:s6] =	ssyncset.done $0x0  }
0xa0: {  	[sflag:s6] =	ssyncadd.s32 s4;
	_ =	sdelay $0x1  }
0xa1: {  	s23 =	simm.s32 $0x1B8B  }
0xa2: {  	_ =	swait.ge [sflag:s23], $0x1  }
0xa3: {  	[sflag:s23] =	ssyncset.done $0x0  }
0xa4: {  	[sflag:s23] =	ssyncadd.s32 $0xFFFFFFFF  }
0xa5: {  	s4 =	sld [smem:$0x0]  }
0xa6: {  	s5 =	sand.u32 $0xFFFFFFFE, s1  }
0xa7: {  	p0 =	sne.s32 s1, s5  }
0xa8: {  	s5 =	sshll.u32 @p0 s5, $0xE  }
0xa9: {  	s5 =	sadd.s32 @p0 $0x11B8D, s5;
	s6 =	sshll.u32 @p0 s4, $0x11  }
0xaa: {  	s5 =	sor.u32 @p0 s6, s5  }
0xab: {  	[sflag:s5] =	ssyncadd.remote.s32 @p0 $0x1;
	_ =	sdelay $0x1  }
0xac: {  	s5 =	simm.s32 @p0 $0x1B8D  }
0xad: {  	_ =	swait.eq @p0 [sflag:s5], $0x1  }
0xae: {  	[sflag:s5] =	ssyncadd.s32 @p0 $0xFFFFFFFF  }
0xaf: {  	s6 =	sshll.u32 @!p0 s1, $0xE  }
0xb0: {  	s6 =	sor.u32 @!p0 $0x4000, s6;
	s5 =	simm.s32 @!p0 $0x1B8D  }
0xb1: {  	s4 =	sshll.u32 @!p0 s4, $0x11;
	s6 =	sadd.s32 @!p0 $0x11B8D, s6;
	_ =	swait.eq @!p0 [sflag:s5], $0x1  }
0xb2: {  	s4 =	sor.u32 @!p0 s4, s6;
	[sflag:s5] =	ssyncadd.s32 @!p0 $0xFFFFFFFF  }
0xb3: {  	s25 =	simm.s32 $0x1B8E;
	s24 =	sld [smem:$0x3FFE];
	[sflag:s4] =	ssyncadd.remote.s32 @!p0 $0x1  }
0xb4: {  	s26 =	simm.s32 $execute0_lowered;
	[smem:$0x3FD2] =	sst s25  }
0xb5: {  	s5 =	sshll.u32 s26, $0x1;
	_ =	strace $0x8000004C;
	[dreg:$0x1] =	wrdreg $0xFFFFFFFF  }
0xb6: {  	s28 =	simm.s32 $_size_execute0_lowered;
	s3 =	sadd.s32 s3, s5;
	[dreg:$0x0] =	wrdreg $0x0  }
0xb7: {  	s5 =	sshll.u32 s28, $0x1;
	[dreg:$0x2] =	wrdreg s3  }
0xb8: {  	[dreg:$0x3] =	wrdreg s5  }
0xb9: {  	[dreg:$0x4] =	wrdreg $0xC0  }
0xba: {  	_ =	task [dreg:s22], $0x5FFFF  }
0xbb: {  	[dreg:$0x1] =	wrdreg $0xFFFFFFFF  }
0xbc: {  	[dreg:$0x0] =	wrdreg $0x60  }
0xbd: {  	[dreg:$0x2] =	wrdreg s24  }
0xbe: {  	[dreg:$0x3] =	wrdreg $0x90000  }
0xbf: {  	[dreg:$0x4] =	wrdreg $0xA  }
0xc0: {  	_ =	task.clear_ibuf [dreg:s22], $0x5FFFF;
	_ =	strace $0x9000004C  }
0xc1: {  	s29 =	simm.s32 $0xA;
	_ =	strace $0x8000004E  }
0xc2: {  	_ =	swait.ge [sflag:s29], $0x1  }
0xc3: {  	[sflag:s29] =	ssyncadd.s32 $0xFFFFFFFF  }
0xc4: {  	_ =	strace $0x9000004E  }
0xc5: {  	_ =	sfence  }
0xc6: {  	s30 =	sld [smem:$0x0];
	_ =	sdelay $0x2  }
0xc7: {  	s31 =	sshll.u32 s1, $0xD;
	s1 =	sshrl.u32 s1, $0x2  }
0xc8: {  	s4 =	sand.u32 $0x4000, s31;
	s1 =	sadd.s32 s1, s30  }
0xc9: {  	s0 =	sor.u32 s4, s0;
	s1 =	sshll.u32 s1, $0x11  }
0xca: {  	s0 =	sor.u32 s1, s0  }
0xcb: {  	s0 =	sadd.s32 $0x8F2B, s0  }
0xcc: {  	[sflag:s0] =	ssyncadd.remote.s32 $0x1  }
0xcd: {  	_ =	sfence.sel $0xFFFF  }
0xce: {  	[dreg:$0x0] =	wrdreg $0xFFFFFFFF;
	(pc) =	sbr.abs _section_cstart, $3  }
0xcf: {  	[dreg:$0x1] =	wrdreg $0xFFFFFFFF  }
0xd0: {  	_ =	task.clear_ibuf [dreg:s22], $0x2FFFF;
	_ =	strace $0x9FFFFFFF  }
0xd1: {  	(tm) =	ssettm $0x7FFFFFFF  }
tec
execute0_lowered:
.L_overlay_start_1:
0x0: {  	(tag) =	ssettag $0x1  }
0x1: {  	s6 =	rddreg [dreg:$0x0]  }
0x2: {  	s0 =	srdreg.scid;
	s2 =	rddreg [dreg:$0x1]  }
0x3: {  	s3 =	simm.s32 $0x0;
	s5 =	sand.u32 $0x1, s0;
	s0 =	stileid.u32  }
0x4: {  	s14 =	simm.s32 $0x5000;
	s15 =	simm.s32 $0x1;
	s16 =	smul.u32 $0x2780, s0  }
0x5: {  	[smem:$0x7FF] =	sst s3;
	s1 =	sshll.u32 s5, $0x4;
	s8 =	smul.u32 $0x27800, s5  }
0x6: {  	s5 =	ssub.s32 $0x2, s5;
	s28 =	smul.u32 $0x4F000, s0;
	s31 =	sshll.u32 s0, $0x6  }
0x7: {  	s4 =	sor.u32 s0, s1;
	s1 =	rddreg [dreg:$0x2];
	_ =	strace $0x8000004D  }
0x8: {  	s29 =	sshrl.u32 s5, $0x1;
	s7 =	smul.u32 $0x500, s4;
	s4 =	sadd.s32 $0x1B600, s6  }
0x9: {  	s10 =	sadd.s32 s16, s6;
	s11 =	sadd.s32 s8, s6;
	s30 =	sshrl.u32 s28, $0x2  }
0xa: {  	s12 =	ssub.s32 s5, s29;
	s13 =	sadd.s32 s30, s2;
	s5 =	sadd.s32 $0x42800, s10  }
0xb: {  	s17 =	sadd.s32 $0x143200, s11;
	s11 =	simm.s32 $0x2;
	s9 =	sadd.s32 s7, s6  }
0xc: {  	s6 =	sor.u32 $0x1C02, s31;
	s10 =	sshrl.u32 s13, $0x3;
	s13 =	simm.s32 $0x80  }
0xd: {  	s16 =	sadd.s32 s16, s17;
	s17 =	simm.s32 $0x0;
	s7 =	sadd.s32 $0x6E00, s9  }
0xe: {  	s8 =	sadd.s32 $0x10E00, s9;
	s9 =	smax.u32 s12, $0x1;
	s12 =	simm.s32 $0x2800  }
.LBB2_1:
0xf: {  	[spmem:s10], [sflag:s6] =	dma.local [hbm:s5], $0x2780  }
0x10: {  	_ =	swait.ge [sflag:s11], $0x2780  }
0x11: {  	[sflag:s11] =	ssyncset.done $0x0  }
0x12: {  	[sflag:s11] =	ssyncadd.s32 $0xFFFFD880  }
0x13: {  	[tilespmem:s3], [sflag:$0x2] =	stream.linear.gather [hbm4b:s7+s3], $0x2780, $0x38;
	[tilespmem:$0x1CC00] =	vst v63  }
0x14: {  	_ =	swait.ge [sflag:s11], $0x2780  }
0x15: {  	[sflag:s11] =	ssyncset.done $0x0  }
0x16: {  	[sflag:s11] =	ssyncadd.s32 $0xFFFFD880  }
0x17: {  	[tilespmem:s12], [sflag:$0x2] =	stream.linear.gather [hbm4b:s8+s3], $0x2780, $0x38;
	[tilespmem:$0x1CC00] =	vst v63  }
0x18: {  	_ =	swait.ge [sflag:s11], $0x2780  }
0x19: {  	[sflag:s11] =	ssyncset.done $0x0  }
0x1a: {  	[sflag:s11] =	ssyncadd.s32 $0xFFFFD880  }
0x1b: {  	s18 =	simm.s32 $0x0;
	[bflag:$0x0] =	sbarrier.arrive $0xFFFF  }
0x1c: {  	[tilespmem:s14], [sflag:$0x1] =	stream.indirect.gather [hbm4b:s4+s13], $0x80, s18, s13, $0xb8;
	[tilespmem:$0x1CC00] =	vst v63  }
0x1d: {  	_ =	swait.ge [sflag:s15], $0x4000  }
0x1e: {  	[sflag:s15] =	ssyncset.done $0x0  }
0x1f: {  	s31 =	simm.s32 $0x2800;
	[sflag:s15] =	ssyncadd.s32 $0xFFFFC000  }
0x20: {  	[spmem:s2] =	stream.indirect.scatter.add.f32 [tilespmem:s14], [sflag:$0x2], $0x80, s31, s13, $0xb8;
	[tilespmem:$0x1CC00] =	vst v63  }
0x21: {  	_ =	swait.ge [sflag:s11], $0x4000  }
0x22: {  	s19 =	simm.s32 $0x400;
	s18 =	simm.s32 $0x200;
	[sflag:s11] =	ssyncset.done $0x0  }
.LBB2_2:
0x23: {  	s20 =	sshra.s32 s18, $0x2  }
0x24: {  	[sflag:s11] =	ssyncadd.s32 $0xFFFFC000;
	s18 =	smov.u32 s19;
	s21 =	sadd.s32 $0x200, s19  }
0x25: {  	[tilespmem:s14], [sflag:$0x1] =	stream.indirect.gather [hbm4b:s4+s13], $0x80, s20, s13, $0xb8;
	[tilespmem:$0x1CC00] =	vst v63  }
0x26: {  	p0 =	sne.s32 s19, $0x9C00;
	_ =	swait.ge [sflag:s15], $0x4000  }
.Ltmp0:
0x27: {  	[sflag:s15] =	ssyncset.done $0x0;
	(pc) =	sbr.rel @p0 .LBB2_2-.Ltmp0, $4  }
0x28: {  	s19 =	sadd.s32 $0x2800, s20;
	[sflag:s15] =	ssyncadd.s32 $0xFFFFC000  }
0x29: {  	[spmem:s2] =	stream.indirect.scatter.add.f32 [tilespmem:s14], [sflag:$0x2], $0x80, s19, s13, $0xb8;
	[tilespmem:$0x1CC00] =	vst v63  }
0x2a: {  	_ =	swait.ge [sflag:s11], $0x4000  }
0x2b: {  	s19 =	smov.u32 s21;
	[sflag:s11] =	ssyncset.done $0x0  }
0x2c: {  	s18 =	sshra.s32 s18, $0x2;
	[sflag:s11] =	ssyncadd.s32 $0xFFFFC000  }
0x2d: {  	[tilespmem:s14], [sflag:$0x1] =	stream.indirect.gather [hbm4b:s4+s13], $0x80, s18, s13, $0xb8;
	[tilespmem:$0x1CC00] =	vst v63  }
0x2e: {  	_ =	swait.ge [sflag:s15], $0x4000  }
0x2f: {  	[sflag:s15] =	ssyncset.done $0x0  }
0x30: {  	s18 =	sadd.s32 $0x2800, s18;
	[sflag:s15] =	ssyncadd.s32 $0xFFFFC000  }
0x31: {  	[spmem:s2] =	stream.indirect.scatter.add.f32 [tilespmem:s14], [sflag:$0x2], $0x80, s18, s13, $0xb8;
	[tilespmem:$0x1CC00] =	vst v63  }
0x32: {  	_ =	swait.ge [sflag:s11], $0x4000  }
0x33: {  	s17 =	sadd.s32 $0x1, s17;
	[sflag:s11] =	ssyncset.done $0x0  }
0x34: {  	p0 =	sne.s32 s17, s9;
	[sflag:s11] =	ssyncadd.s32 $0xFFFFC000  }
.Ltmp1:
0x35: {  	[bflag:$0x0] =	sbarrier.arrive $0xFFFF;
	(pc) =	sbr.rel @p0 .LBB2_1-.Ltmp1, $4  }
0x36: {  	[hbm:s16], [sflag:s6] =	dma.local [spmem:s10], $0x2780  }
0x37: {  	_ =	swait.ge [sflag:s11], $0x2780  }
0x38: {  	[sflag:s11] =	ssyncset.done $0x0  }
0x39: {  	[sflag:s11] =	ssyncadd.s32 $0xFFFFD880  }
0x3a: {  	_ =	sfence.sel $0x180000  }
0x3b: {  	[bflag:$0x0] =	sbarrier.arrive $0xFFFF  }
0x3c: {  	p0 =	sne.s32 s0, $0x0;
	_ =	strace $0x9000004D  }
0x3d: {  	s0 =	sadd.s32 @!p0 $0x100000, s1;
	[bflag:$0x2] =	sbarrier.arrive $0xFFFF  }
0x3e: {  	[sflag:s0] =	ssyncadd.tile.s32 @!p0 $0x1;
	_ =	shalt  }
.Lfunc_end2:
_tile_overlayer_lowered:
.L_overlay_start_2:
0x3f: {  	(tag) =	ssettag $0x2  }
0x40: {  	s0 =	rddreg [dreg:$0x0];
	s2 =	stileid.u32  }
0x41: {  	s1 =	rddreg [dreg:$0x1];
	p0 =	sne.s32 s2, $0x0  }
0x42: {  	s3 =	rddreg [dreg:$0x2];
	[bflag:$0x3] =	sbarrier.arrive $0xFFFF;
	s2 =	simm.s32 @!p0 $0x1C02  }
0x43: {  	[timem:s3], [sflag:s2] =	dma.local @!p0 [hbm:s0], s1  }
0x44: {  	s0 =	simm.s32 @!p0 $0x2  }
0x45: {  	_ =	swait.ge @!p0 [sflag:s0], s1  }
0x46: {  	s1 =	ssub.s32 @!p0 $0x0, s1;
	[sflag:s0] =	ssyncset.done @!p0 $0x0  }
0x47: {  	[sflag:s0] =	ssyncadd.s32 @!p0 s1  }
0x48: {  	[bflag:$0x3] =	sbarrier.arrive $0xFFFF  }
0x49: {  	_ =	shalt  }

// kernel: kernel.29.cloned.1.call-start
scs
__scs_entry_jumppad:
0x0: {  	(pc) =	sbr.rel $0x88, $3  }
0x1: {  	(tag) =	ssettag $0x0;
	lr =	simm.s32 $0x1  }
0x2: {  	[smem:$0x3F8E] =	sst lr;
	_ =	strace $0xD0000000  }
0x3: {  	_ = 	snop  }
0x4: {  	_ = 	snop  }
0x5: {  	_ = 	snop  }
0x6: {  	_ = 	snop  }
0x7: {  	_ = 	snop  }
__scs_overlays_trampoline_lowered:
0x8: {  	[smem:$0x3F9D] =	sst s0  }
0x9: {  	[smem:$0x3F9E] =	sst s1  }
0xa: {  	[smem:$0x3F9F] =	sst s2  }
0xb: {  	[smem:$0x3FA0] =	sst s3  }
0xc: {  	[smem:$0x3FA1] =	sst s4  }
0xd: {  	[smem:$0x3FA2] =	sst s5  }
0xe: {  	[smem:$0x3FA3] =	sst s6  }
0xf: {  	[smem:$0x3FA4] =	sst s7  }
0x10: {  	[smem:$0x3FA5] =	sst s8  }
0x11: {  	[smem:$0x3FA6] =	sst s9;
	s0 =	simm.s32 @!p0 $0x0  }
0x12: {  	s1 =	sld [smem:$0x3F8C];
	s0 =	simm.s32 @p0 $0x1  }
0x13: {  	[smem:$0x3FA7] =	sst s0;
	s0 =	simm.s32 @!p1 $0x0  }
0x14: {  	s2 =	sld [smem:$0x3F8B];
	s0 =	simm.s32 @p1 $0x1  }
0x15: {  	[smem:$0x3FA8] =	sst s0;
	s0 =	simm.s32 @!p2 $0x0  }
0x16: {  	s3 =	sld [smem:$0x3FDB];
	s0 =	simm.s32 @p2 $0x1  }
0x17: {  	s4 =	simm.s32 $0x1BF5;
	[smem:$0x3FAA] =	sst s0  }
0x18: {  	s0 =	sld [smem:$0x3F8D];
	_ =	swait.ge [sflag:s4], $0x0  }
0x19: {  	s7 =	sld [smem:$0x3F8E]  }
0x1a: {  	s8 =	sadd.s32 $0xFFFFE003, lr  }
0x1b: {  	s9 =	sadd.s32 $0xFFFFFEF7, lr;
	s5 =	simm.s32 $0xFFFFFFFF;
	p2 =	slt.u32 s8, $0xFFFFF086  }
0x1c: {  	p1 =	slt.u32 s9, $0xF7A;
	s5 =	simm.s32 @!p2 $0x0  }
0x1d: {  	s5 =	simm.s32 @p1 $0x1;
	p0 =	seq.s32 s7, s2  }
0x1e: {  	s7 =	smul.u32 @!p0 $0xF7A, s2;
	p2 =	seq.s32 @!p0 s5, $0x0  }
0x1f: {  	s9 =	smul.u32 $0xF7A, s1;
	s8 =	simm.s32 @!p0 $0x1BF5;
	p2 =	por !p2, p0  }
0x20: {  	[sflag:s8] =	ssyncset.s32 @!p0 $0xFFFFF086;
	s6 =	sadd.s32 @!p0 s3, s7;
	s7 =	simm.s32 @!p0 $0x108  }
0x21: {  	s3 =	sadd.s32 s3, s9;
	s6 =	sadd.s32 @!p0 $0x88, s6;
	s7 =	simm.s32 @p2 $0x1082  }
0x22: {  	[simem:s7], [sflag:s8] =	dma.local @!p0 [hbm:s6], $0xF7A  }
0x23: {  	s9 =	sor.u32 $0xD0000000, s2;
	s6 =	simm.s32 $0x108;
	_ =	swait.ge @!p0 [sflag:s8], $0x0  }
0x24: {  	s3 =	sadd.s32 $0x88, s3;
	s6 =	simm.s32 @!p1 $0x1082;
	[sflag:s4] =	ssyncset.s32 $0xFFFFF086  }
0x25: {  	[simem:s6], [sflag:s4] =	dma.local [hbm:s3], $0xF7A  }
0x26: {  	[smem:$0x3F8E] =	sst s1;
	(tag) =	ssettag s2;
	_ =	strace s9  }
0x27: {  	s1 =	sld [smem:$0x3F9E]  }
0x28: {  	s2 =	sld [smem:$0x3F9F]  }
0x29: {  	s4 =	sld [smem:$0x3FA1]  }
0x2a: {  	p0 =	seq.s32 s5, $0x0;
	s5 =	sld [smem:$0x3FA2]  }
0x2b: {  	s6 =	sld [smem:$0x3FA3]  }
0x2c: {  	s7 =	sld [smem:$0x3FA4]  }
0x2d: {  	s3 =	simm.s32 $0x108;
	s8 =	sld [smem:$0x3FA5]  }
0x2e: {  	s3 =	simm.s32 @!p0 $0x1082;
	s9 =	sld [smem:$0x3FA6]  }
0x2f: {  	lr =	sadd.s32 s0, s3;
	s0 =	sld [smem:$0x3F9D]  }
0x30: {  	s3 =	sld [smem:$0x3FA0]  }
0x31: {  	[smem:$0x3FA9] =	sst s10  }
0x32: {  	s10 =	sld [smem:$0x3FA7];
	_ =	sdelay $0x3  }
0x33: {  	p0 =	seq.s32 s10, $0x1;
	s10 =	sld [smem:$0x3FA9];
	_ =	sdelay $0x3  }
0x34: {  	[smem:$0x3FA9] =	sst s10  }
0x35: {  	s10 =	sld [smem:$0x3FA8];
	_ =	sdelay $0x3  }
0x36: {  	p1 =	seq.s32 s10, $0x1;
	s10 =	sld [smem:$0x3FA9];
	_ =	sdelay $0x3  }
0x37: {  	[smem:$0x3FA9] =	sst s10  }
0x38: {  	s10 =	sld [smem:$0x3FAA]  }
0x39: {  	_ = 	snop;
	(pc) =	sbr.ind lr, $3  }
0x3a: {  	_ = 	snop  }
0x3b: {  	_ = 	snop  }
0x3c: {  	p2 =	seq.s32 s10, $0x1;
	s10 =	sld [smem:$0x3FA9]  }
0x3d: {  	_ =	shalt  }
0x3e: {  	_ =	shalt  }
0x3f: {  	_ =	shalt  }
0x40: {  	_ =	shalt  }
0x41: {  	_ =	shalt  }
0x42: {  	_ =	shalt  }
0x43: {  	_ =	shalt  }
0x44: {  	_ =	shalt  }
0x45: {  	_ =	shalt  }
0x46: {  	_ =	shalt  }
0x47: {  	_ =	shalt  }
0x48: {  	_ =	shalt  }
0x49: {  	_ =	shalt  }
0x4a: {  	_ =	shalt  }
0x4b: {  	_ =	shalt  }
0x4c: {  	_ =	shalt  }
0x4d: {  	_ =	shalt  }
0x4e: {  	_ =	shalt  }
0x4f: {  	_ =	shalt  }
0x50: {  	_ =	shalt  }
0x51: {  	_ =	shalt  }
0x52: {  	_ =	shalt  }
0x53: {  	_ =	shalt  }
0x54: {  	_ =	shalt  }
0x55: {  	_ =	shalt  }
0x56: {  	_ =	shalt  }
0x57: {  	_ =	shalt  }
0x58: {  	_ =	shalt  }
0x59: {  	_ =	shalt  }
0x5a: {  	_ =	shalt  }
0x5b: {  	_ =	shalt  }
0x5c: {  	_ =	shalt  }
0x5d: {  	_ =	shalt  }
0x5e: {  	_ =	shalt  }
0x5f: {  	_ =	shalt  }
0x60: {  	_ =	shalt  }
0x61: {  	_ =	shalt  }
0x62: {  	_ =	shalt  }
0x63: {  	_ =	shalt  }
0x64: {  	_ =	shalt  }
0x65: {  	_ =	shalt  }
0x66: {  	_ =	shalt  }
0x67: {  	_ =	shalt  }
0x68: {  	_ =	shalt  }
0x69: {  	_ =	shalt  }
0x6a: {  	_ =	shalt  }
0x6b: {  	_ =	shalt  }
0x6c: {  	_ =	shalt  }
0x6d: {  	_ =	shalt  }
0x6e: {  	_ =	shalt  }
0x6f: {  	_ =	shalt  }
0x70: {  	_ =	shalt  }
0x71: {  	_ =	shalt  }
0x72: {  	_ =	shalt  }
0x73: {  	_ =	shalt  }
0x74: {  	_ =	shalt  }
0x75: {  	_ =	shalt  }
0x76: {  	_ =	shalt  }
0x77: {  	_ =	shalt  }
0x78: {  	_ =	shalt  }
0x79: {  	_ =	shalt  }
0x7a: {  	_ =	shalt  }
0x7b: {  	_ =	shalt  }
0x7c: {  	_ =	shalt  }
0x7d: {  	_ =	shalt  }
0x7e: {  	_ =	shalt  }
0x7f: {  	_ =	shalt  }
0x80: {  	_ =	shalt  }
0x81: {  	_ =	shalt  }
0x82: {  	_ =	shalt  }
0x83: {  	_ =	shalt  }
0x84: {  	_ =	shalt  }
0x85: {  	_ =	shalt  }
0x86: {  	_ =	shalt  }
0x87: {  	_ =	shalt  }
.Lfunc_end0:
.L_simem_size_0:
called_computation.4_lowered:
.L_overlay_start_0:
0x88: {  	s2 =	sld [smem:$0x3FD9]  }
0x89: {  	s3 =	sld [smem:$0x3FFE];
	_ =	sdelay $0x1  }
0x8a: {  	s1 =	srdreg.scid  }
0x8b: {  	s0 =	sand.u32 $0x1, s1  }
0x8c: {  	s17 =	sshll.u32 s0, $0xA;
	s2 =	sadd.s32 s3, s2  }
0x8d: {  	s2 =	sadd.s32 s2, s17  }
0x8e: {  	[smem:$0x3FB5] =	sst s2  }
0x8f: {  	_ = 	snop  }
0x90: {  	(tm) =	ssettm $0x1  }
0x91: {  	s18 =	sld [smem:$0x3FFB];
	_ =	sdelay $0x3  }
0x92: {  	_ =	strace s18  }
0x93: {  	s2 =	sld [smem:$0x3FFC];
	_ =	sdelay $0x3  }
0x94: {  	_ =	strace s2  }
0x95: {  	s2 =	sld [smem:$0x3FFD];
	_ =	sdelay $0x3  }
0x96: {  	_ =	strace s2  }
0x97: {  	_ =	strace $0x8FFFFFFF  }
0x98: {  	s19 =	sld [smem:$0x3FDB];
	_ =	sdelay $0x1  }
0x99: {  	s20 =	simm.s32 $_scs_section_size  }
0x9a: {  	s4 =	simm.s32 $_size__tile_overlayer_lowered;
	s5 =	simm.s32 $_tile_overlayer_lowered  }
0x9b: {  	s6 =	simm.s32 $0x1BFF;
	s21 =	sshll.u32 s5, $0x1;
	s3 =	sadd.s32 s20, s19  }
0x9c: {  	s22 =	simm.s32 $0x0;
	s4 =	sshll.u32 s4, $0x1;
	s5 =	sadd.s32 s21, s3  }
0x9d: {  	[timem:s22], [sflag:s6] =	dma.local [hbm:s5], s4  }
0x9e: {  	_ =	swait.ge [sflag:s6], s4  }
0x9f: {  	s4 =	ssub.s32 $0x0, s4;
	[sflag:s6] =	ssyncset.done $0x0  }
0xa0: {  	[sflag:s6] =	ssyncadd.s32 s4;
	_ =	sdelay $0x1  }
0xa1: {  	s23 =	simm.s32 $0x1B8B  }
0xa2: {  	_ =	swait.ge [sflag:s23], $0x1  }
0xa3: {  	[sflag:s23] =	ssyncset.done $0x0  }
0xa4: {  	[sflag:s23] =	ssyncadd.s32 $0xFFFFFFFF  }
0xa5: {  	s4 =	sld [smem:$0x0]  }
0xa6: {  	s5 =	sand.u32 $0xFFFFFFFE, s1  }
0xa7: {  	p0 =	sne.s32 s1, s5  }
0xa8: {  	s5 =	sshll.u32 @p0 s5, $0xE  }
0xa9: {  	s5 =	sadd.s32 @p0 $0x11B8D, s5;
	s6 =	sshll.u32 @p0 s4, $0x11  }
0xaa: {  	s5 =	sor.u32 @p0 s6, s5  }
0xab: {  	[sflag:s5] =	ssyncadd.remote.s32 @p0 $0x1;
	_ =	sdelay $0x1  }
0xac: {  	s5 =	simm.s32 @p0 $0x1B8D  }
0xad: {  	_ =	swait.eq @p0 [sflag:s5], $0x1  }
0xae: {  	[sflag:s5] =	ssyncadd.s32 @p0 $0xFFFFFFFF  }
0xaf: {  	s6 =	sshll.u32 @!p0 s1, $0xE  }
0xb0: {  	s6 =	sor.u32 @!p0 $0x4000, s6;
	s5 =	simm.s32 @!p0 $0x1B8D  }
0xb1: {  	s4 =	sshll.u32 @!p0 s4, $0x11;
	s6 =	sadd.s32 @!p0 $0x11B8D, s6;
	_ =	swait.eq @!p0 [sflag:s5], $0x1  }
0xb2: {  	s4 =	sor.u32 @!p0 s4, s6;
	[sflag:s5] =	ssyncadd.s32 @!p0 $0xFFFFFFFF  }
0xb3: {  	s25 =	simm.s32 $0x1B8E;
	s24 =	sld [smem:$0x3FFE];
	[sflag:s4] =	ssyncadd.remote.s32 @!p0 $0x1  }
0xb4: {  	s26 =	simm.s32 $execute0_lowered;
	[smem:$0x3FD2] =	sst s25  }
0xb5: {  	s5 =	sshll.u32 s26, $0x1;
	_ =	strace $0x80000055;
	[dreg:$0x1] =	wrdreg $0xFFFFFFFF  }
0xb6: {  	s28 =	simm.s32 $_size_execute0_lowered;
	s3 =	sadd.s32 s3, s5;
	[dreg:$0x0] =	wrdreg $0x0  }
0xb7: {  	s5 =	sshll.u32 s28, $0x1;
	[dreg:$0x2] =	wrdreg s3  }
0xb8: {  	[dreg:$0x3] =	wrdreg s5  }
0xb9: {  	[dreg:$0x4] =	wrdreg $0xC0  }
0xba: {  	_ =	task [dreg:s22], $0x5FFFF  }
0xbb: {  	[dreg:$0x1] =	wrdreg $0xFFFFFFFF  }
0xbc: {  	[dreg:$0x0] =	wrdreg $0x60  }
0xbd: {  	[dreg:$0x2] =	wrdreg s24  }
0xbe: {  	[dreg:$0x3] =	wrdreg $0x90000  }
0xbf: {  	[dreg:$0x4] =	wrdreg $0x9  }
0xc0: {  	_ =	task.clear_ibuf [dreg:s22], $0x5FFFF;
	_ =	strace $0x90000055  }
0xc1: {  	s29 =	simm.s32 $0x9;
	_ =	strace $0x80000057  }
0xc2: {  	_ =	swait.ge [sflag:s29], $0x1  }
0xc3: {  	[sflag:s29] =	ssyncadd.s32 $0xFFFFFFFF  }
0xc4: {  	_ =	strace $0x90000057  }
0xc5: {  	_ =	sfence  }
0xc6: {  	s30 =	sld [smem:$0x0];
	_ =	sdelay $0x2  }
0xc7: {  	s31 =	sshll.u32 s1, $0xD;
	s1 =	sshrl.u32 s1, $0x2  }
0xc8: {  	s4 =	sand.u32 $0x4000, s31;
	s1 =	sadd.s32 s1, s30  }
0xc9: {  	s0 =	sor.u32 s4, s0;
	s1 =	sshll.u32 s1, $0x11  }
0xca: {  	s0 =	sor.u32 s1, s0  }
0xcb: {  	s0 =	sadd.s32 $0x8F2B, s0  }
0xcc: {  	[sflag:s0] =	ssyncadd.remote.s32 $0x1  }
0xcd: {  	_ =	sfence.sel $0xFFFF  }
0xce: {  	[dreg:$0x0] =	wrdreg $0xFFFFFFFF;
	(pc) =	sbr.abs _section_cstart, $3  }
0xcf: {  	[dreg:$0x1] =	wrdreg $0xFFFFFFFF  }
0xd0: {  	_ =	task.clear_ibuf [dreg:s22], $0x2FFFF;
	_ =	strace $0x9FFFFFFF  }
0xd1: {  	(tm) =	ssettm $0x7FFFFFFF  }
tec
execute0_lowered:
.L_overlay_start_1:
0x0: {  	(tag) =	ssettag $0x1  }
0x1: {  	s6 =	rddreg [dreg:$0x0]  }
0x2: {  	s0 =	srdreg.scid;
	s2 =	rddreg [dreg:$0x1]  }
0x3: {  	s3 =	simm.s32 $0x0;
	s5 =	sand.u32 $0x1, s0;
	s0 =	stileid.u32  }
0x4: {  	s14 =	simm.s32 $0x5000;
	s15 =	simm.s32 $0x1;
	s16 =	smul.u32 $0x2780, s0  }
0x5: {  	[smem:$0x7FF] =	sst s3;
	s1 =	sshll.u32 s5, $0x4;
	s8 =	smul.u32 $0x27800, s5  }
0x6: {  	s5 =	ssub.s32 $0x2, s5;
	s28 =	smul.u32 $0x4F000, s0;
	s31 =	sshll.u32 s0, $0x6  }
0x7: {  	s4 =	sor.u32 s0, s1;
	s1 =	rddreg [dreg:$0x2];
	_ =	strace $0x80000056  }
0x8: {  	s29 =	sshrl.u32 s5, $0x1;
	s7 =	smul.u32 $0x500, s4;
	s4 =	sadd.s32 $0x6A000, s6  }
0x9: {  	s10 =	sadd.s32 s16, s6;
	s11 =	sadd.s32 s8, s6;
	s30 =	sshrl.u32 s28, $0x2  }
0xa: {  	s12 =	ssub.s32 s5, s29;
	s13 =	sadd.s32 s30, s2;
	s5 =	sadd.s32 $0x42800, s10  }
0xb: {  	s17 =	sadd.s32 $0xCD000, s11;
	s11 =	simm.s32 $0x2;
	s9 =	sadd.s32 s7, s6  }
0xc: {  	s6 =	sor.u32 $0x1C02, s31;
	s10 =	sshrl.u32 s13, $0x3;
	s13 =	simm.s32 $0x80  }
0xd: {  	s16 =	sadd.s32 s16, s17;
	s17 =	simm.s32 $0x0;
	s7 =	sadd.s32 $0xB9000, s9  }
0xe: {  	s8 =	sadd.s32 $0xC3000, s9;
	s9 =	smax.u32 s12, $0x1;
	s12 =	simm.s32 $0x2800  }
.LBB2_1:
0xf: {  	[spmem:s10], [sflag:s6] =	dma.local [hbm:s5], $0x2780  }
0x10: {  	_ =	swait.ge [sflag:s11], $0x2780  }
0x11: {  	[sflag:s11] =	ssyncset.done $0x0  }
0x12: {  	[sflag:s11] =	ssyncadd.s32 $0xFFFFD880  }
0x13: {  	[tilespmem:s3], [sflag:$0x2] =	stream.linear.gather [hbm4b:s7+s3], $0x2780, $0x38;
	[tilespmem:$0x1CC00] =	vst v63  }
0x14: {  	_ =	swait.ge [sflag:s11], $0x2780  }
0x15: {  	[sflag:s11] =	ssyncset.done $0x0  }
0x16: {  	[sflag:s11] =	ssyncadd.s32 $0xFFFFD880  }
0x17: {  	[tilespmem:s12], [sflag:$0x2] =	stream.linear.gather [hbm4b:s8+s3], $0x2780, $0x38;
	[tilespmem:$0x1CC00] =	vst v63  }
0x18: {  	_ =	swait.ge [sflag:s11], $0x2780  }
0x19: {  	[sflag:s11] =	ssyncset.done $0x0  }
0x1a: {  	[sflag:s11] =	ssyncadd.s32 $0xFFFFD880  }
0x1b: {  	s18 =	simm.s32 $0x0;
	[bflag:$0x0] =	sbarrier.arrive $0xFFFF  }
0x1c: {  	[tilespmem:s14], [sflag:$0x1] =	stream.indirect.gather [hbm4b:s4+s13], $0x80, s18, s13, $0xb8;
	[tilespmem:$0x1CC00] =	vst v63  }
0x1d: {  	_ =	swait.ge [sflag:s15], $0x4000  }
0x1e: {  	[sflag:s15] =	ssyncset.done $0x0  }
0x1f: {  	s31 =	simm.s32 $0x2800;
	[sflag:s15] =	ssyncadd.s32 $0xFFFFC000  }
0x20: {  	[spmem:s2] =	stream.indirect.scatter.add.f32 [tilespmem:s14], [sflag:$0x2], $0x80, s31, s13, $0xb8;
	[tilespmem:$0x1CC00] =	vst v63  }
0x21: {  	_ =	swait.ge [sflag:s11], $0x4000  }
0x22: {  	s19 =	simm.s32 $0x400;
	s18 =	simm.s32 $0x200;
	[sflag:s11] =	ssyncset.done $0x0  }
.LBB2_2:
0x23: {  	s20 =	sshra.s32 s18, $0x2  }
0x24: {  	[sflag:s11] =	ssyncadd.s32 $0xFFFFC000;
	s18 =	smov.u32 s19;
	s21 =	sadd.s32 $0x200, s19  }
0x25: {  	[tilespmem:s14], [sflag:$0x1] =	stream.indirect.gather [hbm4b:s4+s13], $0x80, s20, s13, $0xb8;
	[tilespmem:$0x1CC00] =	vst v63  }
0x26: {  	p0 =	sne.s32 s19, $0x9C00;
	_ =	swait.ge [sflag:s15], $0x4000  }
.Ltmp0:
0x27: {  	[sflag:s15] =	ssyncset.done $0x0;
	(pc) =	sbr.rel @p0 .LBB2_2-.Ltmp0, $4  }
0x28: {  	s19 =	sadd.s32 $0x2800, s20;
	[sflag:s15] =	ssyncadd.s32 $0xFFFFC000  }
0x29: {  	[spmem:s2] =	stream.indirect.scatter.add.f32 [tilespmem:s14], [sflag:$0x2], $0x80, s19, s13, $0xb8;
	[tilespmem:$0x1CC00] =	vst v63  }
0x2a: {  	_ =	swait.ge [sflag:s11], $0x4000  }
0x2b: {  	s19 =	smov.u32 s21;
	[sflag:s11] =	ssyncset.done $0x0  }
0x2c: {  	s18 =	sshra.s32 s18, $0x2;
	[sflag:s11] =	ssyncadd.s32 $0xFFFFC000  }
0x2d: {  	[tilespmem:s14], [sflag:$0x1] =	stream.indirect.gather [hbm4b:s4+s13], $0x80, s18, s13, $0xb8;
	[tilespmem:$0x1CC00] =	vst v63  }
0x2e: {  	_ =	swait.ge [sflag:s15], $0x4000  }
0x2f: {  	[sflag:s15] =	ssyncset.done $0x0  }
0x30: {  	s18 =	sadd.s32 $0x2800, s18;
	[sflag:s15] =	ssyncadd.s32 $0xFFFFC000  }
0x31: {  	[spmem:s2] =	stream.indirect.scatter.add.f32 [tilespmem:s14], [sflag:$0x2], $0x80, s18, s13, $0xb8;
	[tilespmem:$0x1CC00] =	vst v63  }
0x32: {  	_ =	swait.ge [sflag:s11], $0x4000  }
0x33: {  	s17 =	sadd.s32 $0x1, s17;
	[sflag:s11] =	ssyncset.done $0x0  }
0x34: {  	p0 =	sne.s32 s17, s9;
	[sflag:s11] =	ssyncadd.s32 $0xFFFFC000  }
.Ltmp1:
0x35: {  	[bflag:$0x0] =	sbarrier.arrive $0xFFFF;
	(pc) =	sbr.rel @p0 .LBB2_1-.Ltmp1, $4  }
0x36: {  	[hbm:s16], [sflag:s6] =	dma.local [spmem:s10], $0x2780  }
0x37: {  	_ =	swait.ge [sflag:s11], $0x2780  }
0x38: {  	[sflag:s11] =	ssyncset.done $0x0  }
0x39: {  	[sflag:s11] =	ssyncadd.s32 $0xFFFFD880  }
0x3a: {  	_ =	sfence.sel $0x180000  }
0x3b: {  	[bflag:$0x0] =	sbarrier.arrive $0xFFFF  }
0x3c: {  	p0 =	sne.s32 s0, $0x0;
	_ =	strace $0x90000056  }
0x3d: {  	s0 =	sadd.s32 @!p0 $0x100000, s1;
	[bflag:$0x2] =	sbarrier.arrive $0xFFFF  }
0x3e: {  	[sflag:s0] =	ssyncadd.tile.s32 @!p0 $0x1;
	_ =	shalt  }
.Lfunc_end2:
_tile_overlayer_lowered:
.L_overlay_start_2:
0x3f: {  	(tag) =	ssettag $0x2  }
0x40: {  	s0 =	rddreg [dreg:$0x0];
	s2 =	stileid.u32  }
0x41: {  	s1 =	rddreg [dreg:$0x1];
	p0 =	sne.s32 s2, $0x0  }
0x42: {  	s3 =	rddreg [dreg:$0x2];
	[bflag:$0x3] =	sbarrier.arrive $0xFFFF;
	s2 =	simm.s32 @!p0 $0x1C02  }
0x43: {  	[timem:s3], [sflag:s2] =	dma.local @!p0 [hbm:s0], s1  }
0x44: {  	s0 =	simm.s32 @!p0 $0x2  }
0x45: {  	_ =	swait.ge @!p0 [sflag:s0], s1  }
0x46: {  	s1 =	ssub.s32 @!p0 $0x0, s1;
	[sflag:s0] =	ssyncset.done @!p0 $0x0  }
0x47: {  	[sflag:s0] =	ssyncadd.s32 @!p0 s1  }
0x48: {  	[bflag:$0x3] =	sbarrier.arrive $0xFFFF  }
0x49: {  	_ =	shalt  }

// kernel: kernel.32.cloned.1.call-start
scs
__scs_entry_jumppad:
0x0: {  	(pc) =	sbr.rel $0x88, $3  }
0x1: {  	(tag) =	ssettag $0x0;
	lr =	simm.s32 $0x1  }
0x2: {  	[smem:$0x3F8E] =	sst lr;
	_ =	strace $0xD0000000  }
0x3: {  	_ = 	snop  }
0x4: {  	_ = 	snop  }
0x5: {  	_ = 	snop  }
0x6: {  	_ = 	snop  }
0x7: {  	_ = 	snop  }
__scs_overlays_trampoline_lowered:
0x8: {  	[smem:$0x3F9D] =	sst s0  }
0x9: {  	[smem:$0x3F9E] =	sst s1  }
0xa: {  	[smem:$0x3F9F] =	sst s2  }
0xb: {  	[smem:$0x3FA0] =	sst s3  }
0xc: {  	[smem:$0x3FA1] =	sst s4  }
0xd: {  	[smem:$0x3FA2] =	sst s5  }
0xe: {  	[smem:$0x3FA3] =	sst s6  }
0xf: {  	[smem:$0x3FA4] =	sst s7  }
0x10: {  	[smem:$0x3FA5] =	sst s8  }
0x11: {  	[smem:$0x3FA6] =	sst s9;
	s0 =	simm.s32 @!p0 $0x0  }
0x12: {  	s1 =	sld [smem:$0x3F8C];
	s0 =	simm.s32 @p0 $0x1  }
0x13: {  	[smem:$0x3FA7] =	sst s0;
	s0 =	simm.s32 @!p1 $0x0  }
0x14: {  	s2 =	sld [smem:$0x3F8B];
	s0 =	simm.s32 @p1 $0x1  }
0x15: {  	[smem:$0x3FA8] =	sst s0;
	s0 =	simm.s32 @!p2 $0x0  }
0x16: {  	s3 =	sld [smem:$0x3FDB];
	s0 =	simm.s32 @p2 $0x1  }
0x17: {  	s4 =	simm.s32 $0x1BF5;
	[smem:$0x3FAA] =	sst s0  }
0x18: {  	s0 =	sld [smem:$0x3F8D];
	_ =	swait.ge [sflag:s4], $0x0  }
0x19: {  	s7 =	sld [smem:$0x3F8E]  }
0x1a: {  	s8 =	sadd.s32 $0xFFFFE003, lr  }
0x1b: {  	s9 =	sadd.s32 $0xFFFFFEF7, lr;
	s5 =	simm.s32 $0xFFFFFFFF;
	p2 =	slt.u32 s8, $0xFFFFF086  }
0x1c: {  	p1 =	slt.u32 s9, $0xF7A;
	s5 =	simm.s32 @!p2 $0x0  }
0x1d: {  	s5 =	simm.s32 @p1 $0x1;
	p0 =	seq.s32 s7, s2  }
0x1e: {  	s7 =	smul.u32 @!p0 $0xF7A, s2;
	p2 =	seq.s32 @!p0 s5, $0x0  }
0x1f: {  	s9 =	smul.u32 $0xF7A, s1;
	s8 =	simm.s32 @!p0 $0x1BF5;
	p2 =	por !p2, p0  }
0x20: {  	[sflag:s8] =	ssyncset.s32 @!p0 $0xFFFFF086;
	s6 =	sadd.s32 @!p0 s3, s7;
	s7 =	simm.s32 @!p0 $0x108  }
0x21: {  	s3 =	sadd.s32 s3, s9;
	s6 =	sadd.s32 @!p0 $0x88, s6;
	s7 =	simm.s32 @p2 $0x1082  }
0x22: {  	[simem:s7], [sflag:s8] =	dma.local @!p0 [hbm:s6], $0xF7A  }
0x23: {  	s9 =	sor.u32 $0xD0000000, s2;
	s6 =	simm.s32 $0x108;
	_ =	swait.ge @!p0 [sflag:s8], $0x0  }
0x24: {  	s3 =	sadd.s32 $0x88, s3;
	s6 =	simm.s32 @!p1 $0x1082;
	[sflag:s4] =	ssyncset.s32 $0xFFFFF086  }
0x25: {  	[simem:s6], [sflag:s4] =	dma.local [hbm:s3], $0xF7A  }
0x26: {  	[smem:$0x3F8E] =	sst s1;
	(tag) =	ssettag s2;
	_ =	strace s9  }
0x27: {  	s1 =	sld [smem:$0x3F9E]  }
0x28: {  	s2 =	sld [smem:$0x3F9F]  }
0x29: {  	s4 =	sld [smem:$0x3FA1]  }
0x2a: {  	p0 =	seq.s32 s5, $0x0;
	s5 =	sld [smem:$0x3FA2]  }
0x2b: {  	s6 =	sld [smem:$0x3FA3]  }
0x2c: {  	s7 =	sld [smem:$0x3FA4]  }
0x2d: {  	s3 =	simm.s32 $0x108;
	s8 =	sld [smem:$0x3FA5]  }
0x2e: {  	s3 =	simm.s32 @!p0 $0x1082;
	s9 =	sld [smem:$0x3FA6]  }
0x2f: {  	lr =	sadd.s32 s0, s3;
	s0 =	sld [smem:$0x3F9D]  }
0x30: {  	s3 =	sld [smem:$0x3FA0]  }
0x31: {  	[smem:$0x3FA9] =	sst s10  }
0x32: {  	s10 =	sld [smem:$0x3FA7];
	_ =	sdelay $0x3  }
0x33: {  	p0 =	seq.s32 s10, $0x1;
	s10 =	sld [smem:$0x3FA9];
	_ =	sdelay $0x3  }
0x34: {  	[smem:$0x3FA9] =	sst s10  }
0x35: {  	s10 =	sld [smem:$0x3FA8];
	_ =	sdelay $0x3  }
0x36: {  	p1 =	seq.s32 s10, $0x1;
	s10 =	sld [smem:$0x3FA9];
	_ =	sdelay $0x3  }
0x37: {  	[smem:$0x3FA9] =	sst s10  }
0x38: {  	s10 =	sld [smem:$0x3FAA]  }
0x39: {  	_ = 	snop;
	(pc) =	sbr.ind lr, $3  }
0x3a: {  	_ = 	snop  }
0x3b: {  	_ = 	snop  }
0x3c: {  	p2 =	seq.s32 s10, $0x1;
	s10 =	sld [smem:$0x3FA9]  }
0x3d: {  	_ =	shalt  }
0x3e: {  	_ =	shalt  }
0x3f: {  	_ =	shalt  }
0x40: {  	_ =	shalt  }
0x41: {  	_ =	shalt  }
0x42: {  	_ =	shalt  }
0x43: {  	_ =	shalt  }
0x44: {  	_ =	shalt  }
0x45: {  	_ =	shalt  }
0x46: {  	_ =	shalt  }
0x47: {  	_ =	shalt  }
0x48: {  	_ =	shalt  }
0x49: {  	_ =	shalt  }
0x4a: {  	_ =	shalt  }
0x4b: {  	_ =	shalt  }
0x4c: {  	_ =	shalt  }
0x4d: {  	_ =	shalt  }
0x4e: {  	_ =	shalt  }
0x4f: {  	_ =	shalt  }
0x50: {  	_ =	shalt  }
0x51: {  	_ =	shalt  }
0x52: {  	_ =	shalt  }
0x53: {  	_ =	shalt  }
0x54: {  	_ =	shalt  }
0x55: {  	_ =	shalt  }
0x56: {  	_ =	shalt  }
0x57: {  	_ =	shalt  }
0x58: {  	_ =	shalt  }
0x59: {  	_ =	shalt  }
0x5a: {  	_ =	shalt  }
0x5b: {  	_ =	shalt  }
0x5c: {  	_ =	shalt  }
0x5d: {  	_ =	shalt  }
0x5e: {  	_ =	shalt  }
0x5f: {  	_ =	shalt  }
0x60: {  	_ =	shalt  }
0x61: {  	_ =	shalt  }
0x62: {  	_ =	shalt  }
0x63: {  	_ =	shalt  }
0x64: {  	_ =	shalt  }
0x65: {  	_ =	shalt  }
0x66: {  	_ =	shalt  }
0x67: {  	_ =	shalt  }
0x68: {  	_ =	shalt  }
0x69: {  	_ =	shalt  }
0x6a: {  	_ =	shalt  }
0x6b: {  	_ =	shalt  }
0x6c: {  	_ =	shalt  }
0x6d: {  	_ =	shalt  }
0x6e: {  	_ =	shalt  }
0x6f: {  	_ =	shalt  }
0x70: {  	_ =	shalt  }
0x71: {  	_ =	shalt  }
0x72: {  	_ =	shalt  }
0x73: {  	_ =	shalt  }
0x74: {  	_ =	shalt  }
0x75: {  	_ =	shalt  }
0x76: {  	_ =	shalt  }
0x77: {  	_ =	shalt  }
0x78: {  	_ =	shalt  }
0x79: {  	_ =	shalt  }
0x7a: {  	_ =	shalt  }
0x7b: {  	_ =	shalt  }
0x7c: {  	_ =	shalt  }
0x7d: {  	_ =	shalt  }
0x7e: {  	_ =	shalt  }
0x7f: {  	_ =	shalt  }
0x80: {  	_ =	shalt  }
0x81: {  	_ =	shalt  }
0x82: {  	_ =	shalt  }
0x83: {  	_ =	shalt  }
0x84: {  	_ =	shalt  }
0x85: {  	_ =	shalt  }
0x86: {  	_ =	shalt  }
0x87: {  	_ =	shalt  }
.Lfunc_end0:
.L_simem_size_0:
called_computation.5_lowered:
.L_overlay_start_0:
0x88: {  	s2 =	sld [smem:$0x3FD9]  }
0x89: {  	s3 =	sld [smem:$0x3FFE];
	_ =	sdelay $0x1  }
0x8a: {  	s1 =	srdreg.scid  }
0x8b: {  	s0 =	sand.u32 $0x1, s1  }
0x8c: {  	s17 =	sshll.u32 s0, $0xA;
	s2 =	sadd.s32 s3, s2  }
0x8d: {  	s2 =	sadd.s32 s2, s17  }
0x8e: {  	[smem:$0x3FB5] =	sst s2  }
0x8f: {  	_ = 	snop  }
0x90: {  	(tm) =	ssettm $0x1  }
0x91: {  	s18 =	sld [smem:$0x3FFB];
	_ =	sdelay $0x3  }
0x92: {  	_ =	strace s18  }
0x93: {  	s2 =	sld [smem:$0x3FFC];
	_ =	sdelay $0x3  }
0x94: {  	_ =	strace s2  }
0x95: {  	s2 =	sld [smem:$0x3FFD];
	_ =	sdelay $0x3  }
0x96: {  	_ =	strace s2  }
0x97: {  	_ =	strace $0x8FFFFFFF  }
0x98: {  	s19 =	sld [smem:$0x3FDB];
	_ =	sdelay $0x1  }
0x99: {  	s20 =	simm.s32 $_scs_section_size  }
0x9a: {  	s4 =	simm.s32 $_size__tile_overlayer_lowered;
	s5 =	simm.s32 $_tile_overlayer_lowered  }
0x9b: {  	s6 =	simm.s32 $0x1BFF;
	s21 =	sshll.u32 s5, $0x1;
	s3 =	sadd.s32 s20, s19  }
0x9c: {  	s22 =	simm.s32 $0x0;
	s4 =	sshll.u32 s4, $0x1;
	s5 =	sadd.s32 s21, s3  }
0x9d: {  	[timem:s22], [sflag:s6] =	dma.local [hbm:s5], s4  }
0x9e: {  	_ =	swait.ge [sflag:s6], s4  }
0x9f: {  	s4 =	ssub.s32 $0x0, s4;
	[sflag:s6] =	ssyncset.done $0x0  }
0xa0: {  	[sflag:s6] =	ssyncadd.s32 s4;
	_ =	sdelay $0x1  }
0xa1: {  	s23 =	simm.s32 $0x1B8B  }
0xa2: {  	_ =	swait.ge [sflag:s23], $0x1  }
0xa3: {  	[sflag:s23] =	ssyncset.done $0x0  }
0xa4: {  	[sflag:s23] =	ssyncadd.s32 $0xFFFFFFFF  }
0xa5: {  	s4 =	sld [smem:$0x0]  }
0xa6: {  	s5 =	sand.u32 $0xFFFFFFFE, s1  }
0xa7: {  	p0 =	sne.s32 s1, s5  }
0xa8: {  	s5 =	sshll.u32 @p0 s5, $0xE  }
0xa9: {  	s5 =	sadd.s32 @p0 $0x11B8D, s5;
	s6 =	sshll.u32 @p0 s4, $0x11  }
0xaa: {  	s5 =	sor.u32 @p0 s6, s5  }
0xab: {  	[sflag:s5] =	ssyncadd.remote.s32 @p0 $0x1;
	_ =	sdelay $0x1  }
0xac: {  	s5 =	simm.s32 @p0 $0x1B8D  }
0xad: {  	_ =	swait.eq @p0 [sflag:s5], $0x1  }
0xae: {  	[sflag:s5] =	ssyncadd.s32 @p0 $0xFFFFFFFF  }
0xaf: {  	s6 =	sshll.u32 @!p0 s1, $0xE  }
0xb0: {  	s6 =	sor.u32 @!p0 $0x4000, s6;
	s5 =	simm.s32 @!p0 $0x1B8D  }
0xb1: {  	s4 =	sshll.u32 @!p0 s4, $0x11;
	s6 =	sadd.s32 @!p0 $0x11B8D, s6;
	_ =	swait.eq @!p0 [sflag:s5], $0x1  }
0xb2: {  	s4 =	sor.u32 @!p0 s4, s6;
	[sflag:s5] =	ssyncadd.s32 @!p0 $0xFFFFFFFF  }
0xb3: {  	s25 =	simm.s32 $0x1B8E;
	s24 =	sld [smem:$0x3FFE];
	[sflag:s4] =	ssyncadd.remote.s32 @!p0 $0x1  }
0xb4: {  	s26 =	simm.s32 $execute0_lowered;
	[smem:$0x3FD2] =	sst s25  }
0xb5: {  	s5 =	sshll.u32 s26, $0x1;
	_ =	strace $0x80000052;
	[dreg:$0x1] =	wrdreg $0xFFFFFFFF  }
0xb6: {  	s28 =	simm.s32 $_size_execute0_lowered;
	s3 =	sadd.s32 s3, s5;
	[dreg:$0x0] =	wrdreg $0x0  }
0xb7: {  	s5 =	sshll.u32 s28, $0x1;
	[dreg:$0x2] =	wrdreg s3  }
0xb8: {  	[dreg:$0x3] =	wrdreg s5  }
0xb9: {  	[dreg:$0x4] =	wrdreg $0xC0  }
0xba: {  	_ =	task [dreg:s22], $0x5FFFF  }
0xbb: {  	[dreg:$0x1] =	wrdreg $0xFFFFFFFF  }
0xbc: {  	[dreg:$0x0] =	wrdreg $0x60  }
0xbd: {  	[dreg:$0x2] =	wrdreg s24  }
0xbe: {  	[dreg:$0x3] =	wrdreg $0x90000  }
0xbf: {  	[dreg:$0x4] =	wrdreg $0xA  }
0xc0: {  	_ =	task.clear_ibuf [dreg:s22], $0x5FFFF;
	_ =	strace $0x90000052  }
0xc1: {  	s29 =	simm.s32 $0xA;
	_ =	strace $0x80000054  }
0xc2: {  	_ =	swait.ge [sflag:s29], $0x1  }
0xc3: {  	[sflag:s29] =	ssyncadd.s32 $0xFFFFFFFF  }
0xc4: {  	_ =	strace $0x90000054  }
0xc5: {  	_ =	sfence  }
0xc6: {  	s30 =	sld [smem:$0x0];
	_ =	sdelay $0x2  }
0xc7: {  	s31 =	sshll.u32 s1, $0xD;
	s1 =	sshrl.u32 s1, $0x2  }
0xc8: {  	s4 =	sand.u32 $0x4000, s31;
	s1 =	sadd.s32 s1, s30  }
0xc9: {  	s0 =	sor.u32 s4, s0;
	s1 =	sshll.u32 s1, $0x11  }
0xca: {  	s0 =	sor.u32 s1, s0  }
0xcb: {  	s0 =	sadd.s32 $0x8F2B, s0  }
0xcc: {  	[sflag:s0] =	ssyncadd.remote.s32 $0x1  }
0xcd: {  	_ =	sfence.sel $0xFFFF  }
0xce: {  	[dreg:$0x0] =	wrdreg $0xFFFFFFFF;
	(pc) =	sbr.abs _section_cstart, $3  }
0xcf: {  	[dreg:$0x1] =	wrdreg $0xFFFFFFFF  }
0xd0: {  	_ =	task.clear_ibuf [dreg:s22], $0x2FFFF;
	_ =	strace $0x9FFFFFFF  }
0xd1: {  	(tm) =	ssettm $0x7FFFFFFF  }
tec
execute0_lowered:
.L_overlay_start_1:
0x0: {  	(tag) =	ssettag $0x1  }
0x1: {  	s6 =	rddreg [dreg:$0x0]  }
0x2: {  	s0 =	srdreg.scid;
	s2 =	rddreg [dreg:$0x1]  }
0x3: {  	s3 =	simm.s32 $0x0;
	s5 =	sand.u32 $0x1, s0;
	s0 =	stileid.u32  }
0x4: {  	s14 =	simm.s32 $0x5000;
	s15 =	simm.s32 $0x1;
	s16 =	smul.u32 $0x2780, s0  }
0x5: {  	[smem:$0x7FF] =	sst s3;
	s1 =	sshll.u32 s5, $0x4;
	s8 =	smul.u32 $0x27800, s5  }
0x6: {  	s5 =	ssub.s32 $0x2, s5;
	s28 =	smul.u32 $0x4F000, s0;
	s31 =	sshll.u32 s0, $0x6  }
0x7: {  	s4 =	sor.u32 s0, s1;
	s1 =	rddreg [dreg:$0x2];
	_ =	strace $0x80000053  }
0x8: {  	s29 =	sshrl.u32 s5, $0x1;
	s7 =	smul.u32 $0x500, s4;
	s4 =	sadd.s32 $0x1B600, s6  }
0x9: {  	s10 =	sadd.s32 s16, s6;
	s11 =	sadd.s32 s8, s6;
	s30 =	sshrl.u32 s28, $0x2  }
0xa: {  	s12 =	ssub.s32 s5, s29;
	s13 =	sadd.s32 s30, s2;
	s5 =	sadd.s32 $0x42800, s10  }
0xb: {  	s17 =	sadd.s32 $0x143200, s11;
	s11 =	simm.s32 $0x2;
	s9 =	sadd.s32 s7, s6  }
0xc: {  	s6 =	sor.u32 $0x1C02, s31;
	s10 =	sshrl.u32 s13, $0x3;
	s13 =	simm.s32 $0x80  }
0xd: {  	s16 =	sadd.s32 s16, s17;
	s17 =	simm.s32 $0x0;
	s7 =	sadd.s32 $0x6E00, s9  }
0xe: {  	s8 =	sadd.s32 $0x10E00, s9;
	s9 =	smax.u32 s12, $0x1;
	s12 =	simm.s32 $0x2800  }
.LBB2_1:
0xf: {  	[spmem:s10], [sflag:s6] =	dma.local [hbm:s5], $0x2780  }
0x10: {  	_ =	swait.ge [sflag:s11], $0x2780  }
0x11: {  	[sflag:s11] =	ssyncset.done $0x0  }
0x12: {  	[sflag:s11] =	ssyncadd.s32 $0xFFFFD880  }
0x13: {  	[tilespmem:s3], [sflag:$0x2] =	stream.linear.gather [hbm4b:s7+s3], $0x2780, $0x38;
	[tilespmem:$0x1CC00] =	vst v63  }
0x14: {  	_ =	swait.ge [sflag:s11], $0x2780  }
0x15: {  	[sflag:s11] =	ssyncset.done $0x0  }
0x16: {  	[sflag:s11] =	ssyncadd.s32 $0xFFFFD880  }
0x17: {  	[tilespmem:s12], [sflag:$0x2] =	stream.linear.gather [hbm4b:s8+s3], $0x2780, $0x38;
	[tilespmem:$0x1CC00] =	vst v63  }
0x18: {  	_ =	swait.ge [sflag:s11], $0x2780  }
0x19: {  	[sflag:s11] =	ssyncset.done $0x0  }
0x1a: {  	[sflag:s11] =	ssyncadd.s32 $0xFFFFD880  }
0x1b: {  	s18 =	simm.s32 $0x0;
	[bflag:$0x0] =	sbarrier.arrive $0xFFFF  }
0x1c: {  	[tilespmem:s14], [sflag:$0x1] =	stream.indirect.gather [hbm4b:s4+s13], $0x80, s18, s13, $0xb8;
	[tilespmem:$0x1CC00] =	vst v63  }
0x1d: {  	_ =	swait.ge [sflag:s15], $0x4000  }
0x1e: {  	[sflag:s15] =	ssyncset.done $0x0  }
0x1f: {  	s31 =	simm.s32 $0x2800;
	[sflag:s15] =	ssyncadd.s32 $0xFFFFC000  }
0x20: {  	[spmem:s2] =	stream.indirect.scatter.add.f32 [tilespmem:s14], [sflag:$0x2], $0x80, s31, s13, $0xb8;
	[tilespmem:$0x1CC00] =	vst v63  }
0x21: {  	_ =	swait.ge [sflag:s11], $0x4000  }
0x22: {  	s19 =	simm.s32 $0x400;
	s18 =	simm.s32 $0x200;
	[sflag:s11] =	ssyncset.done $0x0  }
.LBB2_2:
0x23: {  	s20 =	sshra.s32 s18, $0x2  }
0x24: {  	[sflag:s11] =	ssyncadd.s32 $0xFFFFC000;
	s18 =	smov.u32 s19;
	s21 =	sadd.s32 $0x200, s19  }
0x25: {  	[tilespmem:s14], [sflag:$0x1] =	stream.indirect.gather [hbm4b:s4+s13], $0x80, s20, s13, $0xb8;
	[tilespmem:$0x1CC00] =	vst v63  }
0x26: {  	p0 =	sne.s32 s19, $0x9C00;
	_ =	swait.ge [sflag:s15], $0x4000  }
.Ltmp0:
0x27: {  	[sflag:s15] =	ssyncset.done $0x0;
	(pc) =	sbr.rel @p0 .LBB2_2-.Ltmp0, $4  }
0x28: {  	s19 =	sadd.s32 $0x2800, s20;
	[sflag:s15] =	ssyncadd.s32 $0xFFFFC000  }
0x29: {  	[spmem:s2] =	stream.indirect.scatter.add.f32 [tilespmem:s14], [sflag:$0x2], $0x80, s19, s13, $0xb8;
	[tilespmem:$0x1CC00] =	vst v63  }
0x2a: {  	_ =	swait.ge [sflag:s11], $0x4000  }
0x2b: {  	s19 =	smov.u32 s21;
	[sflag:s11] =	ssyncset.done $0x0  }
0x2c: {  	s18 =	sshra.s32 s18, $0x2;
	[sflag:s11] =	ssyncadd.s32 $0xFFFFC000  }
0x2d: {  	[tilespmem:s14], [sflag:$0x1] =	stream.indirect.gather [hbm4b:s4+s13], $0x80, s18, s13, $0xb8;
	[tilespmem:$0x1CC00] =	vst v63  }
0x2e: {  	_ =	swait.ge [sflag:s15], $0x4000  }
0x2f: {  	[sflag:s15] =	ssyncset.done $0x0  }
0x30: {  	s18 =	sadd.s32 $0x2800, s18;
	[sflag:s15] =	ssyncadd.s32 $0xFFFFC000  }
0x31: {  	[spmem:s2] =	stream.indirect.scatter.add.f32 [tilespmem:s14], [sflag:$0x2], $0x80, s18, s13, $0xb8;
	[tilespmem:$0x1CC00] =	vst v63  }
0x32: {  	_ =	swait.ge [sflag:s11], $0x4000  }
0x33: {  	s17 =	sadd.s32 $0x1, s17;
	[sflag:s11] =	ssyncset.done $0x0  }
0x34: {  	p0 =	sne.s32 s17, s9;
	[sflag:s11] =	ssyncadd.s32 $0xFFFFC000  }
.Ltmp1:
0x35: {  	[bflag:$0x0] =	sbarrier.arrive $0xFFFF;
	(pc) =	sbr.rel @p0 .LBB2_1-.Ltmp1, $4  }
0x36: {  	[hbm:s16], [sflag:s6] =	dma.local [spmem:s10], $0x2780  }
0x37: {  	_ =	swait.ge [sflag:s11], $0x2780  }
0x38: {  	[sflag:s11] =	ssyncset.done $0x0  }
0x39: {  	[sflag:s11] =	ssyncadd.s32 $0xFFFFD880  }
0x3a: {  	_ =	sfence.sel $0x180000  }
0x3b: {  	[bflag:$0x0] =	sbarrier.arrive $0xFFFF  }
0x3c: {  	p0 =	sne.s32 s0, $0x0;
	_ =	strace $0x90000053  }
0x3d: {  	s0 =	sadd.s32 @!p0 $0x100000, s1;
	[bflag:$0x2] =	sbarrier.arrive $0xFFFF  }
0x3e: {  	[sflag:s0] =	ssyncadd.tile.s32 @!p0 $0x1;
	_ =	shalt  }
.Lfunc_end2:
_tile_overlayer_lowered:
.L_overlay_start_2:
0x3f: {  	(tag) =	ssettag $0x2  }
0x40: {  	s0 =	rddreg [dreg:$0x0];
	s2 =	stileid.u32  }
0x41: {  	s1 =	rddreg [dreg:$0x1];
	p0 =	sne.s32 s2, $0x0  }
0x42: {  	s3 =	rddreg [dreg:$0x2];
	[bflag:$0x3] =	sbarrier.arrive $0xFFFF;
	s2 =	simm.s32 @!p0 $0x1C02  }
0x43: {  	[timem:s3], [sflag:s2] =	dma.local @!p0 [hbm:s0], s1  }
0x44: {  	s0 =	simm.s32 @!p0 $0x2  }
0x45: {  	_ =	swait.ge @!p0 [sflag:s0], s1  }
0x46: {  	s1 =	ssub.s32 @!p0 $0x0, s1;
	[sflag:s0] =	ssyncset.done @!p0 $0x0  }
0x47: {  	[sflag:s0] =	ssyncadd.s32 @!p0 s1  }
0x48: {  	[bflag:$0x3] =	sbarrier.arrive $0xFFFF  }
0x49: {  	_ =	shalt  }

</sc_bundles>
